<compile_context>
chip_gen: v7x
topology: tpu7x:2x2x1
jax: 0.10.2.dev20260603
libtpu: 0.0.44.dev20260713+nightly
codegen_flags: <defaults>
</compile_context>

<pallas_src>
import functools

import jax
import jax.numpy as jnp
from jax import lax
from jax.experimental import pallas as pl
from jax.experimental.pallas import tpu as pltpu
from jax.experimental.pallas import tpu_sc as plsc

NC, NS, L = 2, 16, 16
NW = NC * NS
ROWS, COLS = 16384, 200
TR, TC_ = COLS, ROWS
TROWS = TR // 8

_mesh = plsc.VectorSubcoreMesh(
    core_axis_name="c", subcore_axis_name="s", num_cores=NC, num_subcores=NS
)


SC_COLS = 6144
NBUF = 4
CW = 1024
CPR = SC_COLS // CW
ITEMS = TROWS * CPR
IPW = (ITEMS + NW - 1) // NW
VPC = CW // L


def _wmse_body(
    preds_hbm, target_hbm, weight_hbm, out_hbm,
    pb0, pb1, pb2, pb3, tb0, tb1, tb2, tb3, wv, ov,
    ps0, ps1, ps2, ps3, ts0, ts1, ts2, ts3,
):
    wid = lax.axis_index("s") * NC + lax.axis_index("c")
    pltpu.sync_copy(weight_hbm, wv)
    wreg = wv[...]

    pbufs, tbufs = (pb0, pb1, pb2, pb3), (tb0, tb1, tb2, tb3)
    psems, tsems = (ps0, ps1, ps2, ps3), (ts0, ts1, ts2, ts3)

    def start(k):
        item = jnp.minimum(wid + NW * k, ITEMS - 1)
        rows = pl.ds((item // CPR) * 8, 8)
        cols = pl.ds((item % CPR) * CW, CW)
        b = k % NBUF
        cp = pltpu.async_copy(preds_hbm.at[rows, cols], pbufs[b], psems[b])
        ct = pltpu.async_copy(target_hbm.at[rows, cols], tbufs[b], tsems[b])
        return cp, ct

    def compute(pb, tb, accs, valid):
        @plsc.parallel_loop(
            0, VPC, carry=tuple(jnp.zeros((L,), jnp.float32) for _ in range(8)),
            unroll=2,
        )
        def sub(v, sub_accs):
            out = []
            for r in range(8):
                t = tb[r, pl.ds(v * L, L)]
                p = pb[r, pl.ds(v * L, L)]
                w = jnp.take_along_axis(wreg, t, axis=0)
                d = p - t.astype(jnp.float32)
                out.append(sub_accs[r] + w * d * d)
            return tuple(out)

        zero = jnp.zeros((L,), jnp.float32)
        return tuple(
            accs[r] + jnp.where(valid, sub[r], zero) for r in range(8)
        )

    accs = tuple(jnp.zeros((L,), jnp.float32) for _ in range(8))
    inflight = [start(k) for k in range(NBUF - 1)]
    for k in range(IPW):
        if k + NBUF - 1 < IPW:
            inflight.append(start(k + NBUF - 1))
        cp, ct = inflight.pop(0)
        cp.wait()
        ct.wait()
        valid = wid + NW * k < ITEMS
        accs = compute(pbufs[k % NBUF], tbufs[k % NBUF], accs, valid)

    acc = accs[0]
    for r in range(1, 8):
        acc = acc + accs[r]
    ov[...] = acc
    pltpu.sync_copy(ov, out_hbm.at[wid])


_wmse_sc = functools.partial(
    pl.kernel,
    out_type=jax.ShapeDtypeStruct((NW, L), jnp.float32),
    mesh=_mesh,
    scratch_types=(
        [pltpu.VMEM((8, CW), jnp.float32) for _ in range(NBUF)]
        + [pltpu.VMEM((8, CW), jnp.int32) for _ in range(NBUF)]
        + [
            pltpu.VMEM((L,), jnp.float32),
            pltpu.VMEM((L,), jnp.float32),
        ]
        + [pltpu.SemaphoreType.DMA for _ in range(2 * NBUF)]
    ),
    compiler_params=pltpu.CompilerParams(use_tc_tiling_on_sc=True),
)(_wmse_body)


BLK = 2048
TC_OFF = SC_COLS // BLK
TCBLKS = (TC_ - SC_COLS) // BLK


def _tc_body(wref, pref, tref, oref):
    t = tref[...]
    p = pref[...]
    wl = jnp.zeros_like(p)
    for i in range(10):
        wl = jnp.where(t == i, wref[0, i], wl)
    d = p - t.astype(jnp.float32)
    s = jnp.sum(wl * d * d)

    @pl.when(pl.program_id(0) == 0)
    def _init():
        oref[0, 0] = 0.0

    oref[0, 0] += s


_wmse_tc = pl.pallas_call(
    _tc_body,
    grid=(TCBLKS,),
    in_specs=[
        pl.BlockSpec(memory_space=pltpu.SMEM),
        pl.BlockSpec((TR, BLK), lambda i: (0, i + TC_OFF)),
        pl.BlockSpec((TR, BLK), lambda i: (0, i + TC_OFF)),
    ],
    out_specs=pl.BlockSpec(memory_space=pltpu.SMEM),
    out_shape=jax.ShapeDtypeStruct((1, 1), jnp.float32),
)


def kernel(preds, target, weight):
    pt = preds.T
    tt = target.astype(jnp.int32).T
    wpad = jnp.concatenate(
        [weight.astype(jnp.float32), jnp.zeros((L - weight.shape[0],), jnp.float32)]
    )
    partials = _wmse_sc(pt, tt, wpad)
    tc_sum = _wmse_tc(wpad.reshape(1, L), pt, tt)
    return (jnp.sum(partials) + tc_sum[0, 0]) / ROWS

# --- scband reference (transcript-rebuilt; emitter-appended) ---
"""Pipeline reference for scband-weighted-mseloss-35124242547004 (READ-ONLY COPY).

The authoritative reference and input builder live on the scoring server;
editing this copy changes nothing except your own understanding.
"""

import jax, jax.numpy as jnp
import numpy as np

NUM_CLASSES = 10

def setup_inputs(seed: int = 0) -> dict:
    key = jax.random.key(seed)
    k1, k2 = jax.random.split(key)
    preds = jax.random.normal(k1, (16384, 200), dtype=jnp.float32)
    target = jax.random.randint(k2, (16384, 200), 0, NUM_CLASSES, dtype=jnp.int64 if jax.config.jax_enable_x64 else jnp.int32)
    weight = jnp.asarray([0.5, 1.0, 2.0, 1.5, 0.8, 1.2, 0.9, 1.1, 0.7, 1.3], dtype=jnp.float32)
    return {"preds": preds, "target": target, "weight": weight}

def reference(preds, target, weight):
    # Faithful translation of the class-indexed weighted MSE:
    #   weight_list[target == i] = weight[i] for each class i
    weight_list = jnp.zeros(target.shape, dtype=jnp.float32)
    for i in range(weight.shape[0]):
        weight_list = jnp.where(target == i, weight[i], weight_list)
    diff = preds - target.astype(jnp.float32)
    return jnp.sum(weight_list * diff * diff) / target.shape[0]

if __name__ == "__main__":
    import jax
    _d = setup_inputs()
    print(jax.jit(kernel)(*tuple(_d.values())))

</pallas_src>

<mosaic_0001>
#map = affine_map<(d0, d1) -> (0, 0)>
#map1 = affine_map<(d0, d1) -> (0)>
module attributes {stable_mosaic.version = 14 : i64} {
  func.func @_wmse_body(%arg0: i32, %arg1: i32, %arg2: memref<200x16384xf32, #tpu.memory_space<hbm>>, %arg3: memref<200x16384xi32, #tpu.memory_space<hbm>>, %arg4: memref<16xf32, #tpu.memory_space<hbm>>, %arg5: memref<32x16xf32, #tpu.memory_space<hbm>>, %arg6: memref<8x1024xf32, #tpu.memory_space<vmem>>, %arg7: memref<8x1024xf32, #tpu.memory_space<vmem>>, %arg8: memref<8x1024xf32, #tpu.memory_space<vmem>>, %arg9: memref<8x1024xf32, #tpu.memory_space<vmem>>, %arg10: memref<8x1024xi32, #tpu.memory_space<vmem>>, %arg11: memref<8x1024xi32, #tpu.memory_space<vmem>>, %arg12: memref<8x1024xi32, #tpu.memory_space<vmem>>, %arg13: memref<8x1024xi32, #tpu.memory_space<vmem>>, %arg14: memref<16xf32, #tpu.memory_space<vmem>>, %arg15: memref<16xf32, #tpu.memory_space<vmem>>, %arg16: memref<!tpu.dma_semaphore, #tpu.memory_space<semaphore_mem>>, %arg17: memref<!tpu.dma_semaphore, #tpu.memory_space<semaphore_mem>>, %arg18: memref<!tpu.dma_semaphore, #tpu.memory_space<semaphore_mem>>, %arg19: memref<!tpu.dma_semaphore, #tpu.memory_space<semaphore_mem>>, %arg20: memref<!tpu.dma_semaphore, #tpu.memory_space<semaphore_mem>>, %arg21: memref<!tpu.dma_semaphore, #tpu.memory_space<semaphore_mem>>, %arg22: memref<!tpu.dma_semaphore, #tpu.memory_space<semaphore_mem>>, %arg23: memref<!tpu.dma_semaphore, #tpu.memory_space<semaphore_mem>>) attributes {dimension_semantics = [#tpu.dimension_semantics<core_parallel>, #tpu.dimension_semantics<subcore_parallel>], iteration_bounds = array<i64: 2, 16>, scalar_prefetch = 0 : i64, scratch_operands = 18 : i64, tpu.core_type = #tpu.core_type<sc_vector_subcore>, window_params = [{transform_indices = #map}, {transform_indices = #map}, {transform_indices = #map1}, {transform_indices = #map}]} {
    %mul3A = arith.constant 2 : i32
    %mul3A_0 = arith.muli %arg1, %mul3A : i32
    %add3A = arith.addi %mul3A_0, %arg0 : i32
    "tpu.region"() ({
      %run_scoped3A = tpu.sem_alloc : memref<!tpu.dma_semaphore, #tpu.memory_space<semaphore_mem>>
      tpu.enqueue_dma source(%arg4 : memref<16xf32, #tpu.memory_space<hbm>>) target(%arg14 : memref<16xf32, #tpu.memory_space<vmem>>) target_semaphore(%run_scoped3A : memref<!tpu.dma_semaphore, #tpu.memory_space<semaphore_mem>>)
      tpu.wait_dma2 semaphore(%run_scoped3A : memref<!tpu.dma_semaphore, #tpu.memory_space<semaphore_mem>>) src(%arg4 : memref<16xf32, #tpu.memory_space<hbm>>) dst(%arg14 : memref<16xf32, #tpu.memory_space<vmem>>)
      tpu.yield
    }) : () -> ()
    %get3A = arith.constant 0 : index
    %get3A_1 = tpu.vector_load %arg14[%get3A] {strides = array<i32>} : memref<16xf32, #tpu.memory_space<vmem>>, vector<16xf32>,
    %get3A_2 = vector.shape_cast %get3A_1 : vector<16xf32> to vector<16xf32>
    %broadcast_in_dim3A = arith.constant 0.000000e+00 : f32
    %broadcast_in_dim3A_3 = vector.broadcast %broadcast_in_dim3A : f32 to vector<16xf32>
    %broadcast_in_dim3A_4 = arith.constant 0.000000e+00 : f32
    %broadcast_in_dim3A_5 = vector.broadcast %broadcast_in_dim3A_4 : f32 to vector<16xf32>
    %broadcast_in_dim3A_6 = arith.constant 0.000000e+00 : f32
    %broadcast_in_dim3A_7 = vector.broadcast %broadcast_in_dim3A_6 : f32 to vector<16xf32>
    %broadcast_in_dim3A_8 = arith.constant 0.000000e+00 : f32
    %broadcast_in_dim3A_9 = vector.broadcast %broadcast_in_dim3A_8 : f32 to vector<16xf32>
    %broadcast_in_dim3A_10 = arith.constant 0.000000e+00 : f32
    %broadcast_in_dim3A_11 = vector.broadcast %broadcast_in_dim3A_10 : f32 to vector<16xf32>
    %broadcast_in_dim3A_12 = arith.constant 0.000000e+00 : f32
    %broadcast_in_dim3A_13 = vector.broadcast %broadcast_in_dim3A_12 : f32 to vector<16xf32>
    %broadcast_in_dim3A_14 = arith.constant 0.000000e+00 : f32
    %broadcast_in_dim3A_15 = vector.broadcast %broadcast_in_dim3A_14 : f32 to vector<16xf32>
    %broadcast_in_dim3A_16 = arith.constant 0.000000e+00 : f32
    %broadcast_in_dim3A_17 = vector.broadcast %broadcast_in_dim3A_16 : f32 to vector<16xf32>
    %add3A_18 = arith.constant 0 : i32
    %add3A_19 = arith.addi %add3A, %add3A_18 : i32
    %min3A = arith.constant 149 : i32
    %min3A_20 = arith.minsi %add3A_19, %min3A : i32
    %jit3A = arith.constant 6 : i32
    %div3A = arith.divsi %min3A_20, %jit3A : i32
    %sign3A = arith.constant 0 : i32
    %sign3A_21 = arith.cmpi sgt, %min3A_20, %sign3A : i32
    %sign3A_22 = arith.extui %sign3A_21 : i1 to i32
    %sign3A_23 = arith.constant 0 : i32
    %sign3A_24 = arith.cmpi slt, %min3A_20, %sign3A_23 : i32
    %sign3A_25 = arith.extui %sign3A_24 : i1 to i32
    %sign3A_26 = arith.subi %sign3A_22, %sign3A_25 : i32
    %sign3A_27 = arith.constant 0 : i32
    %sign3A_28 = arith.cmpi sgt, %jit3A, %sign3A_27 : i32
    %sign3A_29 = arith.extui %sign3A_28 : i1 to i32
    %sign3A_30 = arith.constant 0 : i32
    %sign3A_31 = arith.cmpi slt, %jit3A, %sign3A_30 : i32
    %sign3A_32 = arith.extui %sign3A_31 : i1 to i32
    %sign3A_33 = arith.subi %sign3A_29, %sign3A_32 : i32
    %ne3A = arith.cmpi ne, %sign3A_26, %sign3A_33 : i32
    %rem3A = arith.remsi %min3A_20, %jit3A : i32
    %ne3A_34 = arith.constant 0 : i32
    %ne3A_35 = arith.cmpi ne, %rem3A, %ne3A_34 : i32
    %and3A = arith.andi %ne3A, %ne3A_35 : i1
    %sub3A = arith.constant 1 : i32
    %sub3A_36 = arith.subi %div3A, %sub3A : i32
    %select_n3A = arith.select %and3A, %sub3A_36, %div3A : i32
    %mul3A_37 = arith.constant 8 : i32
    %mul3A_38 = arith.muli %select_n3A, %mul3A_37 : i32
    %jit3A_39 = arith.constant 6 : i32
    %eq3A = arith.constant 0 : i32
    %eq3A_40 = arith.cmpi eq, %jit3A_39, %eq3A : i32
    %jit3A_41 = arith.constant 1 : i32
    %select_n3A_42 = arith.select %eq3A_40, %jit3A_41, %jit3A_39 : i32
    %rem3A_43 = arith.remsi %min3A_20, %select_n3A_42 : i32
    %ne3A_44 = arith.constant 0 : i32
    %ne3A_45 = arith.cmpi ne, %rem3A_43, %ne3A_44 : i32
    %lt3A = arith.constant 0 : i32
    %lt3A_46 = arith.cmpi slt, %rem3A_43, %lt3A : i32
    %lt3A_47 = arith.constant 0 : i32
    %lt3A_48 = arith.cmpi slt, %select_n3A_42, %lt3A_47 : i32
    %ne3A_49 = arith.xori %lt3A_46, %lt3A_48 : i1
    %and3A_50 = arith.andi %ne3A_49, %ne3A_45 : i1
    %add3A_51 = arith.addi %rem3A_43, %select_n3A_42 : i32
    %select_n3A_52 = arith.select %and3A_50, %add3A_51, %rem3A_43 : i32
    %mul3A_53 = arith.constant 1024 : i32
    %mul3A_54 = arith.muli %select_n3A_52, %mul3A_53 : i32
    %dma_start3A = tpu.memref_slice %arg2[%mul3A_38, %mul3A_54] : memref<200x16384xf32, #tpu.memory_space<hbm>> -> memref<8x1024xf32, #tpu.memory_space<hbm>>
    %dma_start3A_55 = tpu.memref_slice %arg2[%mul3A_38, %mul3A_54] : memref<200x16384xf32, #tpu.memory_space<hbm>> -> memref<8x1024xf32, #tpu.memory_space<hbm>>
    tpu.enqueue_dma source(%dma_start3A_55 : memref<8x1024xf32, #tpu.memory_space<hbm>>) target(%arg6 : memref<8x1024xf32, #tpu.memory_space<vmem>>) target_semaphore(%arg16 : memref<!tpu.dma_semaphore, #tpu.memory_space<semaphore_mem>>)
    %dma_start3A_56 = tpu.memref_slice %arg3[%mul3A_38, %mul3A_54] : memref<200x16384xi32, #tpu.memory_space<hbm>> -> memref<8x1024xi32, #tpu.memory_space<hbm>>
    %dma_start3A_57 = tpu.memref_slice %arg3[%mul3A_38, %mul3A_54] : memref<200x16384xi32, #tpu.memory_space<hbm>> -> memref<8x1024xi32, #tpu.memory_space<hbm>>
    tpu.enqueue_dma source(%dma_start3A_57 : memref<8x1024xi32, #tpu.memory_space<hbm>>) target(%arg10 : memref<8x1024xi32, #tpu.memory_space<vmem>>) target_semaphore(%arg20 : memref<!tpu.dma_semaphore, #tpu.memory_space<semaphore_mem>>)
    %add3A_58 = arith.constant 32 : i32
    %add3A_59 = arith.addi %add3A, %add3A_58 : i32
    %min3A_60 = arith.constant 149 : i32
    %min3A_61 = arith.minsi %add3A_59, %min3A_60 : i32
    %jit3A_62 = arith.constant 6 : i32
    %div3A_63 = arith.divsi %min3A_61, %jit3A_62 : i32
    %sign3A_64 = arith.constant 0 : i32
    %sign3A_65 = arith.cmpi sgt, %min3A_61, %sign3A_64 : i32
    %sign3A_66 = arith.extui %sign3A_65 : i1 to i32
    %sign3A_67 = arith.constant 0 : i32
    %sign3A_68 = arith.cmpi slt, %min3A_61, %sign3A_67 : i32
    %sign3A_69 = arith.extui %sign3A_68 : i1 to i32
    %sign3A_70 = arith.subi %sign3A_66, %sign3A_69 : i32
    %sign3A_71 = arith.constant 0 : i32
    %sign3A_72 = arith.cmpi sgt, %jit3A_62, %sign3A_71 : i32
    %sign3A_73 = arith.extui %sign3A_72 : i1 to i32
    %sign3A_74 = arith.constant 0 : i32
    %sign3A_75 = arith.cmpi slt, %jit3A_62, %sign3A_74 : i32
    %sign3A_76 = arith.extui %sign3A_75 : i1 to i32
    %sign3A_77 = arith.subi %sign3A_73, %sign3A_76 : i32
    %ne3A_78 = arith.cmpi ne, %sign3A_70, %sign3A_77 : i32
    %rem3A_79 = arith.remsi %min3A_61, %jit3A_62 : i32
    %ne3A_80 = arith.constant 0 : i32
    %ne3A_81 = arith.cmpi ne, %rem3A_79, %ne3A_80 : i32
    %and3A_82 = arith.andi %ne3A_78, %ne3A_81 : i1
    %sub3A_83 = arith.constant 1 : i32
    %sub3A_84 = arith.subi %div3A_63, %sub3A_83 : i32
    %select_n3A_85 = arith.select %and3A_82, %sub3A_84, %div3A_63 : i32
    %mul3A_86 = arith.constant 8 : i32
    %mul3A_87 = arith.muli %select_n3A_85, %mul3A_86 : i32
    %jit3A_88 = arith.constant 6 : i32
    %eq3A_89 = arith.constant 0 : i32
    %eq3A_90 = arith.cmpi eq, %jit3A_88, %eq3A_89 : i32
    %jit3A_91 = arith.constant 1 : i32
    %select_n3A_92 = arith.select %eq3A_90, %jit3A_91, %jit3A_88 : i32
    %rem3A_93 = arith.remsi %min3A_61, %select_n3A_92 : i32
    %ne3A_94 = arith.constant 0 : i32
    %ne3A_95 = arith.cmpi ne, %rem3A_93, %ne3A_94 : i32
    %lt3A_96 = arith.constant 0 : i32
    %lt3A_97 = arith.cmpi slt, %rem3A_93, %lt3A_96 : i32
    %lt3A_98 = arith.constant 0 : i32
    %lt3A_99 = arith.cmpi slt, %select_n3A_92, %lt3A_98 : i32
    %ne3A_100 = arith.xori %lt3A_97, %lt3A_99 : i1
    %and3A_101 = arith.andi %ne3A_100, %ne3A_95 : i1
    %add3A_102 = arith.addi %rem3A_93, %select_n3A_92 : i32
    %select_n3A_103 = arith.select %and3A_101, %add3A_102, %rem3A_93 : i32
    %mul3A_104 = arith.constant 1024 : i32
    %mul3A_105 = arith.muli %select_n3A_103, %mul3A_104 : i32
    %dma_start3A_106 = tpu.memref_slice %arg2[%mul3A_87, %mul3A_105] : memref<200x16384xf32, #tpu.memory_space<hbm>> -> memref<8x1024xf32, #tpu.memory_space<hbm>>
    %dma_start3A_107 = tpu.memref_slice %arg2[%mul3A_87, %mul3A_105] : memref<200x16384xf32, #tpu.memory_space<hbm>> -> memref<8x1024xf32, #tpu.memory_space<hbm>>
    tpu.enqueue_dma source(%dma_start3A_107 : memref<8x1024xf32, #tpu.memory_space<hbm>>) target(%arg7 : memref<8x1024xf32, #tpu.memory_space<vmem>>) target_semaphore(%arg17 : memref<!tpu.dma_semaphore, #tpu.memory_space<semaphore_mem>>)
    %dma_start3A_108 = tpu.memref_slice %arg3[%mul3A_87, %mul3A_105] : memref<200x16384xi32, #tpu.memory_space<hbm>> -> memref<8x1024xi32, #tpu.memory_space<hbm>>
    %dma_start3A_109 = tpu.memref_slice %arg3[%mul3A_87, %mul3A_105] : memref<200x16384xi32, #tpu.memory_space<hbm>> -> memref<8x1024xi32, #tpu.memory_space<hbm>>
    tpu.enqueue_dma source(%dma_start3A_109 : memref<8x1024xi32, #tpu.memory_space<hbm>>) target(%arg11 : memref<8x1024xi32, #tpu.memory_space<vmem>>) target_semaphore(%arg21 : memref<!tpu.dma_semaphore, #tpu.memory_space<semaphore_mem>>)
    %add3A_110 = arith.constant 64 : i32
    %add3A_111 = arith.addi %add3A, %add3A_110 : i32
    %min3A_112 = arith.constant 149 : i32
    %min3A_113 = arith.minsi %add3A_111, %min3A_112 : i32
    %jit3A_114 = arith.constant 6 : i32
    %div3A_115 = arith.divsi %min3A_113, %jit3A_114 : i32
    %sign3A_116 = arith.constant 0 : i32
    %sign3A_117 = arith.cmpi sgt, %min3A_113, %sign3A_116 : i32
    %sign3A_118 = arith.extui %sign3A_117 : i1 to i32
    %sign3A_119 = arith.constant 0 : i32
    %sign3A_120 = arith.cmpi slt, %min3A_113, %sign3A_119 : i32
    %sign3A_121 = arith.extui %sign3A_120 : i1 to i32
    %sign3A_122 = arith.subi %sign3A_118, %sign3A_121 : i32
    %sign3A_123 = arith.constant 0 : i32
    %sign3A_124 = arith.cmpi sgt, %jit3A_114, %sign3A_123 : i32
    %sign3A_125 = arith.extui %sign3A_124 : i1 to i32
    %sign3A_126 = arith.constant 0 : i32
    %sign3A_127 = arith.cmpi slt, %jit3A_114, %sign3A_126 : i32
    %sign3A_128 = arith.extui %sign3A_127 : i1 to i32
    %sign3A_129 = arith.subi %sign3A_125, %sign3A_128 : i32
    %ne3A_130 = arith.cmpi ne, %sign3A_122, %sign3A_129 : i32
    %rem3A_131 = arith.remsi %min3A_113, %jit3A_114 : i32
    %ne3A_132 = arith.constant 0 : i32
    %ne3A_133 = arith.cmpi ne, %rem3A_131, %ne3A_132 : i32
    %and3A_134 = arith.andi %ne3A_130, %ne3A_133 : i1
    %sub3A_135 = arith.constant 1 : i32
    %sub3A_136 = arith.subi %div3A_115, %sub3A_135 : i32
    %select_n3A_137 = arith.select %and3A_134, %sub3A_136, %div3A_115 : i32
    %mul3A_138 = arith.constant 8 : i32
    %mul3A_139 = arith.muli %select_n3A_137, %mul3A_138 : i32
    %jit3A_140 = arith.constant 6 : i32
    %eq3A_141 = arith.constant 0 : i32
    %eq3A_142 = arith.cmpi eq, %jit3A_140, %eq3A_141 : i32
    %jit3A_143 = arith.constant 1 : i32
    %select_n3A_144 = arith.select %eq3A_142, %jit3A_143, %jit3A_140 : i32
    %rem3A_145 = arith.remsi %min3A_113, %select_n3A_144 : i32
    %ne3A_146 = arith.constant 0 : i32
    %ne3A_147 = arith.cmpi ne, %rem3A_145, %ne3A_146 : i32
    %lt3A_148 = arith.constant 0 : i32
    %lt3A_149 = arith.cmpi slt, %rem3A_145, %lt3A_148 : i32
    %lt3A_150 = arith.constant 0 : i32
    %lt3A_151 = arith.cmpi slt, %select_n3A_144, %lt3A_150 : i32
    %ne3A_152 = arith.xori %lt3A_149, %lt3A_151 : i1
    %and3A_153 = arith.andi %ne3A_152, %ne3A_147 : i1
    %add3A_154 = arith.addi %rem3A_145, %select_n3A_144 : i32
    %select_n3A_155 = arith.select %and3A_153, %add3A_154, %rem3A_145 : i32
    %mul3A_156 = arith.constant 1024 : i32
    %mul3A_157 = arith.muli %select_n3A_155, %mul3A_156 : i32
    %dma_start3A_158 = tpu.memref_slice %arg2[%mul3A_139, %mul3A_157] : memref<200x16384xf32, #tpu.memory_space<hbm>> -> memref<8x1024xf32, #tpu.memory_space<hbm>>
    %dma_start3A_159 = tpu.memref_slice %arg2[%mul3A_139, %mul3A_157] : memref<200x16384xf32, #tpu.memory_space<hbm>> -> memref<8x1024xf32, #tpu.memory_space<hbm>>
    tpu.enqueue_dma source(%dma_start3A_159 : memref<8x1024xf32, #tpu.memory_space<hbm>>) target(%arg8 : memref<8x1024xf32, #tpu.memory_space<vmem>>) target_semaphore(%arg18 : memref<!tpu.dma_semaphore, #tpu.memory_space<semaphore_mem>>)
    %dma_start3A_160 = tpu.memref_slice %arg3[%mul3A_139, %mul3A_157] : memref<200x16384xi32, #tpu.memory_space<hbm>> -> memref<8x1024xi32, #tpu.memory_space<hbm>>
    %dma_start3A_161 = tpu.memref_slice %arg3[%mul3A_139, %mul3A_157] : memref<200x16384xi32, #tpu.memory_space<hbm>> -> memref<8x1024xi32, #tpu.memory_space<hbm>>
    tpu.enqueue_dma source(%dma_start3A_161 : memref<8x1024xi32, #tpu.memory_space<hbm>>) target(%arg12 : memref<8x1024xi32, #tpu.memory_space<vmem>>) target_semaphore(%arg22 : memref<!tpu.dma_semaphore, #tpu.memory_space<semaphore_mem>>)
    %add3A_162 = arith.constant 96 : i32
    %add3A_163 = arith.addi %add3A, %add3A_162 : i32
    %min3A_164 = arith.constant 149 : i32
    %min3A_165 = arith.minsi %add3A_163, %min3A_164 : i32
    %jit3A_166 = arith.constant 6 : i32
    %div3A_167 = arith.divsi %min3A_165, %jit3A_166 : i32
    %sign3A_168 = arith.constant 0 : i32
    %sign3A_169 = arith.cmpi sgt, %min3A_165, %sign3A_168 : i32
    %sign3A_170 = arith.extui %sign3A_169 : i1 to i32
    %sign3A_171 = arith.constant 0 : i32
    %sign3A_172 = arith.cmpi slt, %min3A_165, %sign3A_171 : i32
    %sign3A_173 = arith.extui %sign3A_172 : i1 to i32
    %sign3A_174 = arith.subi %sign3A_170, %sign3A_173 : i32
    %sign3A_175 = arith.constant 0 : i32
    %sign3A_176 = arith.cmpi sgt, %jit3A_166, %sign3A_175 : i32
    %sign3A_177 = arith.extui %sign3A_176 : i1 to i32
    %sign3A_178 = arith.constant 0 : i32
    %sign3A_179 = arith.cmpi slt, %jit3A_166, %sign3A_178 : i32
    %sign3A_180 = arith.extui %sign3A_179 : i1 to i32
    %sign3A_181 = arith.subi %sign3A_177, %sign3A_180 : i32
    %ne3A_182 = arith.cmpi ne, %sign3A_174, %sign3A_181 : i32
    %rem3A_183 = arith.remsi %min3A_165, %jit3A_166 : i32
    %ne3A_184 = arith.constant 0 : i32
    %ne3A_185 = arith.cmpi ne, %rem3A_183, %ne3A_184 : i32
    %and3A_186 = arith.andi %ne3A_182, %ne3A_185 : i1
    %sub3A_187 = arith.constant 1 : i32
    %sub3A_188 = arith.subi %div3A_167, %sub3A_187 : i32
    %select_n3A_189 = arith.select %and3A_186, %sub3A_188, %div3A_167 : i32
    %mul3A_190 = arith.constant 8 : i32
    %mul3A_191 = arith.muli %select_n3A_189, %mul3A_190 : i32
    %jit3A_192 = arith.constant 6 : i32
    %eq3A_193 = arith.constant 0 : i32
    %eq3A_194 = arith.cmpi eq, %jit3A_192, %eq3A_193 : i32
    %jit3A_195 = arith.constant 1 : i32
    %select_n3A_196 = arith.select %eq3A_194, %jit3A_195, %jit3A_192 : i32
    %rem3A_197 = arith.remsi %min3A_165, %select_n3A_196 : i32
    %ne3A_198 = arith.constant 0 : i32
    %ne3A_199 = arith.cmpi ne, %rem3A_197, %ne3A_198 : i32
    %lt3A_200 = arith.constant 0 : i32
    %lt3A_201 = arith.cmpi slt, %rem3A_197, %lt3A_200 : i32
    %lt3A_202 = arith.constant 0 : i32
    %lt3A_203 = arith.cmpi slt, %select_n3A_196, %lt3A_202 : i32
    %ne3A_204 = arith.xori %lt3A_201, %lt3A_203 : i1
    %and3A_205 = arith.andi %ne3A_204, %ne3A_199 : i1
    %add3A_206 = arith.addi %rem3A_197, %select_n3A_196 : i32
    %select_n3A_207 = arith.select %and3A_205, %add3A_206, %rem3A_197 : i32
    %mul3A_208 = arith.constant 1024 : i32
    %mul3A_209 = arith.muli %select_n3A_207, %mul3A_208 : i32
    %dma_start3A_210 = tpu.memref_slice %arg2[%mul3A_191, %mul3A_209] : memref<200x16384xf32, #tpu.memory_space<hbm>> -> memref<8x1024xf32, #tpu.memory_space<hbm>>
    %dma_start3A_211 = tpu.memref_slice %arg2[%mul3A_191, %mul3A_209] : memref<200x16384xf32, #tpu.memory_space<hbm>> -> memref<8x1024xf32, #tpu.memory_space<hbm>>
    tpu.enqueue_dma source(%dma_start3A_211 : memref<8x1024xf32, #tpu.memory_space<hbm>>) target(%arg9 : memref<8x1024xf32, #tpu.memory_space<vmem>>) target_semaphore(%arg19 : memref<!tpu.dma_semaphore, #tpu.memory_space<semaphore_mem>>)
    %dma_start3A_212 = tpu.memref_slice %arg3[%mul3A_191, %mul3A_209] : memref<200x16384xi32, #tpu.memory_space<hbm>> -> memref<8x1024xi32, #tpu.memory_space<hbm>>
    %dma_start3A_213 = tpu.memref_slice %arg3[%mul3A_191, %mul3A_209] : memref<200x16384xi32, #tpu.memory_space<hbm>> -> memref<8x1024xi32, #tpu.memory_space<hbm>>
    tpu.enqueue_dma source(%dma_start3A_213 : memref<8x1024xi32, #tpu.memory_space<hbm>>) target(%arg13 : memref<8x1024xi32, #tpu.memory_space<vmem>>) target_semaphore(%arg23 : memref<!tpu.dma_semaphore, #tpu.memory_space<semaphore_mem>>)
    %dma_wait3A = tpu.memref_slice %arg2[%mul3A_38, %mul3A_54] : memref<200x16384xf32, #tpu.memory_space<hbm>> -> memref<8x1024xf32, #tpu.memory_space<hbm>>
    %dma_wait3A_214 = tpu.memref_slice %arg2[%mul3A_38, %mul3A_54] : memref<200x16384xf32, #tpu.memory_space<hbm>> -> memref<8x1024xf32, #tpu.memory_space<hbm>>
    tpu.wait_dma2 semaphore(%arg16 : memref<!tpu.dma_semaphore, #tpu.memory_space<semaphore_mem>>) src(%dma_wait3A_214 : memref<8x1024xf32, #tpu.memory_space<hbm>>) dst(%arg6 : memref<8x1024xf32, #tpu.memory_space<vmem>>)
    %dma_wait3A_215 = tpu.memref_slice %arg3[%mul3A_38, %mul3A_54] : memref<200x16384xi32, #tpu.memory_space<hbm>> -> memref<8x1024xi32, #tpu.memory_space<hbm>>
    %dma_wait3A_216 = tpu.memref_slice %arg3[%mul3A_38, %mul3A_54] : memref<200x16384xi32, #tpu.memory_space<hbm>> -> memref<8x1024xi32, #tpu.memory_space<hbm>>
    tpu.wait_dma2 semaphore(%arg20 : memref<!tpu.dma_semaphore, #tpu.memory_space<semaphore_mem>>) src(%dma_wait3A_216 : memref<8x1024xi32, #tpu.memory_space<hbm>>) dst(%arg10 : memref<8x1024xi32, #tpu.memory_space<vmem>>)
    %add3A_217 = arith.constant 0 : i32
    %add3A_218 = arith.addi %add3A, %add3A_217 : i32
    %lt3A_219 = arith.constant 150 : i32
    %lt3A_220 = arith.cmpi slt, %add3A_218, %lt3A_219 : i32
    %broadcast_in_dim3A_221 = arith.constant 0.000000e+00 : f32
    %broadcast_in_dim3A_222 = vector.broadcast %broadcast_in_dim3A_221 : f32 to vector<16xf32>
    %broadcast_in_dim3A_223 = arith.constant 0.000000e+00 : f32
    %broadcast_in_dim3A_224 = vector.broadcast %broadcast_in_dim3A_223 : f32 to vector<16xf32>
    %broadcast_in_dim3A_225 = arith.constant 0.000000e+00 : f32
    %broadcast_in_dim3A_226 = vector.broadcast %broadcast_in_dim3A_225 : f32 to vector<16xf32>
    %broadcast_in_dim3A_227 = arith.constant 0.000000e+00 : f32
    %broadcast_in_dim3A_228 = vector.broadcast %broadcast_in_dim3A_227 : f32 to vector<16xf32>
    %broadcast_in_dim3A_229 = arith.constant 0.000000e+00 : f32
    %broadcast_in_dim3A_230 = vector.broadcast %broadcast_in_dim3A_229 : f32 to vector<16xf32>
    %broadcast_in_dim3A_231 = arith.constant 0.000000e+00 : f32
    %broadcast_in_dim3A_232 = vector.broadcast %broadcast_in_dim3A_231 : f32 to vector<16xf32>
    %broadcast_in_dim3A_233 = arith.constant 0.000000e+00 : f32
    %broadcast_in_dim3A_234 = vector.broadcast %broadcast_in_dim3A_233 : f32 to vector<16xf32>
    %broadcast_in_dim3A_235 = arith.constant 0.000000e+00 : f32
    %broadcast_in_dim3A_236 = vector.broadcast %broadcast_in_dim3A_235 : f32 to vector<16xf32>
    %parallel_loop3A = arith.constant 0 : i32
    %parallel_loop3A_237 = arith.constant 64 : i32
    %parallel_loop3A_238 = arith.constant 1 : i32
    %parallel_loop3A_239:8 = scf.for %parallel_loop3A_504 = %parallel_loop3A to %parallel_loop3A_237 step %parallel_loop3A_238 iter_args(%parallel_loop3A_505 = %broadcast_in_dim3A_222, %parallel_loop3A_506 = %broadcast_in_dim3A_224, %parallel_loop3A_507 = %broadcast_in_dim3A_226, %parallel_loop3A_508 = %broadcast_in_dim3A_228, %parallel_loop3A_509 = %broadcast_in_dim3A_230, %parallel_loop3A_510 = %broadcast_in_dim3A_232, %parallel_loop3A_511 = %broadcast_in_dim3A_234, %parallel_loop3A_512 = %broadcast_in_dim3A_236) -> (vector<16xf32>, vector<16xf32>, vector<16xf32>, vector<16xf32>, vector<16xf32>, vector<16xf32>, vector<16xf32>, vector<16xf32>)  : i32 {
      %parallel_loop3A_513 = arith.constant 16 : i32
      %parallel_loop3A_514 = arith.muli %parallel_loop3A_504, %parallel_loop3A_513 : i32
      %parallel_loop3A_515 = arith.constant 0 : i32
      %parallel_loop3A_516 = arith.index_cast %parallel_loop3A_515 : i32 to index
      %parallel_loop3A_517 = arith.index_cast %parallel_loop3A_514 : i32 to index
      %parallel_loop3A_518 = tpu.vector_load %arg10[%parallel_loop3A_516, %parallel_loop3A_517] {strides = array<i32>} : memref<8x1024xi32, #tpu.memory_space<vmem>>, vector<1x16xi32>,
      %parallel_loop3A_519 = vector.shape_cast %parallel_loop3A_518 : vector<1x16xi32> to vector<16xi32>
      %parallel_loop3A_520 = arith.constant 16 : i32
      %parallel_loop3A_521 = arith.muli %parallel_loop3A_504, %parallel_loop3A_520 : i32
      %parallel_loop3A_522 = arith.constant 0 : i32
      %parallel_loop3A_523 = arith.index_cast %parallel_loop3A_522 : i32 to index
      %parallel_loop3A_524 = arith.index_cast %parallel_loop3A_521 : i32 to index
      %parallel_loop3A_525 = tpu.vector_load %arg6[%parallel_loop3A_523, %parallel_loop3A_524] {strides = array<i32>} : memref<8x1024xf32, #tpu.memory_space<vmem>>, vector<1x16xf32>,
      %parallel_loop3A_526 = vector.shape_cast %parallel_loop3A_525 : vector<1x16xf32> to vector<16xf32>
      %parallel_loop3A_527 = arith.constant 0 : i32
      %parallel_loop3A_528 = vector.broadcast %parallel_loop3A_527 : i32 to vector<16xi32>
      %parallel_loop3A_529 = arith.cmpi slt, %parallel_loop3A_519, %parallel_loop3A_528 : vector<16xi32>
      %parallel_loop3A_530 = arith.constant 16 : i32
      %parallel_loop3A_531 = vector.broadcast %parallel_loop3A_530 : i32 to vector<16xi32>
      %parallel_loop3A_532 = arith.addi %parallel_loop3A_519, %parallel_loop3A_531 : vector<16xi32>
      %parallel_loop3A_533 = arith.select %parallel_loop3A_529, %parallel_loop3A_532, %parallel_loop3A_519 : vector<16xi1>, vector<16xi32>
      %parallel_loop3A_534 = vector.shape_cast %parallel_loop3A_533 : vector<16xi32> to vector<16x1xi32>
      %parallel_loop3A_535 = vector.shape_cast %parallel_loop3A_534 : vector<16x1xi32> to vector<16xi32>
      %parallel_loop3A_536 = tpu.dynamic_gather %get3A_2[%parallel_loop3A_535] in [0] : vector<16xf32>, vector<16xi32> -> vector<16xf32>
      %parallel_loop3A_537 = arith.sitofp %parallel_loop3A_519 : vector<16xi32> to vector<16xf32>
      %parallel_loop3A_538 = arith.subf %parallel_loop3A_526, %parallel_loop3A_537 : vector<16xf32>
      %parallel_loop3A_539 = arith.mulf %parallel_loop3A_536, %parallel_loop3A_538 : vector<16xf32>
      %parallel_loop3A_540 = arith.mulf %parallel_loop3A_539, %parallel_loop3A_538 : vector<16xf32>
      %parallel_loop3A_541 = arith.addf %parallel_loop3A_505, %parallel_loop3A_540 : vector<16xf32>
      %parallel_loop3A_542 = arith.constant 16 : i32
      %parallel_loop3A_543 = arith.muli %parallel_loop3A_504, %parallel_loop3A_542 : i32
      %parallel_loop3A_544 = arith.constant 1 : i32
      %parallel_loop3A_545 = arith.index_cast %parallel_loop3A_544 : i32 to index
      %parallel_loop3A_546 = arith.index_cast %parallel_loop3A_543 : i32 to index
      %parallel_loop3A_547 = tpu.vector_load %arg10[%parallel_loop3A_545, %parallel_loop3A_546] {strides = array<i32>} : memref<8x1024xi32, #tpu.memory_space<vmem>>, vector<1x16xi32>,
      %parallel_loop3A_548 = vector.shape_cast %parallel_loop3A_547 : vector<1x16xi32> to vector<16xi32>
      %parallel_loop3A_549 = arith.constant 16 : i32
      %parallel_loop3A_550 = arith.muli %parallel_loop3A_504, %parallel_loop3A_549 : i32
      %parallel_loop3A_551 = arith.constant 1 : i32
      %parallel_loop3A_552 = arith.index_cast %parallel_loop3A_551 : i32 to index
      %parallel_loop3A_553 = arith.index_cast %parallel_loop3A_550 : i32 to index
      %parallel_loop3A_554 = tpu.vector_load %arg6[%parallel_loop3A_552, %parallel_loop3A_553] {strides = array<i32>} : memref<8x1024xf32, #tpu.memory_space<vmem>>, vector<1x16xf32>,
      %parallel_loop3A_555 = vector.shape_cast %parallel_loop3A_554 : vector<1x16xf32> to vector<16xf32>
      %parallel_loop3A_556 = arith.constant 0 : i32
      %parallel_loop3A_557 = vector.broadcast %parallel_loop3A_556 : i32 to vector<16xi32>
      %parallel_loop3A_558 = arith.cmpi slt, %parallel_loop3A_548, %parallel_loop3A_557 : vector<16xi32>
      %parallel_loop3A_559 = arith.constant 16 : i32
      %parallel_loop3A_560 = vector.broadcast %parallel_loop3A_559 : i32 to vector<16xi32>
      %parallel_loop3A_561 = arith.addi %parallel_loop3A_548, %parallel_loop3A_560 : vector<16xi32>
      %parallel_loop3A_562 = arith.select %parallel_loop3A_558, %parallel_loop3A_561, %parallel_loop3A_548 : vector<16xi1>, vector<16xi32>
      %parallel_loop3A_563 = vector.shape_cast %parallel_loop3A_562 : vector<16xi32> to vector<16x1xi32>
      %parallel_loop3A_564 = vector.shape_cast %parallel_loop3A_563 : vector<16x1xi32> to vector<16xi32>
      %parallel_loop3A_565 = tpu.dynamic_gather %get3A_2[%parallel_loop3A_564] in [0] : vector<16xf32>, vector<16xi32> -> vector<16xf32>
      %parallel_loop3A_566 = arith.sitofp %parallel_loop3A_548 : vector<16xi32> to vector<16xf32>
      %parallel_loop3A_567 = arith.subf %parallel_loop3A_555, %parallel_loop3A_566 : vector<16xf32>
      %parallel_loop3A_568 = arith.mulf %parallel_loop3A_565, %parallel_loop3A_567 : vector<16xf32>
      %parallel_loop3A_569 = arith.mulf %parallel_loop3A_568, %parallel_loop3A_567 : vector<16xf32>
      %parallel_loop3A_570 = arith.addf %parallel_loop3A_506, %parallel_loop3A_569 : vector<16xf32>
      %parallel_loop3A_571 = arith.constant 16 : i32
      %parallel_loop3A_572 = arith.muli %parallel_loop3A_504, %parallel_loop3A_571 : i32
      %parallel_loop3A_573 = arith.constant 2 : i32
      %parallel_loop3A_574 = arith.index_cast %parallel_loop3A_573 : i32 to index
      %parallel_loop3A_575 = arith.index_cast %parallel_loop3A_572 : i32 to index
      %parallel_loop3A_576 = tpu.vector_load %arg10[%parallel_loop3A_574, %parallel_loop3A_575] {strides = array<i32>} : memref<8x1024xi32, #tpu.memory_space<vmem>>, vector<1x16xi32>,
      %parallel_loop3A_577 = vector.shape_cast %parallel_loop3A_576 : vector<1x16xi32> to vector<16xi32>
      %parallel_loop3A_578 = arith.constant 16 : i32
      %parallel_loop3A_579 = arith.muli %parallel_loop3A_504, %parallel_loop3A_578 : i32
      %parallel_loop3A_580 = arith.constant 2 : i32
      %parallel_loop3A_581 = arith.index_cast %parallel_loop3A_580 : i32 to index
      %parallel_loop3A_582 = arith.index_cast %parallel_loop3A_579 : i32 to index
      %parallel_loop3A_583 = tpu.vector_load %arg6[%parallel_loop3A_581, %parallel_loop3A_582] {strides = array<i32>} : memref<8x1024xf32, #tpu.memory_space<vmem>>, vector<1x16xf32>,
      %parallel_loop3A_584 = vector.shape_cast %parallel_loop3A_583 : vector<1x16xf32> to vector<16xf32>
      %parallel_loop3A_585 = arith.constant 0 : i32
      %parallel_loop3A_586 = vector.broadcast %parallel_loop3A_585 : i32 to vector<16xi32>
      %parallel_loop3A_587 = arith.cmpi slt, %parallel_loop3A_577, %parallel_loop3A_586 : vector<16xi32>
      %parallel_loop3A_588 = arith.constant 16 : i32
      %parallel_loop3A_589 = vector.broadcast %parallel_loop3A_588 : i32 to vector<16xi32>
      %parallel_loop3A_590 = arith.addi %parallel_loop3A_577, %parallel_loop3A_589 : vector<16xi32>
      %parallel_loop3A_591 = arith.select %parallel_loop3A_587, %parallel_loop3A_590, %parallel_loop3A_577 : vector<16xi1>, vector<16xi32>
      %parallel_loop3A_592 = vector.shape_cast %parallel_loop3A_591 : vector<16xi32> to vector<16x1xi32>
      %parallel_loop3A_593 = vector.shape_cast %parallel_loop3A_592 : vector<16x1xi32> to vector<16xi32>
      %parallel_loop3A_594 = tpu.dynamic_gather %get3A_2[%parallel_loop3A_593] in [0] : vector<16xf32>, vector<16xi32> -> vector<16xf32>
      %parallel_loop3A_595 = arith.sitofp %parallel_loop3A_577 : vector<16xi32> to vector<16xf32>
      %parallel_loop3A_596 = arith.subf %parallel_loop3A_584, %parallel_loop3A_595 : vector<16xf32>
      %parallel_loop3A_597 = arith.mulf %parallel_loop3A_594, %parallel_loop3A_596 : vector<16xf32>
      %parallel_loop3A_598 = arith.mulf %parallel_loop3A_597, %parallel_loop3A_596 : vector<16xf32>
      %parallel_loop3A_599 = arith.addf %parallel_loop3A_507, %parallel_loop3A_598 : vector<16xf32>
      %parallel_loop3A_600 = arith.constant 16 : i32
      %parallel_loop3A_601 = arith.muli %parallel_loop3A_504, %parallel_loop3A_600 : i32
      %parallel_loop3A_602 = arith.constant 3 : i32
      %parallel_loop3A_603 = arith.index_cast %parallel_loop3A_602 : i32 to index
      %parallel_loop3A_604 = arith.index_cast %parallel_loop3A_601 : i32 to index
      %parallel_loop3A_605 = tpu.vector_load %arg10[%parallel_loop3A_603, %parallel_loop3A_604] {strides = array<i32>} : memref<8x1024xi32, #tpu.memory_space<vmem>>, vector<1x16xi32>,
      %parallel_loop3A_606 = vector.shape_cast %parallel_loop3A_605 : vector<1x16xi32> to vector<16xi32>
      %parallel_loop3A_607 = arith.constant 16 : i32
      %parallel_loop3A_608 = arith.muli %parallel_loop3A_504, %parallel_loop3A_607 : i32
      %parallel_loop3A_609 = arith.constant 3 : i32
      %parallel_loop3A_610 = arith.index_cast %parallel_loop3A_609 : i32 to index
      %parallel_loop3A_611 = arith.index_cast %parallel_loop3A_608 : i32 to index
      %parallel_loop3A_612 = tpu.vector_load %arg6[%parallel_loop3A_610, %parallel_loop3A_611] {strides = array<i32>} : memref<8x1024xf32, #tpu.memory_space<vmem>>, vector<1x16xf32>,
      %parallel_loop3A_613 = vector.shape_cast %parallel_loop3A_612 : vector<1x16xf32> to vector<16xf32>
      %parallel_loop3A_614 = arith.constant 0 : i32
      %parallel_loop3A_615 = vector.broadcast %parallel_loop3A_614 : i32 to vector<16xi32>
      %parallel_loop3A_616 = arith.cmpi slt, %parallel_loop3A_606, %parallel_loop3A_615 : vector<16xi32>
      %parallel_loop3A_617 = arith.constant 16 : i32
      %parallel_loop3A_618 = vector.broadcast %parallel_loop3A_617 : i32 to vector<16xi32>
      %parallel_loop3A_619 = arith.addi %parallel_loop3A_606, %parallel_loop3A_618 : vector<16xi32>
      %parallel_loop3A_620 = arith.select %parallel_loop3A_616, %parallel_loop3A_619, %parallel_loop3A_606 : vector<16xi1>, vector<16xi32>
      %parallel_loop3A_621 = vector.shape_cast %parallel_loop3A_620 : vector<16xi32> to vector<16x1xi32>
      %parallel_loop3A_622 = vector.shape_cast %parallel_loop3A_621 : vector<16x1xi32> to vector<16xi32>
      %parallel_loop3A_623 = tpu.dynamic_gather %get3A_2[%parallel_loop3A_622] in [0] : vector<16xf32>, vector<16xi32> -> vector<16xf32>
      %parallel_loop3A_624 = arith.sitofp %parallel_loop3A_606 : vector<16xi32> to vector<16xf32>
      %parallel_loop3A_625 = arith.subf %parallel_loop3A_613, %parallel_loop3A_624 : vector<16xf32>
      %parallel_loop3A_626 = arith.mulf %parallel_loop3A_623, %parallel_loop3A_625 : vector<16xf32>
      %parallel_loop3A_627 = arith.mulf %parallel_loop3A_626, %parallel_loop3A_625 : vector<16xf32>
      %parallel_loop3A_628 = arith.addf %parallel_loop3A_508, %parallel_loop3A_627 : vector<16xf32>
      %parallel_loop3A_629 = arith.constant 16 : i32
      %parallel_loop3A_630 = arith.muli %parallel_loop3A_504, %parallel_loop3A_629 : i32
      %parallel_loop3A_631 = arith.constant 4 : i32
      %parallel_loop3A_632 = arith.index_cast %parallel_loop3A_631 : i32 to index
      %parallel_loop3A_633 = arith.index_cast %parallel_loop3A_630 : i32 to index
      %parallel_loop3A_634 = tpu.vector_load %arg10[%parallel_loop3A_632, %parallel_loop3A_633] {strides = array<i32>} : memref<8x1024xi32, #tpu.memory_space<vmem>>, vector<1x16xi32>,
      %parallel_loop3A_635 = vector.shape_cast %parallel_loop3A_634 : vector<1x16xi32> to vector<16xi32>
      %parallel_loop3A_636 = arith.constant 16 : i32
      %parallel_loop3A_637 = arith.muli %parallel_loop3A_504, %parallel_loop3A_636 : i32
      %parallel_loop3A_638 = arith.constant 4 : i32
      %parallel_loop3A_639 = arith.index_cast %parallel_loop3A_638 : i32 to index
      %parallel_loop3A_640 = arith.index_cast %parallel_loop3A_637 : i32 to index
      %parallel_loop3A_641 = tpu.vector_load %arg6[%parallel_loop3A_639, %parallel_loop3A_640] {strides = array<i32>} : memref<8x1024xf32, #tpu.memory_space<vmem>>, vector<1x16xf32>,
      %parallel_loop3A_642 = vector.shape_cast %parallel_loop3A_641 : vector<1x16xf32> to vector<16xf32>
      %parallel_loop3A_643 = arith.constant 0 : i32
      %parallel_loop3A_644 = vector.broadcast %parallel_loop3A_643 : i32 to vector<16xi32>
      %parallel_loop3A_645 = arith.cmpi slt, %parallel_loop3A_635, %parallel_loop3A_644 : vector<16xi32>
      %parallel_loop3A_646 = arith.constant 16 : i32
      %parallel_loop3A_647 = vector.broadcast %parallel_loop3A_646 : i32 to vector<16xi32>
      %parallel_loop3A_648 = arith.addi %parallel_loop3A_635, %parallel_loop3A_647 : vector<16xi32>
      %parallel_loop3A_649 = arith.select %parallel_loop3A_645, %parallel_loop3A_648, %parallel_loop3A_635 : vector<16xi1>, vector<16xi32>
      %parallel_loop3A_650 = vector.shape_cast %parallel_loop3A_649 : vector<16xi32> to vector<16x1xi32>
      %parallel_loop3A_651 = vector.shape_cast %parallel_loop3A_650 : vector<16x1xi32> to vector<16xi32>
      %parallel_loop3A_652 = tpu.dynamic_gather %get3A_2[%parallel_loop3A_651] in [0] : vector<16xf32>, vector<16xi32> -> vector<16xf32>
      %parallel_loop3A_653 = arith.sitofp %parallel_loop3A_635 : vector<16xi32> to vector<16xf32>
      %parallel_loop3A_654 = arith.subf %parallel_loop3A_642, %parallel_loop3A_653 : vector<16xf32>
      %parallel_loop3A_655 = arith.mulf %parallel_loop3A_652, %parallel_loop3A_654 : vector<16xf32>
      %parallel_loop3A_656 = arith.mulf %parallel_loop3A_655, %parallel_loop3A_654 : vector<16xf32>
      %parallel_loop3A_657 = arith.addf %parallel_loop3A_509, %parallel_loop3A_656 : vector<16xf32>
      %parallel_loop3A_658 = arith.constant 16 : i32
      %parallel_loop3A_659 = arith.muli %parallel_loop3A_504, %parallel_loop3A_658 : i32
      %parallel_loop3A_660 = arith.constant 5 : i32
      %parallel_loop3A_661 = arith.index_cast %parallel_loop3A_660 : i32 to index
      %parallel_loop3A_662 = arith.index_cast %parallel_loop3A_659 : i32 to index
      %parallel_loop3A_663 = tpu.vector_load %arg10[%parallel_loop3A_661, %parallel_loop3A_662] {strides = array<i32>} : memref<8x1024xi32, #tpu.memory_space<vmem>>, vector<1x16xi32>,
      %parallel_loop3A_664 = vector.shape_cast %parallel_loop3A_663 : vector<1x16xi32> to vector<16xi32>
      %parallel_loop3A_665 = arith.constant 16 : i32
      %parallel_loop3A_666 = arith.muli %parallel_loop3A_504, %parallel_loop3A_665 : i32
      %parallel_loop3A_667 = arith.constant 5 : i32
      %parallel_loop3A_668 = arith.index_cast %parallel_loop3A_667 : i32 to index
      %parallel_loop3A_669 = arith.index_cast %parallel_loop3A_666 : i32 to index
      %parallel_loop3A_670 = tpu.vector_load %arg6[%parallel_loop3A_668, %parallel_loop3A_669] {strides = array<i32>} : memref<8x1024xf32, #tpu.memory_space<vmem>>, vector<1x16xf32>,
      %parallel_loop3A_671 = vector.shape_cast %parallel_loop3A_670 : vector<1x16xf32> to vector<16xf32>
      %parallel_loop3A_672 = arith.constant 0 : i32
      %parallel_loop3A_673 = vector.broadcast %parallel_loop3A_672 : i32 to vector<16xi32>
      %parallel_loop3A_674 = arith.cmpi slt, %parallel_loop3A_664, %parallel_loop3A_673 : vector<16xi32>
      %parallel_loop3A_675 = arith.constant 16 : i32
      %parallel_loop3A_676 = vector.broadcast %parallel_loop3A_675 : i32 to vector<16xi32>
      %parallel_loop3A_677 = arith.addi %parallel_loop3A_664, %parallel_loop3A_676 : vector<16xi32>
      %parallel_loop3A_678 = arith.select %parallel_loop3A_674, %parallel_loop3A_677, %parallel_loop3A_664 : vector<16xi1>, vector<16xi32>
      %parallel_loop3A_679 = vector.shape_cast %parallel_loop3A_678 : vector<16xi32> to vector<16x1xi32>
      %parallel_loop3A_680 = vector.shape_cast %parallel_loop3A_679 : vector<16x1xi32> to vector<16xi32>
      %parallel_loop3A_681 = tpu.dynamic_gather %get3A_2[%parallel_loop3A_680] in [0] : vector<16xf32>, vector<16xi32> -> vector<16xf32>
      %parallel_loop3A_682 = arith.sitofp %parallel_loop3A_664 : vector<16xi32> to vector<16xf32>
      %parallel_loop3A_683 = arith.subf %parallel_loop3A_671, %parallel_loop3A_682 : vector<16xf32>
      %parallel_loop3A_684 = arith.mulf %parallel_loop3A_681, %parallel_loop3A_683 : vector<16xf32>
      %parallel_loop3A_685 = arith.mulf %parallel_loop3A_684, %parallel_loop3A_683 : vector<16xf32>
      %parallel_loop3A_686 = arith.addf %parallel_loop3A_510, %parallel_loop3A_685 : vector<16xf32>
      %parallel_loop3A_687 = arith.constant 16 : i32
      %parallel_loop3A_688 = arith.muli %parallel_loop3A_504, %parallel_loop3A_687 : i32
      %parallel_loop3A_689 = arith.constant 6 : i32
      %parallel_loop3A_690 = arith.index_cast %parallel_loop3A_689 : i32 to index
      %parallel_loop3A_691 = arith.index_cast %parallel_loop3A_688 : i32 to index
      %parallel_loop3A_692 = tpu.vector_load %arg10[%parallel_loop3A_690, %parallel_loop3A_691] {strides = array<i32>} : memref<8x1024xi32, #tpu.memory_space<vmem>>, vector<1x16xi32>,
      %parallel_loop3A_693 = vector.shape_cast %parallel_loop3A_692 : vector<1x16xi32> to vector<16xi32>
      %parallel_loop3A_694 = arith.constant 16 : i32
      %parallel_loop3A_695 = arith.muli %parallel_loop3A_504, %parallel_loop3A_694 : i32
      %parallel_loop3A_696 = arith.constant 6 : i32
      %parallel_loop3A_697 = arith.index_cast %parallel_loop3A_696 : i32 to index
      %parallel_loop3A_698 = arith.index_cast %parallel_loop3A_695 : i32 to index
      %parallel_loop3A_699 = tpu.vector_load %arg6[%parallel_loop3A_697, %parallel_loop3A_698] {strides = array<i32>} : memref<8x1024xf32, #tpu.memory_space<vmem>>, vector<1x16xf32>,
      %parallel_loop3A_700 = vector.shape_cast %parallel_loop3A_699 : vector<1x16xf32> to vector<16xf32>
      %parallel_loop3A_701 = arith.constant 0 : i32
      %parallel_loop3A_702 = vector.broadcast %parallel_loop3A_701 : i32 to vector<16xi32>
      %parallel_loop3A_703 = arith.cmpi slt, %parallel_loop3A_693, %parallel_loop3A_702 : vector<16xi32>
      %parallel_loop3A_704 = arith.constant 16 : i32
      %parallel_loop3A_705 = vector.broadcast %parallel_loop3A_704 : i32 to vector<16xi32>
      %parallel_loop3A_706 = arith.addi %parallel_loop3A_693, %parallel_loop3A_705 : vector<16xi32>
      %parallel_loop3A_707 = arith.select %parallel_loop3A_703, %parallel_loop3A_706, %parallel_loop3A_693 : vector<16xi1>, vector<16xi32>
      %parallel_loop3A_708 = vector.shape_cast %parallel_loop3A_707 : vector<16xi32> to vector<16x1xi32>
      %parallel_loop3A_709 = vector.shape_cast %parallel_loop3A_708 : vector<16x1xi32> to vector<16xi32>
      %parallel_loop3A_710 = tpu.dynamic_gather %get3A_2[%parallel_loop3A_709] in [0] : vector<16xf32>, vector<16xi32> -> vector<16xf32>
      %parallel_loop3A_711 = arith.sitofp %parallel_loop3A_693 : vector<16xi32> to vector<16xf32>
      %parallel_loop3A_712 = arith.subf %parallel_loop3A_700, %parallel_loop3A_711 : vector<16xf32>
      %parallel_loop3A_713 = arith.mulf %parallel_loop3A_710, %parallel_loop3A_712 : vector<16xf32>
      %parallel_loop3A_714 = arith.mulf %parallel_loop3A_713, %parallel_loop3A_712 : vector<16xf32>
      %parallel_loop3A_715 = arith.addf %parallel_loop3A_511, %parallel_loop3A_714 : vector<16xf32>
      %parallel_loop3A_716 = arith.constant 16 : i32
      %parallel_loop3A_717 = arith.muli %parallel_loop3A_504, %parallel_loop3A_716 : i32
      %parallel_loop3A_718 = arith.constant 7 : i32
      %parallel_loop3A_719 = arith.index_cast %parallel_loop3A_718 : i32 to index
      %parallel_loop3A_720 = arith.index_cast %parallel_loop3A_717 : i32 to index
      %parallel_loop3A_721 = tpu.vector_load %arg10[%parallel_loop3A_719, %parallel_loop3A_720] {strides = array<i32>} : memref<8x1024xi32, #tpu.memory_space<vmem>>, vector<1x16xi32>,
      %parallel_loop3A_722 = vector.shape_cast %parallel_loop3A_721 : vector<1x16xi32> to vector<16xi32>
      %parallel_loop3A_723 = arith.constant 16 : i32
      %parallel_loop3A_724 = arith.muli %parallel_loop3A_504, %parallel_loop3A_723 : i32
      %parallel_loop3A_725 = arith.constant 7 : i32
      %parallel_loop3A_726 = arith.index_cast %parallel_loop3A_725 : i32 to index
      %parallel_loop3A_727 = arith.index_cast %parallel_loop3A_724 : i32 to index
      %parallel_loop3A_728 = tpu.vector_load %arg6[%parallel_loop3A_726, %parallel_loop3A_727] {strides = array<i32>} : memref<8x1024xf32, #tpu.memory_space<vmem>>, vector<1x16xf32>,
      %parallel_loop3A_729 = vector.shape_cast %parallel_loop3A_728 : vector<1x16xf32> to vector<16xf32>
      %parallel_loop3A_730 = arith.constant 0 : i32
      %parallel_loop3A_731 = vector.broadcast %parallel_loop3A_730 : i32 to vector<16xi32>
      %parallel_loop3A_732 = arith.cmpi slt, %parallel_loop3A_722, %parallel_loop3A_731 : vector<16xi32>
      %parallel_loop3A_733 = arith.constant 16 : i32
      %parallel_loop3A_734 = vector.broadcast %parallel_loop3A_733 : i32 to vector<16xi32>
      %parallel_loop3A_735 = arith.addi %parallel_loop3A_722, %parallel_loop3A_734 : vector<16xi32>
      %parallel_loop3A_736 = arith.select %parallel_loop3A_732, %parallel_loop3A_735, %parallel_loop3A_722 : vector<16xi1>, vector<16xi32>
      %parallel_loop3A_737 = vector.shape_cast %parallel_loop3A_736 : vector<16xi32> to vector<16x1xi32>
      %parallel_loop3A_738 = vector.shape_cast %parallel_loop3A_737 : vector<16x1xi32> to vector<16xi32>
      %parallel_loop3A_739 = tpu.dynamic_gather %get3A_2[%parallel_loop3A_738] in [0] : vector<16xf32>, vector<16xi32> -> vector<16xf32>
      %parallel_loop3A_740 = arith.sitofp %parallel_loop3A_722 : vector<16xi32> to vector<16xf32>
      %parallel_loop3A_741 = arith.subf %parallel_loop3A_729, %parallel_loop3A_740 : vector<16xf32>
      %parallel_loop3A_742 = arith.mulf %parallel_loop3A_739, %parallel_loop3A_741 : vector<16xf32>
      %parallel_loop3A_743 = arith.mulf %parallel_loop3A_742, %parallel_loop3A_741 : vector<16xf32>
      %parallel_loop3A_744 = arith.addf %parallel_loop3A_512, %parallel_loop3A_743 : vector<16xf32>
      scf.yield %parallel_loop3A_541, %parallel_loop3A_570, %parallel_loop3A_599, %parallel_loop3A_628, %parallel_loop3A_657, %parallel_loop3A_686, %parallel_loop3A_715, %parallel_loop3A_744 : vector<16xf32>, vector<16xf32>, vector<16xf32>, vector<16xf32>, vector<16xf32>, vector<16xf32>, vector<16xf32>, vector<16xf32>
    } {sc.loop_unroll_factor = 2 : i64, sc.parallel_access}
    %broadcast_in_dim3A_240 = arith.constant 0.000000e+00 : f32
    %broadcast_in_dim3A_241 = vector.broadcast %broadcast_in_dim3A_240 : f32 to vector<16xf32>
    %select_n3A_242 = arith.select %lt3A_220, %parallel_loop3A_239#0, %broadcast_in_dim3A_241 : vector<16xf32>
    %add3A_243 = arith.addf %broadcast_in_dim3A_3, %select_n3A_242 : vector<16xf32>
    %select_n3A_244 = arith.select %lt3A_220, %parallel_loop3A_239#1, %broadcast_in_dim3A_241 : vector<16xf32>
    %add3A_245 = arith.addf %broadcast_in_dim3A_5, %select_n3A_244 : vector<16xf32>
    %select_n3A_246 = arith.select %lt3A_220, %parallel_loop3A_239#2, %broadcast_in_dim3A_241 : vector<16xf32>
    %add3A_247 = arith.addf %broadcast_in_dim3A_7, %select_n3A_246 : vector<16xf32>
    %select_n3A_248 = arith.select %lt3A_220, %parallel_loop3A_239#3, %broadcast_in_dim3A_241 : vector<16xf32>
    %add3A_249 = arith.addf %broadcast_in_dim3A_9, %select_n3A_248 : vector<16xf32>
    %select_n3A_250 = arith.select %lt3A_220, %parallel_loop3A_239#4, %broadcast_in_dim3A_241 : vector<16xf32>
    %add3A_251 = arith.addf %broadcast_in_dim3A_11, %select_n3A_250 : vector<16xf32>
    %select_n3A_252 = arith.select %lt3A_220, %parallel_loop3A_239#5, %broadcast_in_dim3A_241 : vector<16xf32>
    %add3A_253 = arith.addf %broadcast_in_dim3A_13, %select_n3A_252 : vector<16xf32>
    %select_n3A_254 = arith.select %lt3A_220, %parallel_loop3A_239#6, %broadcast_in_dim3A_241 : vector<16xf32>
    %add3A_255 = arith.addf %broadcast_in_dim3A_15, %select_n3A_254 : vector<16xf32>
    %select_n3A_256 = arith.select %lt3A_220, %parallel_loop3A_239#7, %broadcast_in_dim3A_241 : vector<16xf32>
    %add3A_257 = arith.addf %broadcast_in_dim3A_17, %select_n3A_256 : vector<16xf32>
    %add3A_258 = arith.constant 128 : i32
    %add3A_259 = arith.addi %add3A, %add3A_258 : i32
    %min3A_260 = arith.constant 149 : i32
    %min3A_261 = arith.minsi %add3A_259, %min3A_260 : i32
    %jit3A_262 = arith.constant 6 : i32
    %div3A_263 = arith.divsi %min3A_261, %jit3A_262 : i32
    %sign3A_264 = arith.constant 0 : i32
    %sign3A_265 = arith.cmpi sgt, %min3A_261, %sign3A_264 : i32
    %sign3A_266 = arith.extui %sign3A_265 : i1 to i32
    %sign3A_267 = arith.constant 0 : i32
    %sign3A_268 = arith.cmpi slt, %min3A_261, %sign3A_267 : i32
    %sign3A_269 = arith.extui %sign3A_268 : i1 to i32
    %sign3A_270 = arith.subi %sign3A_266, %sign3A_269 : i32
    %sign3A_271 = arith.constant 0 : i32
    %sign3A_272 = arith.cmpi sgt, %jit3A_262, %sign3A_271 : i32
    %sign3A_273 = arith.extui %sign3A_272 : i1 to i32
    %sign3A_274 = arith.constant 0 : i32
    %sign3A_275 = arith.cmpi slt, %jit3A_262, %sign3A_274 : i32
    %sign3A_276 = arith.extui %sign3A_275 : i1 to i32
    %sign3A_277 = arith.subi %sign3A_273, %sign3A_276 : i32
    %ne3A_278 = arith.cmpi ne, %sign3A_270, %sign3A_277 : i32
    %rem3A_279 = arith.remsi %min3A_261, %jit3A_262 : i32
    %ne3A_280 = arith.constant 0 : i32
    %ne3A_281 = arith.cmpi ne, %rem3A_279, %ne3A_280 : i32
    %and3A_282 = arith.andi %ne3A_278, %ne3A_281 : i1
    %sub3A_283 = arith.constant 1 : i32
    %sub3A_284 = arith.subi %div3A_263, %sub3A_283 : i32
    %select_n3A_285 = arith.select %and3A_282, %sub3A_284, %div3A_263 : i32
    %mul3A_286 = arith.constant 8 : i32
    %mul3A_287 = arith.muli %select_n3A_285, %mul3A_286 : i32
    %jit3A_288 = arith.constant 6 : i32
    %eq3A_289 = arith.constant 0 : i32
    %eq3A_290 = arith.cmpi eq, %jit3A_288, %eq3A_289 : i32
    %jit3A_291 = arith.constant 1 : i32
    %select_n3A_292 = arith.select %eq3A_290, %jit3A_291, %jit3A_288 : i32
    %rem3A_293 = arith.remsi %min3A_261, %select_n3A_292 : i32
    %ne3A_294 = arith.constant 0 : i32
    %ne3A_295 = arith.cmpi ne, %rem3A_293, %ne3A_294 : i32
    %lt3A_296 = arith.constant 0 : i32
    %lt3A_297 = arith.cmpi slt, %rem3A_293, %lt3A_296 : i32
    %lt3A_298 = arith.constant 0 : i32
    %lt3A_299 = arith.cmpi slt, %select_n3A_292, %lt3A_298 : i32
    %ne3A_300 = arith.xori %lt3A_297, %lt3A_299 : i1
    %and3A_301 = arith.andi %ne3A_300, %ne3A_295 : i1
    %add3A_302 = arith.addi %rem3A_293, %select_n3A_292 : i32
    %select_n3A_303 = arith.select %and3A_301, %add3A_302, %rem3A_293 : i32
    %mul3A_304 = arith.constant 1024 : i32
    %mul3A_305 = arith.muli %select_n3A_303, %mul3A_304 : i32
    %dma_start3A_306 = tpu.memref_slice %arg2[%mul3A_287, %mul3A_305] : memref<200x16384xf32, #tpu.memory_space<hbm>> -> memref<8x1024xf32, #tpu.memory_space<hbm>>
    %dma_start3A_307 = tpu.memref_slice %arg2[%mul3A_287, %mul3A_305] : memref<200x16384xf32, #tpu.memory_space<hbm>> -> memref<8x1024xf32, #tpu.memory_space<hbm>>
    tpu.enqueue_dma source(%dma_start3A_307 : memref<8x1024xf32, #tpu.memory_space<hbm>>) target(%arg6 : memref<8x1024xf32, #tpu.memory_space<vmem>>) target_semaphore(%arg16 : memref<!tpu.dma_semaphore, #tpu.memory_space<semaphore_mem>>)
    %dma_start3A_308 = tpu.memref_slice %arg3[%mul3A_287, %mul3A_305] : memref<200x16384xi32, #tpu.memory_space<hbm>> -> memref<8x1024xi32, #tpu.memory_space<hbm>>
    %dma_start3A_309 = tpu.memref_slice %arg3[%mul3A_287, %mul3A_305] : memref<200x16384xi32, #tpu.memory_space<hbm>> -> memref<8x1024xi32, #tpu.memory_space<hbm>>
    tpu.enqueue_dma source(%dma_start3A_309 : memref<8x1024xi32, #tpu.memory_space<hbm>>) target(%arg10 : memref<8x1024xi32, #tpu.memory_space<vmem>>) target_semaphore(%arg20 : memref<!tpu.dma_semaphore, #tpu.memory_space<semaphore_mem>>)
    %dma_wait3A_310 = tpu.memref_slice %arg2[%mul3A_87, %mul3A_105] : memref<200x16384xf32, #tpu.memory_space<hbm>> -> memref<8x1024xf32, #tpu.memory_space<hbm>>
    %dma_wait3A_311 = tpu.memref_slice %arg2[%mul3A_87, %mul3A_105] : memref<200x16384xf32, #tpu.memory_space<hbm>> -> memref<8x1024xf32, #tpu.memory_space<hbm>>
    tpu.wait_dma2 semaphore(%arg17 : memref<!tpu.dma_semaphore, #tpu.memory_space<semaphore_mem>>) src(%dma_wait3A_311 : memref<8x1024xf32, #tpu.memory_space<hbm>>) dst(%arg7 : memref<8x1024xf32, #tpu.memory_space<vmem>>)
    %dma_wait3A_312 = tpu.memref_slice %arg3[%mul3A_87, %mul3A_105] : memref<200x16384xi32, #tpu.memory_space<hbm>> -> memref<8x1024xi32, #tpu.memory_space<hbm>>
    %dma_wait3A_313 = tpu.memref_slice %arg3[%mul3A_87, %mul3A_105] : memref<200x16384xi32, #tpu.memory_space<hbm>> -> memref<8x1024xi32, #tpu.memory_space<hbm>>
    tpu.wait_dma2 semaphore(%arg21 : memref<!tpu.dma_semaphore, #tpu.memory_space<semaphore_mem>>) src(%dma_wait3A_313 : memref<8x1024xi32, #tpu.memory_space<hbm>>) dst(%arg11 : memref<8x1024xi32, #tpu.memory_space<vmem>>)
    %add3A_314 = arith.constant 32 : i32
    %add3A_315 = arith.addi %add3A, %add3A_314 : i32
    %lt3A_316 = arith.constant 150 : i32
    %lt3A_317 = arith.cmpi slt, %add3A_315, %lt3A_316 : i32
    %broadcast_in_dim3A_318 = arith.constant 0.000000e+00 : f32
    %broadcast_in_dim3A_319 = vector.broadcast %broadcast_in_dim3A_318 : f32 to vector<16xf32>
    %broadcast_in_dim3A_320 = arith.constant 0.000000e+00 : f32
    %broadcast_in_dim3A_321 = vector.broadcast %broadcast_in_dim3A_320 : f32 to vector<16xf32>
    %broadcast_in_dim3A_322 = arith.constant 0.000000e+00 : f32
    %broadcast_in_dim3A_323 = vector.broadcast %broadcast_in_dim3A_322 : f32 to vector<16xf32>
    %broadcast_in_dim3A_324 = arith.constant 0.000000e+00 : f32
    %broadcast_in_dim3A_325 = vector.broadcast %broadcast_in_dim3A_324 : f32 to vector<16xf32>
    %broadcast_in_dim3A_326 = arith.constant 0.000000e+00 : f32
    %broadcast_in_dim3A_327 = vector.broadcast %broadcast_in_dim3A_326 : f32 to vector<16xf32>
    %broadcast_in_dim3A_328 = arith.constant 0.000000e+00 : f32
    %broadcast_in_dim3A_329 = vector.broadcast %broadcast_in_dim3A_328 : f32 to vector<16xf32>
    %broadcast_in_dim3A_330 = arith.constant 0.000000e+00 : f32
    %broadcast_in_dim3A_331 = vector.broadcast %broadcast_in_dim3A_330 : f32 to vector<16xf32>
    %broadcast_in_dim3A_332 = arith.constant 0.000000e+00 : f32
    %broadcast_in_dim3A_333 = vector.broadcast %broadcast_in_dim3A_332 : f32 to vector<16xf32>
    %parallel_loop3A_334 = arith.constant 0 : i32
    %parallel_loop3A_335 = arith.constant 64 : i32
    %parallel_loop3A_336 = arith.constant 1 : i32
    %parallel_loop3A_337:8 = scf.for %parallel_loop3A_504 = %parallel_loop3A_334 to %parallel_loop3A_335 step %parallel_loop3A_336 iter_args(%parallel_loop3A_505 = %broadcast_in_dim3A_319, %parallel_loop3A_506 = %broadcast_in_dim3A_321, %parallel_loop3A_507 = %broadcast_in_dim3A_323, %parallel_loop3A_508 = %broadcast_in_dim3A_325, %parallel_loop3A_509 = %broadcast_in_dim3A_327, %parallel_loop3A_510 = %broadcast_in_dim3A_329, %parallel_loop3A_511 = %broadcast_in_dim3A_331, %parallel_loop3A_512 = %broadcast_in_dim3A_333) -> (vector<16xf32>, vector<16xf32>, vector<16xf32>, vector<16xf32>, vector<16xf32>, vector<16xf32>, vector<16xf32>, vector<16xf32>)  : i32 {
      %parallel_loop3A_513 = arith.constant 16 : i32
      %parallel_loop3A_514 = arith.muli %parallel_loop3A_504, %parallel_loop3A_513 : i32
      %parallel_loop3A_515 = arith.constant 0 : i32
      %parallel_loop3A_516 = arith.index_cast %parallel_loop3A_515 : i32 to index
      %parallel_loop3A_517 = arith.index_cast %parallel_loop3A_514 : i32 to index
      %parallel_loop3A_518 = tpu.vector_load %arg11[%parallel_loop3A_516, %parallel_loop3A_517] {strides = array<i32>} : memref<8x1024xi32, #tpu.memory_space<vmem>>, vector<1x16xi32>,
      %parallel_loop3A_519 = vector.shape_cast %parallel_loop3A_518 : vector<1x16xi32> to vector<16xi32>
      %parallel_loop3A_520 = arith.constant 16 : i32
      %parallel_loop3A_521 = arith.muli %parallel_loop3A_504, %parallel_loop3A_520 : i32
      %parallel_loop3A_522 = arith.constant 0 : i32
      %parallel_loop3A_523 = arith.index_cast %parallel_loop3A_522 : i32 to index
      %parallel_loop3A_524 = arith.index_cast %parallel_loop3A_521 : i32 to index
      %parallel_loop3A_525 = tpu.vector_load %arg7[%parallel_loop3A_523, %parallel_loop3A_524] {strides = array<i32>} : memref<8x1024xf32, #tpu.memory_space<vmem>>, vector<1x16xf32>,
      %parallel_loop3A_526 = vector.shape_cast %parallel_loop3A_525 : vector<1x16xf32> to vector<16xf32>
      %parallel_loop3A_527 = arith.constant 0 : i32
      %parallel_loop3A_528 = vector.broadcast %parallel_loop3A_527 : i32 to vector<16xi32>
      %parallel_loop3A_529 = arith.cmpi slt, %parallel_loop3A_519, %parallel_loop3A_528 : vector<16xi32>
      %parallel_loop3A_530 = arith.constant 16 : i32
      %parallel_loop3A_531 = vector.broadcast %parallel_loop3A_530 : i32 to vector<16xi32>
      %parallel_loop3A_532 = arith.addi %parallel_loop3A_519, %parallel_loop3A_531 : vector<16xi32>
      %parallel_loop3A_533 = arith.select %parallel_loop3A_529, %parallel_loop3A_532, %parallel_loop3A_519 : vector<16xi1>, vector<16xi32>
      %parallel_loop3A_534 = vector.shape_cast %parallel_loop3A_533 : vector<16xi32> to vector<16x1xi32>
      %parallel_loop3A_535 = vector.shape_cast %parallel_loop3A_534 : vector<16x1xi32> to vector<16xi32>
      %parallel_loop3A_536 = tpu.dynamic_gather %get3A_2[%parallel_loop3A_535] in [0] : vector<16xf32>, vector<16xi32> -> vector<16xf32>
      %parallel_loop3A_537 = arith.sitofp %parallel_loop3A_519 : vector<16xi32> to vector<16xf32>
      %parallel_loop3A_538 = arith.subf %parallel_loop3A_526, %parallel_loop3A_537 : vector<16xf32>
      %parallel_loop3A_539 = arith.mulf %parallel_loop3A_536, %parallel_loop3A_538 : vector<16xf32>
      %parallel_loop3A_540 = arith.mulf %parallel_loop3A_539, %parallel_loop3A_538 : vector<16xf32>
      %parallel_loop3A_541 = arith.addf %parallel_loop3A_505, %parallel_loop3A_540 : vector<16xf32>
      %parallel_loop3A_542 = arith.constant 16 : i32
      %parallel_loop3A_543 = arith.muli %parallel_loop3A_504, %parallel_loop3A_542 : i32
      %parallel_loop3A_544 = arith.constant 1 : i32
      %parallel_loop3A_545 = arith.index_cast %parallel_loop3A_544 : i32 to index
      %parallel_loop3A_546 = arith.index_cast %parallel_loop3A_543 : i32 to index
      %parallel_loop3A_547 = tpu.vector_load %arg11[%parallel_loop3A_545, %parallel_loop3A_546] {strides = array<i32>} : memref<8x1024xi32, #tpu.memory_space<vmem>>, vector<1x16xi32>,
      %parallel_loop3A_548 = vector.shape_cast %parallel_loop3A_547 : vector<1x16xi32> to vector<16xi32>
      %parallel_loop3A_549 = arith.constant 16 : i32
      %parallel_loop3A_550 = arith.muli %parallel_loop3A_504, %parallel_loop3A_549 : i32
      %parallel_loop3A_551 = arith.constant 1 : i32
      %parallel_loop3A_552 = arith.index_cast %parallel_loop3A_551 : i32 to index
      %parallel_loop3A_553 = arith.index_cast %parallel_loop3A_550 : i32 to index
      %parallel_loop3A_554 = tpu.vector_load %arg7[%parallel_loop3A_552, %parallel_loop3A_553] {strides = array<i32>} : memref<8x1024xf32, #tpu.memory_space<vmem>>, vector<1x16xf32>,
      %parallel_loop3A_555 = vector.shape_cast %parallel_loop3A_554 : vector<1x16xf32> to vector<16xf32>
      %parallel_loop3A_556 = arith.constant 0 : i32
      %parallel_loop3A_557 = vector.broadcast %parallel_loop3A_556 : i32 to vector<16xi32>
      %parallel_loop3A_558 = arith.cmpi slt, %parallel_loop3A_548, %parallel_loop3A_557 : vector<16xi32>
      %parallel_loop3A_559 = arith.constant 16 : i32
      %parallel_loop3A_560 = vector.broadcast %parallel_loop3A_559 : i32 to vector<16xi32>
      %parallel_loop3A_561 = arith.addi %parallel_loop3A_548, %parallel_loop3A_560 : vector<16xi32>
      %parallel_loop3A_562 = arith.select %parallel_loop3A_558, %parallel_loop3A_561, %parallel_loop3A_548 : vector<16xi1>, vector<16xi32>
      %parallel_loop3A_563 = vector.shape_cast %parallel_loop3A_562 : vector<16xi32> to vector<16x1xi32>
      %parallel_loop3A_564 = vector.shape_cast %parallel_loop3A_563 : vector<16x1xi32> to vector<16xi32>
      %parallel_loop3A_565 = tpu.dynamic_gather %get3A_2[%parallel_loop3A_564] in [0] : vector<16xf32>, vector<16xi32> -> vector<16xf32>
      %parallel_loop3A_566 = arith.sitofp %parallel_loop3A_548 : vector<16xi32> to vector<16xf32>
      %parallel_loop3A_567 = arith.subf %parallel_loop3A_555, %parallel_loop3A_566 : vector<16xf32>
      %parallel_loop3A_568 = arith.mulf %parallel_loop3A_565, %parallel_loop3A_567 : vector<16xf32>
      %parallel_loop3A_569 = arith.mulf %parallel_loop3A_568, %parallel_loop3A_567 : vector<16xf32>
      %parallel_loop3A_570 = arith.addf %parallel_loop3A_506, %parallel_loop3A_569 : vector<16xf32>
      %parallel_loop3A_571 = arith.constant 16 : i32
      %parallel_loop3A_572 = arith.muli %parallel_loop3A_504, %parallel_loop3A_571 : i32
      %parallel_loop3A_573 = arith.constant 2 : i32
      %parallel_loop3A_574 = arith.index_cast %parallel_loop3A_573 : i32 to index
      %parallel_loop3A_575 = arith.index_cast %parallel_loop3A_572 : i32 to index
      %parallel_loop3A_576 = tpu.vector_load %arg11[%parallel_loop3A_574, %parallel_loop3A_575] {strides = array<i32>} : memref<8x1024xi32, #tpu.memory_space<vmem>>, vector<1x16xi32>,
      %parallel_loop3A_577 = vector.shape_cast %parallel_loop3A_576 : vector<1x16xi32> to vector<16xi32>
      %parallel_loop3A_578 = arith.constant 16 : i32
      %parallel_loop3A_579 = arith.muli %parallel_loop3A_504, %parallel_loop3A_578 : i32
      %parallel_loop3A_580 = arith.constant 2 : i32
      %parallel_loop3A_581 = arith.index_cast %parallel_loop3A_580 : i32 to index
      %parallel_loop3A_582 = arith.index_cast %parallel_loop3A_579 : i32 to index
      %parallel_loop3A_583 = tpu.vector_load %arg7[%parallel_loop3A_581, %parallel_loop3A_582] {strides = array<i32>} : memref<8x1024xf32, #tpu.memory_space<vmem>>, vector<1x16xf32>,
      %parallel_loop3A_584 = vector.shape_cast %parallel_loop3A_583 : vector<1x16xf32> to vector<16xf32>
      %parallel_loop3A_585 = arith.constant 0 : i32
      %parallel_loop3A_586 = vector.broadcast %parallel_loop3A_585 : i32 to vector<16xi32>
      %parallel_loop3A_587 = arith.cmpi slt, %parallel_loop3A_577, %parallel_loop3A_586 : vector<16xi32>
      %parallel_loop3A_588 = arith.constant 16 : i32
      %parallel_loop3A_589 = vector.broadcast %parallel_loop3A_588 : i32 to vector<16xi32>
      %parallel_loop3A_590 = arith.addi %parallel_loop3A_577, %parallel_loop3A_589 : vector<16xi32>
      %parallel_loop3A_591 = arith.select %parallel_loop3A_587, %parallel_loop3A_590, %parallel_loop3A_577 : vector<16xi1>, vector<16xi32>
      %parallel_loop3A_592 = vector.shape_cast %parallel_loop3A_591 : vector<16xi32> to vector<16x1xi32>
      %parallel_loop3A_593 = vector.shape_cast %parallel_loop3A_592 : vector<16x1xi32> to vector<16xi32>
      %parallel_loop3A_594 = tpu.dynamic_gather %get3A_2[%parallel_loop3A_593] in [0] : vector<16xf32>, vector<16xi32> -> vector<16xf32>
      %parallel_loop3A_595 = arith.sitofp %parallel_loop3A_577 : vector<16xi32> to vector<16xf32>
      %parallel_loop3A_596 = arith.subf %parallel_loop3A_584, %parallel_loop3A_595 : vector<16xf32>
      %parallel_loop3A_597 = arith.mulf %parallel_loop3A_594, %parallel_loop3A_596 : vector<16xf32>
      %parallel_loop3A_598 = arith.mulf %parallel_loop3A_597, %parallel_loop3A_596 : vector<16xf32>
      %parallel_loop3A_599 = arith.addf %parallel_loop3A_507, %parallel_loop3A_598 : vector<16xf32>
      %parallel_loop3A_600 = arith.constant 16 : i32
      %parallel_loop3A_601 = arith.muli %parallel_loop3A_504, %parallel_loop3A_600 : i32
      %parallel_loop3A_602 = arith.constant 3 : i32
      %parallel_loop3A_603 = arith.index_cast %parallel_loop3A_602 : i32 to index
      %parallel_loop3A_604 = arith.index_cast %parallel_loop3A_601 : i32 to index
      %parallel_loop3A_605 = tpu.vector_load %arg11[%parallel_loop3A_603, %parallel_loop3A_604] {strides = array<i32>} : memref<8x1024xi32, #tpu.memory_space<vmem>>, vector<1x16xi32>,
      %parallel_loop3A_606 = vector.shape_cast %parallel_loop3A_605 : vector<1x16xi32> to vector<16xi32>
      %parallel_loop3A_607 = arith.constant 16 : i32
      %parallel_loop3A_608 = arith.muli %parallel_loop3A_504, %parallel_loop3A_607 : i32
      %parallel_loop3A_609 = arith.constant 3 : i32
      %parallel_loop3A_610 = arith.index_cast %parallel_loop3A_609 : i32 to index
      %parallel_loop3A_611 = arith.index_cast %parallel_loop3A_608 : i32 to index
      %parallel_loop3A_612 = tpu.vector_load %arg7[%parallel_loop3A_610, %parallel_loop3A_611] {strides = array<i32>} : memref<8x1024xf32, #tpu.memory_space<vmem>>, vector<1x16xf32>,
      %parallel_loop3A_613 = vector.shape_cast %parallel_loop3A_612 : vector<1x16xf32> to vector<16xf32>
      %parallel_loop3A_614 = arith.constant 0 : i32
      %parallel_loop3A_615 = vector.broadcast %parallel_loop3A_614 : i32 to vector<16xi32>
      %parallel_loop3A_616 = arith.cmpi slt, %parallel_loop3A_606, %parallel_loop3A_615 : vector<16xi32>
      %parallel_loop3A_617 = arith.constant 16 : i32
      %parallel_loop3A_618 = vector.broadcast %parallel_loop3A_617 : i32 to vector<16xi32>
      %parallel_loop3A_619 = arith.addi %parallel_loop3A_606, %parallel_loop3A_618 : vector<16xi32>
      %parallel_loop3A_620 = arith.select %parallel_loop3A_616, %parallel_loop3A_619, %parallel_loop3A_606 : vector<16xi1>, vector<16xi32>
      %parallel_loop3A_621 = vector.shape_cast %parallel_loop3A_620 : vector<16xi32> to vector<16x1xi32>
      %parallel_loop3A_622 = vector.shape_cast %parallel_loop3A_621 : vector<16x1xi32> to vector<16xi32>
      %parallel_loop3A_623 = tpu.dynamic_gather %get3A_2[%parallel_loop3A_622] in [0] : vector<16xf32>, vector<16xi32> -> vector<16xf32>
      %parallel_loop3A_624 = arith.sitofp %parallel_loop3A_606 : vector<16xi32> to vector<16xf32>
      %parallel_loop3A_625 = arith.subf %parallel_loop3A_613, %parallel_loop3A_624 : vector<16xf32>
      %parallel_loop3A_626 = arith.mulf %parallel_loop3A_623, %parallel_loop3A_625 : vector<16xf32>
      %parallel_loop3A_627 = arith.mulf %parallel_loop3A_626, %parallel_loop3A_625 : vector<16xf32>
      %parallel_loop3A_628 = arith.addf %parallel_loop3A_508, %parallel_loop3A_627 : vector<16xf32>
      %parallel_loop3A_629 = arith.constant 16 : i32
      %parallel_loop3A_630 = arith.muli %parallel_loop3A_504, %parallel_loop3A_629 : i32
      %parallel_loop3A_631 = arith.constant 4 : i32
      %parallel_loop3A_632 = arith.index_cast %parallel_loop3A_631 : i32 to index
      %parallel_loop3A_633 = arith.index_cast %parallel_loop3A_630 : i32 to index
      %parallel_loop3A_634 = tpu.vector_load %arg11[%parallel_loop3A_632, %parallel_loop3A_633] {strides = array<i32>} : memref<8x1024xi32, #tpu.memory_space<vmem>>, vector<1x16xi32>,
      %parallel_loop3A_635 = vector.shape_cast %parallel_loop3A_634 : vector<1x16xi32> to vector<16xi32>
      %parallel_loop3A_636 = arith.constant 16 : i32
      %parallel_loop3A_637 = arith.muli %parallel_loop3A_504, %parallel_loop3A_636 : i32
      %parallel_loop3A_638 = arith.constant 4 : i32
      %parallel_loop3A_639 = arith.index_cast %parallel_loop3A_638 : i32 to index
      %parallel_loop3A_640 = arith.index_cast %parallel_loop3A_637 : i32 to index
      %parallel_loop3A_641 = tpu.vector_load %arg7[%parallel_loop3A_639, %parallel_loop3A_640] {strides = array<i32>} : memref<8x1024xf32, #tpu.memory_space<vmem>>, vector<1x16xf32>,
      %parallel_loop3A_642 = vector.shape_cast %parallel_loop3A_641 : vector<1x16xf32> to vector<16xf32>
      %parallel_loop3A_643 = arith.constant 0 : i32
      %parallel_loop3A_644 = vector.broadcast %parallel_loop3A_643 : i32 to vector<16xi32>
      %parallel_loop3A_645 = arith.cmpi slt, %parallel_loop3A_635, %parallel_loop3A_644 : vector<16xi32>
      %parallel_loop3A_646 = arith.constant 16 : i32
      %parallel_loop3A_647 = vector.broadcast %parallel_loop3A_646 : i32 to vector<16xi32>
      %parallel_loop3A_648 = arith.addi %parallel_loop3A_635, %parallel_loop3A_647 : vector<16xi32>
      %parallel_loop3A_649 = arith.select %parallel_loop3A_645, %parallel_loop3A_648, %parallel_loop3A_635 : vector<16xi1>, vector<16xi32>
      %parallel_loop3A_650 = vector.shape_cast %parallel_loop3A_649 : vector<16xi32> to vector<16x1xi32>
      %parallel_loop3A_651 = vector.shape_cast %parallel_loop3A_650 : vector<16x1xi32> to vector<16xi32>
      %parallel_loop3A_652 = tpu.dynamic_gather %get3A_2[%parallel_loop3A_651] in [0] : vector<16xf32>, vector<16xi32> -> vector<16xf32>
      %parallel_loop3A_653 = arith.sitofp %parallel_loop3A_635 : vector<16xi32> to vector<16xf32>
      %parallel_loop3A_654 = arith.subf %parallel_loop3A_642, %parallel_loop3A_653 : vector<16xf32>
      %parallel_loop3A_655 = arith.mulf %parallel_loop3A_652, %parallel_loop3A_654 : vector<16xf32>
      %parallel_loop3A_656 = arith.mulf %parallel_loop3A_655, %parallel_loop3A_654 : vector<16xf32>
      %parallel_loop3A_657 = arith.addf %parallel_loop3A_509, %parallel_loop3A_656 : vector<16xf32>
      %parallel_loop3A_658 = arith.constant 16 : i32
      %parallel_loop3A_659 = arith.muli %parallel_loop3A_504, %parallel_loop3A_658 : i32
      %parallel_loop3A_660 = arith.constant 5 : i32
      %parallel_loop3A_661 = arith.index_cast %parallel_loop3A_660 : i32 to index
      %parallel_loop3A_662 = arith.index_cast %parallel_loop3A_659 : i32 to index
      %parallel_loop3A_663 = tpu.vector_load %arg11[%parallel_loop3A_661, %parallel_loop3A_662] {strides = array<i32>} : memref<8x1024xi32, #tpu.memory_space<vmem>>, vector<1x16xi32>,
      %parallel_loop3A_664 = vector.shape_cast %parallel_loop3A_663 : vector<1x16xi32> to vector<16xi32>
      %parallel_loop3A_665 = arith.constant 16 : i32
      %parallel_loop3A_666 = arith.muli %parallel_loop3A_504, %parallel_loop3A_665 : i32
      %parallel_loop3A_667 = arith.constant 5 : i32
      %parallel_loop3A_668 = arith.index_cast %parallel_loop3A_667 : i32 to index
      %parallel_loop3A_669 = arith.index_cast %parallel_loop3A_666 : i32 to index
      %parallel_loop3A_670 = tpu.vector_load %arg7[%parallel_loop3A_668, %parallel_loop3A_669] {strides = array<i32>} : memref<8x1024xf32, #tpu.memory_space<vmem>>, vector<1x16xf32>,
      %parallel_loop3A_671 = vector.shape_cast %parallel_loop3A_670 : vector<1x16xf32> to vector<16xf32>
      %parallel_loop3A_672 = arith.constant 0 : i32
      %parallel_loop3A_673 = vector.broadcast %parallel_loop3A_672 : i32 to vector<16xi32>
      %parallel_loop3A_674 = arith.cmpi slt, %parallel_loop3A_664, %parallel_loop3A_673 : vector<16xi32>
      %parallel_loop3A_675 = arith.constant 16 : i32
      %parallel_loop3A_676 = vector.broadcast %parallel_loop3A_675 : i32 to vector<16xi32>
      %parallel_loop3A_677 = arith.addi %parallel_loop3A_664, %parallel_loop3A_676 : vector<16xi32>
      %parallel_loop3A_678 = arith.select %parallel_loop3A_674, %parallel_loop3A_677, %parallel_loop3A_664 : vector<16xi1>, vector<16xi32>
      %parallel_loop3A_679 = vector.shape_cast %parallel_loop3A_678 : vector<16xi32> to vector<16x1xi32>
      %parallel_loop3A_680 = vector.shape_cast %parallel_loop3A_679 : vector<16x1xi32> to vector<16xi32>
      %parallel_loop3A_681 = tpu.dynamic_gather %get3A_2[%parallel_loop3A_680] in [0] : vector<16xf32>, vector<16xi32> -> vector<16xf32>
      %parallel_loop3A_682 = arith.sitofp %parallel_loop3A_664 : vector<16xi32> to vector<16xf32>
      %parallel_loop3A_683 = arith.subf %parallel_loop3A_671, %parallel_loop3A_682 : vector<16xf32>
      %parallel_loop3A_684 = arith.mulf %parallel_loop3A_681, %parallel_loop3A_683 : vector<16xf32>
      %parallel_loop3A_685 = arith.mulf %parallel_loop3A_684, %parallel_loop3A_683 : vector<16xf32>
      %parallel_loop3A_686 = arith.addf %parallel_loop3A_510, %parallel_loop3A_685 : vector<16xf32>
      %parallel_loop3A_687 = arith.constant 16 : i32
      %parallel_loop3A_688 = arith.muli %parallel_loop3A_504, %parallel_loop3A_687 : i32
      %parallel_loop3A_689 = arith.constant 6 : i32
      %parallel_loop3A_690 = arith.index_cast %parallel_loop3A_689 : i32 to index
      %parallel_loop3A_691 = arith.index_cast %parallel_loop3A_688 : i32 to index
      %parallel_loop3A_692 = tpu.vector_load %arg11[%parallel_loop3A_690, %parallel_loop3A_691] {strides = array<i32>} : memref<8x1024xi32, #tpu.memory_space<vmem>>, vector<1x16xi32>,
      %parallel_loop3A_693 = vector.shape_cast %parallel_loop3A_692 : vector<1x16xi32> to vector<16xi32>
      %parallel_loop3A_694 = arith.constant 16 : i32
      %parallel_loop3A_695 = arith.muli %parallel_loop3A_504, %parallel_loop3A_694 : i32
      %parallel_loop3A_696 = arith.constant 6 : i32
      %parallel_loop3A_697 = arith.index_cast %parallel_loop3A_696 : i32 to index
      %parallel_loop3A_698 = arith.index_cast %parallel_loop3A_695 : i32 to index
      %parallel_loop3A_699 = tpu.vector_load %arg7[%parallel_loop3A_697, %parallel_loop3A_698] {strides = array<i32>} : memref<8x1024xf32, #tpu.memory_space<vmem>>, vector<1x16xf32>,
      %parallel_loop3A_700 = vector.shape_cast %parallel_loop3A_699 : vector<1x16xf32> to vector<16xf32>
      %parallel_loop3A_701 = arith.constant 0 : i32
      %parallel_loop3A_702 = vector.broadcast %parallel_loop3A_701 : i32 to vector<16xi32>
      %parallel_loop3A_703 = arith.cmpi slt, %parallel_loop3A_693, %parallel_loop3A_702 : vector<16xi32>
      %parallel_loop3A_704 = arith.constant 16 : i32
      %parallel_loop3A_705 = vector.broadcast %parallel_loop3A_704 : i32 to vector<16xi32>
      %parallel_loop3A_706 = arith.addi %parallel_loop3A_693, %parallel_loop3A_705 : vector<16xi32>
      %parallel_loop3A_707 = arith.select %parallel_loop3A_703, %parallel_loop3A_706, %parallel_loop3A_693 : vector<16xi1>, vector<16xi32>
      %parallel_loop3A_708 = vector.shape_cast %parallel_loop3A_707 : vector<16xi32> to vector<16x1xi32>
      %parallel_loop3A_709 = vector.shape_cast %parallel_loop3A_708 : vector<16x1xi32> to vector<16xi32>
      %parallel_loop3A_710 = tpu.dynamic_gather %get3A_2[%parallel_loop3A_709] in [0] : vector<16xf32>, vector<16xi32> -> vector<16xf32>
      %parallel_loop3A_711 = arith.sitofp %parallel_loop3A_693 : vector<16xi32> to vector<16xf32>
      %parallel_loop3A_712 = arith.subf %parallel_loop3A_700, %parallel_loop3A_711 : vector<16xf32>
      %parallel_loop3A_713 = arith.mulf %parallel_loop3A_710, %parallel_loop3A_712 : vector<16xf32>
      %parallel_loop3A_714 = arith.mulf %parallel_loop3A_713, %parallel_loop3A_712 : vector<16xf32>
      %parallel_loop3A_715 = arith.addf %parallel_loop3A_511, %parallel_loop3A_714 : vector<16xf32>
      %parallel_loop3A_716 = arith.constant 16 : i32
      %parallel_loop3A_717 = arith.muli %parallel_loop3A_504, %parallel_loop3A_716 : i32
      %parallel_loop3A_718 = arith.constant 7 : i32
      %parallel_loop3A_719 = arith.index_cast %parallel_loop3A_718 : i32 to index
      %parallel_loop3A_720 = arith.index_cast %parallel_loop3A_717 : i32 to index
      %parallel_loop3A_721 = tpu.vector_load %arg11[%parallel_loop3A_719, %parallel_loop3A_720] {strides = array<i32>} : memref<8x1024xi32, #tpu.memory_space<vmem>>, vector<1x16xi32>,
      %parallel_loop3A_722 = vector.shape_cast %parallel_loop3A_721 : vector<1x16xi32> to vector<16xi32>
      %parallel_loop3A_723 = arith.constant 16 : i32
      %parallel_loop3A_724 = arith.muli %parallel_loop3A_504, %parallel_loop3A_723 : i32
      %parallel_loop3A_725 = arith.constant 7 : i32
      %parallel_loop3A_726 = arith.index_cast %parallel_loop3A_725 : i32 to index
      %parallel_loop3A_727 = arith.index_cast %parallel_loop3A_724 : i32 to index
      %parallel_loop3A_728 = tpu.vector_load %arg7[%parallel_loop3A_726, %parallel_loop3A_727] {strides = array<i32>} : memref<8x1024xf32, #tpu.memory_space<vmem>>, vector<1x16xf32>,
      %parallel_loop3A_729 = vector.shape_cast %parallel_loop3A_728 : vector<1x16xf32> to vector<16xf32>
      %parallel_loop3A_730 = arith.constant 0 : i32
      %parallel_loop3A_731 = vector.broadcast %parallel_loop3A_730 : i32 to vector<16xi32>
      %parallel_loop3A_732 = arith.cmpi slt, %parallel_loop3A_722, %parallel_loop3A_731 : vector<16xi32>
      %parallel_loop3A_733 = arith.constant 16 : i32
      %parallel_loop3A_734 = vector.broadcast %parallel_loop3A_733 : i32 to vector<16xi32>
      %parallel_loop3A_735 = arith.addi %parallel_loop3A_722, %parallel_loop3A_734 : vector<16xi32>
      %parallel_loop3A_736 = arith.select %parallel_loop3A_732, %parallel_loop3A_735, %parallel_loop3A_722 : vector<16xi1>, vector<16xi32>
      %parallel_loop3A_737 = vector.shape_cast %parallel_loop3A_736 : vector<16xi32> to vector<16x1xi32>
      %parallel_loop3A_738 = vector.shape_cast %parallel_loop3A_737 : vector<16x1xi32> to vector<16xi32>
      %parallel_loop3A_739 = tpu.dynamic_gather %get3A_2[%parallel_loop3A_738] in [0] : vector<16xf32>, vector<16xi32> -> vector<16xf32>
      %parallel_loop3A_740 = arith.sitofp %parallel_loop3A_722 : vector<16xi32> to vector<16xf32>
      %parallel_loop3A_741 = arith.subf %parallel_loop3A_729, %parallel_loop3A_740 : vector<16xf32>
      %parallel_loop3A_742 = arith.mulf %parallel_loop3A_739, %parallel_loop3A_741 : vector<16xf32>
      %parallel_loop3A_743 = arith.mulf %parallel_loop3A_742, %parallel_loop3A_741 : vector<16xf32>
      %parallel_loop3A_744 = arith.addf %parallel_loop3A_512, %parallel_loop3A_743 : vector<16xf32>
      scf.yield %parallel_loop3A_541, %parallel_loop3A_570, %parallel_loop3A_599, %parallel_loop3A_628, %parallel_loop3A_657, %parallel_loop3A_686, %parallel_loop3A_715, %parallel_loop3A_744 : vector<16xf32>, vector<16xf32>, vector<16xf32>, vector<16xf32>, vector<16xf32>, vector<16xf32>, vector<16xf32>, vector<16xf32>
    } {sc.loop_unroll_factor = 2 : i64, sc.parallel_access}
    %broadcast_in_dim3A_338 = arith.constant 0.000000e+00 : f32
    %broadcast_in_dim3A_339 = vector.broadcast %broadcast_in_dim3A_338 : f32 to vector<16xf32>
    %select_n3A_340 = arith.select %lt3A_317, %parallel_loop3A_337#0, %broadcast_in_dim3A_339 : vector<16xf32>
    %add3A_341 = arith.addf %add3A_243, %select_n3A_340 : vector<16xf32>
    %select_n3A_342 = arith.select %lt3A_317, %parallel_loop3A_337#1, %broadcast_in_dim3A_339 : vector<16xf32>
    %add3A_343 = arith.addf %add3A_245, %select_n3A_342 : vector<16xf32>
    %select_n3A_344 = arith.select %lt3A_317, %parallel_loop3A_337#2, %broadcast_in_dim3A_339 : vector<16xf32>
    %add3A_345 = arith.addf %add3A_247, %select_n3A_344 : vector<16xf32>
    %select_n3A_346 = arith.select %lt3A_317, %parallel_loop3A_337#3, %broadcast_in_dim3A_339 : vector<16xf32>
    %add3A_347 = arith.addf %add3A_249, %select_n3A_346 : vector<16xf32>
    %select_n3A_348 = arith.select %lt3A_317, %parallel_loop3A_337#4, %broadcast_in_dim3A_339 : vector<16xf32>
    %add3A_349 = arith.addf %add3A_251, %select_n3A_348 : vector<16xf32>
    %select_n3A_350 = arith.select %lt3A_317, %parallel_loop3A_337#5, %broadcast_in_dim3A_339 : vector<16xf32>
    %add3A_351 = arith.addf %add3A_253, %select_n3A_350 : vector<16xf32>
    %select_n3A_352 = arith.select %lt3A_317, %parallel_loop3A_337#6, %broadcast_in_dim3A_339 : vector<16xf32>
    %add3A_353 = arith.addf %add3A_255, %select_n3A_352 : vector<16xf32>
    %select_n3A_354 = arith.select %lt3A_317, %parallel_loop3A_337#7, %broadcast_in_dim3A_339 : vector<16xf32>
    %add3A_355 = arith.addf %add3A_257, %select_n3A_354 : vector<16xf32>
    %dma_wait3A_356 = tpu.memref_slice %arg2[%mul3A_139, %mul3A_157] : memref<200x16384xf32, #tpu.memory_space<hbm>> -> memref<8x1024xf32, #tpu.memory_space<hbm>>
    %dma_wait3A_357 = tpu.memref_slice %arg2[%mul3A_139, %mul3A_157] : memref<200x16384xf32, #tpu.memory_space<hbm>> -> memref<8x1024xf32, #tpu.memory_space<hbm>>
    tpu.wait_dma2 semaphore(%arg18 : memref<!tpu.dma_semaphore, #tpu.memory_space<semaphore_mem>>) src(%dma_wait3A_357 : memref<8x1024xf32, #tpu.memory_space<hbm>>) dst(%arg8 : memref<8x1024xf32, #tpu.memory_space<vmem>>)
    %dma_wait3A_358 = tpu.memref_slice %arg3[%mul3A_139, %mul3A_157] : memref<200x16384xi32, #tpu.memory_space<hbm>> -> memref<8x1024xi32, #tpu.memory_space<hbm>>
    %dma_wait3A_359 = tpu.memref_slice %arg3[%mul3A_139, %mul3A_157] : memref<200x16384xi32, #tpu.memory_space<hbm>> -> memref<8x1024xi32, #tpu.memory_space<hbm>>
    tpu.wait_dma2 semaphore(%arg22 : memref<!tpu.dma_semaphore, #tpu.memory_space<semaphore_mem>>) src(%dma_wait3A_359 : memref<8x1024xi32, #tpu.memory_space<hbm>>) dst(%arg12 : memref<8x1024xi32, #tpu.memory_space<vmem>>)
    %add3A_360 = arith.constant 64 : i32
    %add3A_361 = arith.addi %add3A, %add3A_360 : i32
    %lt3A_362 = arith.constant 150 : i32
    %lt3A_363 = arith.cmpi slt, %add3A_361, %lt3A_362 : i32
    %broadcast_in_dim3A_364 = arith.constant 0.000000e+00 : f32
    %broadcast_in_dim3A_365 = vector.broadcast %broadcast_in_dim3A_364 : f32 to vector<16xf32>
    %broadcast_in_dim3A_366 = arith.constant 0.000000e+00 : f32
    %broadcast_in_dim3A_367 = vector.broadcast %broadcast_in_dim3A_366 : f32 to vector<16xf32>
    %broadcast_in_dim3A_368 = arith.constant 0.000000e+00 : f32
    %broadcast_in_dim3A_369 = vector.broadcast %broadcast_in_dim3A_368 : f32 to vector<16xf32>
    %broadcast_in_dim3A_370 = arith.constant 0.000000e+00 : f32
    %broadcast_in_dim3A_371 = vector.broadcast %broadcast_in_dim3A_370 : f32 to vector<16xf32>
    %broadcast_in_dim3A_372 = arith.constant 0.000000e+00 : f32
    %broadcast_in_dim3A_373 = vector.broadcast %broadcast_in_dim3A_372 : f32 to vector<16xf32>
    %broadcast_in_dim3A_374 = arith.constant 0.000000e+00 : f32
    %broadcast_in_dim3A_375 = vector.broadcast %broadcast_in_dim3A_374 : f32 to vector<16xf32>
    %broadcast_in_dim3A_376 = arith.constant 0.000000e+00 : f32
    %broadcast_in_dim3A_377 = vector.broadcast %broadcast_in_dim3A_376 : f32 to vector<16xf32>
    %broadcast_in_dim3A_378 = arith.constant 0.000000e+00 : f32
    %broadcast_in_dim3A_379 = vector.broadcast %broadcast_in_dim3A_378 : f32 to vector<16xf32>
    %parallel_loop3A_380 = arith.constant 0 : i32
    %parallel_loop3A_381 = arith.constant 64 : i32
    %parallel_loop3A_382 = arith.constant 1 : i32
    %parallel_loop3A_383:8 = scf.for %parallel_loop3A_504 = %parallel_loop3A_380 to %parallel_loop3A_381 step %parallel_loop3A_382 iter_args(%parallel_loop3A_505 = %broadcast_in_dim3A_365, %parallel_loop3A_506 = %broadcast_in_dim3A_367, %parallel_loop3A_507 = %broadcast_in_dim3A_369, %parallel_loop3A_508 = %broadcast_in_dim3A_371, %parallel_loop3A_509 = %broadcast_in_dim3A_373, %parallel_loop3A_510 = %broadcast_in_dim3A_375, %parallel_loop3A_511 = %broadcast_in_dim3A_377, %parallel_loop3A_512 = %broadcast_in_dim3A_379) -> (vector<16xf32>, vector<16xf32>, vector<16xf32>, vector<16xf32>, vector<16xf32>, vector<16xf32>, vector<16xf32>, vector<16xf32>)  : i32 {
      %parallel_loop3A_513 = arith.constant 16 : i32
      %parallel_loop3A_514 = arith.muli %parallel_loop3A_504, %parallel_loop3A_513 : i32
      %parallel_loop3A_515 = arith.constant 0 : i32
      %parallel_loop3A_516 = arith.index_cast %parallel_loop3A_515 : i32 to index
      %parallel_loop3A_517 = arith.index_cast %parallel_loop3A_514 : i32 to index
      %parallel_loop3A_518 = tpu.vector_load %arg12[%parallel_loop3A_516, %parallel_loop3A_517] {strides = array<i32>} : memref<8x1024xi32, #tpu.memory_space<vmem>>, vector<1x16xi32>,
      %parallel_loop3A_519 = vector.shape_cast %parallel_loop3A_518 : vector<1x16xi32> to vector<16xi32>
      %parallel_loop3A_520 = arith.constant 16 : i32
      %parallel_loop3A_521 = arith.muli %parallel_loop3A_504, %parallel_loop3A_520 : i32
      %parallel_loop3A_522 = arith.constant 0 : i32
      %parallel_loop3A_523 = arith.index_cast %parallel_loop3A_522 : i32 to index
      %parallel_loop3A_524 = arith.index_cast %parallel_loop3A_521 : i32 to index
      %parallel_loop3A_525 = tpu.vector_load %arg8[%parallel_loop3A_523, %parallel_loop3A_524] {strides = array<i32>} : memref<8x1024xf32, #tpu.memory_space<vmem>>, vector<1x16xf32>,
      %parallel_loop3A_526 = vector.shape_cast %parallel_loop3A_525 : vector<1x16xf32> to vector<16xf32>
      %parallel_loop3A_527 = arith.constant 0 : i32
      %parallel_loop3A_528 = vector.broadcast %parallel_loop3A_527 : i32 to vector<16xi32>
      %parallel_loop3A_529 = arith.cmpi slt, %parallel_loop3A_519, %parallel_loop3A_528 : vector<16xi32>
      %parallel_loop3A_530 = arith.constant 16 : i32
      %parallel_loop3A_531 = vector.broadcast %parallel_loop3A_530 : i32 to vector<16xi32>
      %parallel_loop3A_532 = arith.addi %parallel_loop3A_519, %parallel_loop3A_531 : vector<16xi32>
      %parallel_loop3A_533 = arith.select %parallel_loop3A_529, %parallel_loop3A_532, %parallel_loop3A_519 : vector<16xi1>, vector<16xi32>
      %parallel_loop3A_534 = vector.shape_cast %parallel_loop3A_533 : vector<16xi32> to vector<16x1xi32>
      %parallel_loop3A_535 = vector.shape_cast %parallel_loop3A_534 : vector<16x1xi32> to vector<16xi32>
      %parallel_loop3A_536 = tpu.dynamic_gather %get3A_2[%parallel_loop3A_535] in [0] : vector<16xf32>, vector<16xi32> -> vector<16xf32>
      %parallel_loop3A_537 = arith.sitofp %parallel_loop3A_519 : vector<16xi32> to vector<16xf32>
      %parallel_loop3A_538 = arith.subf %parallel_loop3A_526, %parallel_loop3A_537 : vector<16xf32>
      %parallel_loop3A_539 = arith.mulf %parallel_loop3A_536, %parallel_loop3A_538 : vector<16xf32>
      %parallel_loop3A_540 = arith.mulf %parallel_loop3A_539, %parallel_loop3A_538 : vector<16xf32>
      %parallel_loop3A_541 = arith.addf %parallel_loop3A_505, %parallel_loop3A_540 : vector<16xf32>
      %parallel_loop3A_542 = arith.constant 16 : i32
      %parallel_loop3A_543 = arith.muli %parallel_loop3A_504, %parallel_loop3A_542 : i32
      %parallel_loop3A_544 = arith.constant 1 : i32
      %parallel_loop3A_545 = arith.index_cast %parallel_loop3A_544 : i32 to index
      %parallel_loop3A_546 = arith.index_cast %parallel_loop3A_543 : i32 to index
      %parallel_loop3A_547 = tpu.vector_load %arg12[%parallel_loop3A_545, %parallel_loop3A_546] {strides = array<i32>} : memref<8x1024xi32, #tpu.memory_space<vmem>>, vector<1x16xi32>,
      %parallel_loop3A_548 = vector.shape_cast %parallel_loop3A_547 : vector<1x16xi32> to vector<16xi32>
      %parallel_loop3A_549 = arith.constant 16 : i32
      %parallel_loop3A_550 = arith.muli %parallel_loop3A_504, %parallel_loop3A_549 : i32
      %parallel_loop3A_551 = arith.constant 1 : i32
      %parallel_loop3A_552 = arith.index_cast %parallel_loop3A_551 : i32 to index
      %parallel_loop3A_553 = arith.index_cast %parallel_loop3A_550 : i32 to index
      %parallel_loop3A_554 = tpu.vector_load %arg8[%parallel_loop3A_552, %parallel_loop3A_553] {strides = array<i32>} : memref<8x1024xf32, #tpu.memory_space<vmem>>, vector<1x16xf32>,
      %parallel_loop3A_555 = vector.shape_cast %parallel_loop3A_554 : vector<1x16xf32> to vector<16xf32>
      %parallel_loop3A_556 = arith.constant 0 : i32
      %parallel_loop3A_557 = vector.broadcast %parallel_loop3A_556 : i32 to vector<16xi32>
      %parallel_loop3A_558 = arith.cmpi slt, %parallel_loop3A_548, %parallel_loop3A_557 : vector<16xi32>
      %parallel_loop3A_559 = arith.constant 16 : i32
      %parallel_loop3A_560 = vector.broadcast %parallel_loop3A_559 : i32 to vector<16xi32>
      %parallel_loop3A_561 = arith.addi %parallel_loop3A_548, %parallel_loop3A_560 : vector<16xi32>
      %parallel_loop3A_562 = arith.select %parallel_loop3A_558, %parallel_loop3A_561, %parallel_loop3A_548 : vector<16xi1>, vector<16xi32>
      %parallel_loop3A_563 = vector.shape_cast %parallel_loop3A_562 : vector<16xi32> to vector<16x1xi32>
      %parallel_loop3A_564 = vector.shape_cast %parallel_loop3A_563 : vector<16x1xi32> to vector<16xi32>
      %parallel_loop3A_565 = tpu.dynamic_gather %get3A_2[%parallel_loop3A_564] in [0] : vector<16xf32>, vector<16xi32> -> vector<16xf32>
      %parallel_loop3A_566 = arith.sitofp %parallel_loop3A_548 : vector<16xi32> to vector<16xf32>
      %parallel_loop3A_567 = arith.subf %parallel_loop3A_555, %parallel_loop3A_566 : vector<16xf32>
      %parallel_loop3A_568 = arith.mulf %parallel_loop3A_565, %parallel_loop3A_567 : vector<16xf32>
      %parallel_loop3A_569 = arith.mulf %parallel_loop3A_568, %parallel_loop3A_567 : vector<16xf32>
      %parallel_loop3A_570 = arith.addf %parallel_loop3A_506, %parallel_loop3A_569 : vector<16xf32>
      %parallel_loop3A_571 = arith.constant 16 : i32
      %parallel_loop3A_572 = arith.muli %parallel_loop3A_504, %parallel_loop3A_571 : i32
      %parallel_loop3A_573 = arith.constant 2 : i32
      %parallel_loop3A_574 = arith.index_cast %parallel_loop3A_573 : i32 to index
      %parallel_loop3A_575 = arith.index_cast %parallel_loop3A_572 : i32 to index
      %parallel_loop3A_576 = tpu.vector_load %arg12[%parallel_loop3A_574, %parallel_loop3A_575] {strides = array<i32>} : memref<8x1024xi32, #tpu.memory_space<vmem>>, vector<1x16xi32>,
      %parallel_loop3A_577 = vector.shape_cast %parallel_loop3A_576 : vector<1x16xi32> to vector<16xi32>
      %parallel_loop3A_578 = arith.constant 16 : i32
      %parallel_loop3A_579 = arith.muli %parallel_loop3A_504, %parallel_loop3A_578 : i32
      %parallel_loop3A_580 = arith.constant 2 : i32
      %parallel_loop3A_581 = arith.index_cast %parallel_loop3A_580 : i32 to index
      %parallel_loop3A_582 = arith.index_cast %parallel_loop3A_579 : i32 to index
      %parallel_loop3A_583 = tpu.vector_load %arg8[%parallel_loop3A_581, %parallel_loop3A_582] {strides = array<i32>} : memref<8x1024xf32, #tpu.memory_space<vmem>>, vector<1x16xf32>,
      %parallel_loop3A_584 = vector.shape_cast %parallel_loop3A_583 : vector<1x16xf32> to vector<16xf32>
      %parallel_loop3A_585 = arith.constant 0 : i32
      %parallel_loop3A_586 = vector.broadcast %parallel_loop3A_585 : i32 to vector<16xi32>
      %parallel_loop3A_587 = arith.cmpi slt, %parallel_loop3A_577, %parallel_loop3A_586 : vector<16xi32>
      %parallel_loop3A_588 = arith.constant 16 : i32
      %parallel_loop3A_589 = vector.broadcast %parallel_loop3A_588 : i32 to vector<16xi32>
      %parallel_loop3A_590 = arith.addi %parallel_loop3A_577, %parallel_loop3A_589 : vector<16xi32>
      %parallel_loop3A_591 = arith.select %parallel_loop3A_587, %parallel_loop3A_590, %parallel_loop3A_577 : vector<16xi1>, vector<16xi32>
      %parallel_loop3A_592 = vector.shape_cast %parallel_loop3A_591 : vector<16xi32> to vector<16x1xi32>
      %parallel_loop3A_593 = vector.shape_cast %parallel_loop3A_592 : vector<16x1xi32> to vector<16xi32>
      %parallel_loop3A_594 = tpu.dynamic_gather %get3A_2[%parallel_loop3A_593] in [0] : vector<16xf32>, vector<16xi32> -> vector<16xf32>
      %parallel_loop3A_595 = arith.sitofp %parallel_loop3A_577 : vector<16xi32> to vector<16xf32>
      %parallel_loop3A_596 = arith.subf %parallel_loop3A_584, %parallel_loop3A_595 : vector<16xf32>
      %parallel_loop3A_597 = arith.mulf %parallel_loop3A_594, %parallel_loop3A_596 : vector<16xf32>
      %parallel_loop3A_598 = arith.mulf %parallel_loop3A_597, %parallel_loop3A_596 : vector<16xf32>
      %parallel_loop3A_599 = arith.addf %parallel_loop3A_507, %parallel_loop3A_598 : vector<16xf32>
      %parallel_loop3A_600 = arith.constant 16 : i32
      %parallel_loop3A_601 = arith.muli %parallel_loop3A_504, %parallel_loop3A_600 : i32
      %parallel_loop3A_602 = arith.constant 3 : i32
      %parallel_loop3A_603 = arith.index_cast %parallel_loop3A_602 : i32 to index
      %parallel_loop3A_604 = arith.index_cast %parallel_loop3A_601 : i32 to index
      %parallel_loop3A_605 = tpu.vector_load %arg12[%parallel_loop3A_603, %parallel_loop3A_604] {strides = array<i32>} : memref<8x1024xi32, #tpu.memory_space<vmem>>, vector<1x16xi32>,
      %parallel_loop3A_606 = vector.shape_cast %parallel_loop3A_605 : vector<1x16xi32> to vector<16xi32>
      %parallel_loop3A_607 = arith.constant 16 : i32
      %parallel_loop3A_608 = arith.muli %parallel_loop3A_504, %parallel_loop3A_607 : i32
      %parallel_loop3A_609 = arith.constant 3 : i32
      %parallel_loop3A_610 = arith.index_cast %parallel_loop3A_609 : i32 to index
      %parallel_loop3A_611 = arith.index_cast %parallel_loop3A_608 : i32 to index
      %parallel_loop3A_612 = tpu.vector_load %arg8[%parallel_loop3A_610, %parallel_loop3A_611] {strides = array<i32>} : memref<8x1024xf32, #tpu.memory_space<vmem>>, vector<1x16xf32>,
      %parallel_loop3A_613 = vector.shape_cast %parallel_loop3A_612 : vector<1x16xf32> to vector<16xf32>
      %parallel_loop3A_614 = arith.constant 0 : i32
      %parallel_loop3A_615 = vector.broadcast %parallel_loop3A_614 : i32 to vector<16xi32>
      %parallel_loop3A_616 = arith.cmpi slt, %parallel_loop3A_606, %parallel_loop3A_615 : vector<16xi32>
      %parallel_loop3A_617 = arith.constant 16 : i32
      %parallel_loop3A_618 = vector.broadcast %parallel_loop3A_617 : i32 to vector<16xi32>
      %parallel_loop3A_619 = arith.addi %parallel_loop3A_606, %parallel_loop3A_618 : vector<16xi32>
      %parallel_loop3A_620 = arith.select %parallel_loop3A_616, %parallel_loop3A_619, %parallel_loop3A_606 : vector<16xi1>, vector<16xi32>
      %parallel_loop3A_621 = vector.shape_cast %parallel_loop3A_620 : vector<16xi32> to vector<16x1xi32>
      %parallel_loop3A_622 = vector.shape_cast %parallel_loop3A_621 : vector<16x1xi32> to vector<16xi32>
      %parallel_loop3A_623 = tpu.dynamic_gather %get3A_2[%parallel_loop3A_622] in [0] : vector<16xf32>, vector<16xi32> -> vector<16xf32>
      %parallel_loop3A_624 = arith.sitofp %parallel_loop3A_606 : vector<16xi32> to vector<16xf32>
      %parallel_loop3A_625 = arith.subf %parallel_loop3A_613, %parallel_loop3A_624 : vector<16xf32>
      %parallel_loop3A_626 = arith.mulf %parallel_loop3A_623, %parallel_loop3A_625 : vector<16xf32>
      %parallel_loop3A_627 = arith.mulf %parallel_loop3A_626, %parallel_loop3A_625 : vector<16xf32>
      %parallel_loop3A_628 = arith.addf %parallel_loop3A_508, %parallel_loop3A_627 : vector<16xf32>
      %parallel_loop3A_629 = arith.constant 16 : i32
      %parallel_loop3A_630 = arith.muli %parallel_loop3A_504, %parallel_loop3A_629 : i32
      %parallel_loop3A_631 = arith.constant 4 : i32
      %parallel_loop3A_632 = arith.index_cast %parallel_loop3A_631 : i32 to index
      %parallel_loop3A_633 = arith.index_cast %parallel_loop3A_630 : i32 to index
      %parallel_loop3A_634 = tpu.vector_load %arg12[%parallel_loop3A_632, %parallel_loop3A_633] {strides = array<i32>} : memref<8x1024xi32, #tpu.memory_space<vmem>>, vector<1x16xi32>,
      %parallel_loop3A_635 = vector.shape_cast %parallel_loop3A_634 : vector<1x16xi32> to vector<16xi32>
      %parallel_loop3A_636 = arith.constant 16 : i32
      %parallel_loop3A_637 = arith.muli %parallel_loop3A_504, %parallel_loop3A_636 : i32
      %parallel_loop3A_638 = arith.constant 4 : i32
      %parallel_loop3A_639 = arith.index_cast %parallel_loop3A_638 : i32 to index
      %parallel_loop3A_640 = arith.index_cast %parallel_loop3A_637 : i32 to index
      %parallel_loop3A_641 = tpu.vector_load %arg8[%parallel_loop3A_639, %parallel_loop3A_640] {strides = array<i32>} : memref<8x1024xf32, #tpu.memory_space<vmem>>, vector<1x16xf32>,
      %parallel_loop3A_642 = vector.shape_cast %parallel_loop3A_641 : vector<1x16xf32> to vector<16xf32>
      %parallel_loop3A_643 = arith.constant 0 : i32
      %parallel_loop3A_644 = vector.broadcast %parallel_loop3A_643 : i32 to vector<16xi32>
      %parallel_loop3A_645 = arith.cmpi slt, %parallel_loop3A_635, %parallel_loop3A_644 : vector<16xi32>
      %parallel_loop3A_646 = arith.constant 16 : i32
      %parallel_loop3A_647 = vector.broadcast %parallel_loop3A_646 : i32 to vector<16xi32>
      %parallel_loop3A_648 = arith.addi %parallel_loop3A_635, %parallel_loop3A_647 : vector<16xi32>
      %parallel_loop3A_649 = arith.select %parallel_loop3A_645, %parallel_loop3A_648, %parallel_loop3A_635 : vector<16xi1>, vector<16xi32>
      %parallel_loop3A_650 = vector.shape_cast %parallel_loop3A_649 : vector<16xi32> to vector<16x1xi32>
      %parallel_loop3A_651 = vector.shape_cast %parallel_loop3A_650 : vector<16x1xi32> to vector<16xi32>
      %parallel_loop3A_652 = tpu.dynamic_gather %get3A_2[%parallel_loop3A_651] in [0] : vector<16xf32>, vector<16xi32> -> vector<16xf32>
      %parallel_loop3A_653 = arith.sitofp %parallel_loop3A_635 : vector<16xi32> to vector<16xf32>
      %parallel_loop3A_654 = arith.subf %parallel_loop3A_642, %parallel_loop3A_653 : vector<16xf32>
      %parallel_loop3A_655 = arith.mulf %parallel_loop3A_652, %parallel_loop3A_654 : vector<16xf32>
      %parallel_loop3A_656 = arith.mulf %parallel_loop3A_655, %parallel_loop3A_654 : vector<16xf32>
      %parallel_loop3A_657 = arith.addf %parallel_loop3A_509, %parallel_loop3A_656 : vector<16xf32>
      %parallel_loop3A_658 = arith.constant 16 : i32
      %parallel_loop3A_659 = arith.muli %parallel_loop3A_504, %parallel_loop3A_658 : i32
      %parallel_loop3A_660 = arith.constant 5 : i32
      %parallel_loop3A_661 = arith.index_cast %parallel_loop3A_660 : i32 to index
      %parallel_loop3A_662 = arith.index_cast %parallel_loop3A_659 : i32 to index
      %parallel_loop3A_663 = tpu.vector_load %arg12[%parallel_loop3A_661, %parallel_loop3A_662] {strides = array<i32>} : memref<8x1024xi32, #tpu.memory_space<vmem>>, vector<1x16xi32>,
      %parallel_loop3A_664 = vector.shape_cast %parallel_loop3A_663 : vector<1x16xi32> to vector<16xi32>
      %parallel_loop3A_665 = arith.constant 16 : i32
      %parallel_loop3A_666 = arith.muli %parallel_loop3A_504, %parallel_loop3A_665 : i32
      %parallel_loop3A_667 = arith.constant 5 : i32
      %parallel_loop3A_668 = arith.index_cast %parallel_loop3A_667 : i32 to index
      %parallel_loop3A_669 = arith.index_cast %parallel_loop3A_666 : i32 to index
      %parallel_loop3A_670 = tpu.vector_load %arg8[%parallel_loop3A_668, %parallel_loop3A_669] {strides = array<i32>} : memref<8x1024xf32, #tpu.memory_space<vmem>>, vector<1x16xf32>,
      %parallel_loop3A_671 = vector.shape_cast %parallel_loop3A_670 : vector<1x16xf32> to vector<16xf32>
      %parallel_loop3A_672 = arith.constant 0 : i32
      %parallel_loop3A_673 = vector.broadcast %parallel_loop3A_672 : i32 to vector<16xi32>
      %parallel_loop3A_674 = arith.cmpi slt, %parallel_loop3A_664, %parallel_loop3A_673 : vector<16xi32>
      %parallel_loop3A_675 = arith.constant 16 : i32
      %parallel_loop3A_676 = vector.broadcast %parallel_loop3A_675 : i32 to vector<16xi32>
      %parallel_loop3A_677 = arith.addi %parallel_loop3A_664, %parallel_loop3A_676 : vector<16xi32>
      %parallel_loop3A_678 = arith.select %parallel_loop3A_674, %parallel_loop3A_677, %parallel_loop3A_664 : vector<16xi1>, vector<16xi32>
      %parallel_loop3A_679 = vector.shape_cast %parallel_loop3A_678 : vector<16xi32> to vector<16x1xi32>
      %parallel_loop3A_680 = vector.shape_cast %parallel_loop3A_679 : vector<16x1xi32> to vector<16xi32>
      %parallel_loop3A_681 = tpu.dynamic_gather %get3A_2[%parallel_loop3A_680] in [0] : vector<16xf32>, vector<16xi32> -> vector<16xf32>
      %parallel_loop3A_682 = arith.sitofp %parallel_loop3A_664 : vector<16xi32> to vector<16xf32>
      %parallel_loop3A_683 = arith.subf %parallel_loop3A_671, %parallel_loop3A_682 : vector<16xf32>
      %parallel_loop3A_684 = arith.mulf %parallel_loop3A_681, %parallel_loop3A_683 : vector<16xf32>
      %parallel_loop3A_685 = arith.mulf %parallel_loop3A_684, %parallel_loop3A_683 : vector<16xf32>
      %parallel_loop3A_686 = arith.addf %parallel_loop3A_510, %parallel_loop3A_685 : vector<16xf32>
      %parallel_loop3A_687 = arith.constant 16 : i32
      %parallel_loop3A_688 = arith.muli %parallel_loop3A_504, %parallel_loop3A_687 : i32
      %parallel_loop3A_689 = arith.constant 6 : i32
      %parallel_loop3A_690 = arith.index_cast %parallel_loop3A_689 : i32 to index
      %parallel_loop3A_691 = arith.index_cast %parallel_loop3A_688 : i32 to index
      %parallel_loop3A_692 = tpu.vector_load %arg12[%parallel_loop3A_690, %parallel_loop3A_691] {strides = array<i32>} : memref<8x1024xi32, #tpu.memory_space<vmem>>, vector<1x16xi32>,
      %parallel_loop3A_693 = vector.shape_cast %parallel_loop3A_692 : vector<1x16xi32> to vector<16xi32>
      %parallel_loop3A_694 = arith.constant 16 : i32
      %parallel_loop3A_695 = arith.muli %parallel_loop3A_504, %parallel_loop3A_694 : i32
      %parallel_loop3A_696 = arith.constant 6 : i32
      %parallel_loop3A_697 = arith.index_cast %parallel_loop3A_696 : i32 to index
      %parallel_loop3A_698 = arith.index_cast %parallel_loop3A_695 : i32 to index
      %parallel_loop3A_699 = tpu.vector_load %arg8[%parallel_loop3A_697, %parallel_loop3A_698] {strides = array<i32>} : memref<8x1024xf32, #tpu.memory_space<vmem>>, vector<1x16xf32>,
      %parallel_loop3A_700 = vector.shape_cast %parallel_loop3A_699 : vector<1x16xf32> to vector<16xf32>
      %parallel_loop3A_701 = arith.constant 0 : i32
      %parallel_loop3A_702 = vector.broadcast %parallel_loop3A_701 : i32 to vector<16xi32>
      %parallel_loop3A_703 = arith.cmpi slt, %parallel_loop3A_693, %parallel_loop3A_702 : vector<16xi32>
      %parallel_loop3A_704 = arith.constant 16 : i32
      %parallel_loop3A_705 = vector.broadcast %parallel_loop3A_704 : i32 to vector<16xi32>
      %parallel_loop3A_706 = arith.addi %parallel_loop3A_693, %parallel_loop3A_705 : vector<16xi32>
      %parallel_loop3A_707 = arith.select %parallel_loop3A_703, %parallel_loop3A_706, %parallel_loop3A_693 : vector<16xi1>, vector<16xi32>
      %parallel_loop3A_708 = vector.shape_cast %parallel_loop3A_707 : vector<16xi32> to vector<16x1xi32>
      %parallel_loop3A_709 = vector.shape_cast %parallel_loop3A_708 : vector<16x1xi32> to vector<16xi32>
      %parallel_loop3A_710 = tpu.dynamic_gather %get3A_2[%parallel_loop3A_709] in [0] : vector<16xf32>, vector<16xi32> -> vector<16xf32>
      %parallel_loop3A_711 = arith.sitofp %parallel_loop3A_693 : vector<16xi32> to vector<16xf32>
      %parallel_loop3A_712 = arith.subf %parallel_loop3A_700, %parallel_loop3A_711 : vector<16xf32>
      %parallel_loop3A_713 = arith.mulf %parallel_loop3A_710, %parallel_loop3A_712 : vector<16xf32>
      %parallel_loop3A_714 = arith.mulf %parallel_loop3A_713, %parallel_loop3A_712 : vector<16xf32>
      %parallel_loop3A_715 = arith.addf %parallel_loop3A_511, %parallel_loop3A_714 : vector<16xf32>
      %parallel_loop3A_716 = arith.constant 16 : i32
      %parallel_loop3A_717 = arith.muli %parallel_loop3A_504, %parallel_loop3A_716 : i32
      %parallel_loop3A_718 = arith.constant 7 : i32
      %parallel_loop3A_719 = arith.index_cast %parallel_loop3A_718 : i32 to index
      %parallel_loop3A_720 = arith.index_cast %parallel_loop3A_717 : i32 to index
      %parallel_loop3A_721 = tpu.vector_load %arg12[%parallel_loop3A_719, %parallel_loop3A_720] {strides = array<i32>} : memref<8x1024xi32, #tpu.memory_space<vmem>>, vector<1x16xi32>,
      %parallel_loop3A_722 = vector.shape_cast %parallel_loop3A_721 : vector<1x16xi32> to vector<16xi32>
      %parallel_loop3A_723 = arith.constant 16 : i32
      %parallel_loop3A_724 = arith.muli %parallel_loop3A_504, %parallel_loop3A_723 : i32
      %parallel_loop3A_725 = arith.constant 7 : i32
      %parallel_loop3A_726 = arith.index_cast %parallel_loop3A_725 : i32 to index
      %parallel_loop3A_727 = arith.index_cast %parallel_loop3A_724 : i32 to index
      %parallel_loop3A_728 = tpu.vector_load %arg8[%parallel_loop3A_726, %parallel_loop3A_727] {strides = array<i32>} : memref<8x1024xf32, #tpu.memory_space<vmem>>, vector<1x16xf32>,
      %parallel_loop3A_729 = vector.shape_cast %parallel_loop3A_728 : vector<1x16xf32> to vector<16xf32>
      %parallel_loop3A_730 = arith.constant 0 : i32
      %parallel_loop3A_731 = vector.broadcast %parallel_loop3A_730 : i32 to vector<16xi32>
      %parallel_loop3A_732 = arith.cmpi slt, %parallel_loop3A_722, %parallel_loop3A_731 : vector<16xi32>
      %parallel_loop3A_733 = arith.constant 16 : i32
      %parallel_loop3A_734 = vector.broadcast %parallel_loop3A_733 : i32 to vector<16xi32>
      %parallel_loop3A_735 = arith.addi %parallel_loop3A_722, %parallel_loop3A_734 : vector<16xi32>
      %parallel_loop3A_736 = arith.select %parallel_loop3A_732, %parallel_loop3A_735, %parallel_loop3A_722 : vector<16xi1>, vector<16xi32>
      %parallel_loop3A_737 = vector.shape_cast %parallel_loop3A_736 : vector<16xi32> to vector<16x1xi32>
      %parallel_loop3A_738 = vector.shape_cast %parallel_loop3A_737 : vector<16x1xi32> to vector<16xi32>
      %parallel_loop3A_739 = tpu.dynamic_gather %get3A_2[%parallel_loop3A_738] in [0] : vector<16xf32>, vector<16xi32> -> vector<16xf32>
      %parallel_loop3A_740 = arith.sitofp %parallel_loop3A_722 : vector<16xi32> to vector<16xf32>
      %parallel_loop3A_741 = arith.subf %parallel_loop3A_729, %parallel_loop3A_740 : vector<16xf32>
      %parallel_loop3A_742 = arith.mulf %parallel_loop3A_739, %parallel_loop3A_741 : vector<16xf32>
      %parallel_loop3A_743 = arith.mulf %parallel_loop3A_742, %parallel_loop3A_741 : vector<16xf32>
      %parallel_loop3A_744 = arith.addf %parallel_loop3A_512, %parallel_loop3A_743 : vector<16xf32>
      scf.yield %parallel_loop3A_541, %parallel_loop3A_570, %parallel_loop3A_599, %parallel_loop3A_628, %parallel_loop3A_657, %parallel_loop3A_686, %parallel_loop3A_715, %parallel_loop3A_744 : vector<16xf32>, vector<16xf32>, vector<16xf32>, vector<16xf32>, vector<16xf32>, vector<16xf32>, vector<16xf32>, vector<16xf32>
    } {sc.loop_unroll_factor = 2 : i64, sc.parallel_access}
    %broadcast_in_dim3A_384 = arith.constant 0.000000e+00 : f32
    %broadcast_in_dim3A_385 = vector.broadcast %broadcast_in_dim3A_384 : f32 to vector<16xf32>
    %select_n3A_386 = arith.select %lt3A_363, %parallel_loop3A_383#0, %broadcast_in_dim3A_385 : vector<16xf32>
    %add3A_387 = arith.addf %add3A_341, %select_n3A_386 : vector<16xf32>
    %select_n3A_388 = arith.select %lt3A_363, %parallel_loop3A_383#1, %broadcast_in_dim3A_385 : vector<16xf32>
    %add3A_389 = arith.addf %add3A_343, %select_n3A_388 : vector<16xf32>
    %select_n3A_390 = arith.select %lt3A_363, %parallel_loop3A_383#2, %broadcast_in_dim3A_385 : vector<16xf32>
    %add3A_391 = arith.addf %add3A_345, %select_n3A_390 : vector<16xf32>
    %select_n3A_392 = arith.select %lt3A_363, %parallel_loop3A_383#3, %broadcast_in_dim3A_385 : vector<16xf32>
    %add3A_393 = arith.addf %add3A_347, %select_n3A_392 : vector<16xf32>
    %select_n3A_394 = arith.select %lt3A_363, %parallel_loop3A_383#4, %broadcast_in_dim3A_385 : vector<16xf32>
    %add3A_395 = arith.addf %add3A_349, %select_n3A_394 : vector<16xf32>
    %select_n3A_396 = arith.select %lt3A_363, %parallel_loop3A_383#5, %broadcast_in_dim3A_385 : vector<16xf32>
    %add3A_397 = arith.addf %add3A_351, %select_n3A_396 : vector<16xf32>
    %select_n3A_398 = arith.select %lt3A_363, %parallel_loop3A_383#6, %broadcast_in_dim3A_385 : vector<16xf32>
    %add3A_399 = arith.addf %add3A_353, %select_n3A_398 : vector<16xf32>
    %select_n3A_400 = arith.select %lt3A_363, %parallel_loop3A_383#7, %broadcast_in_dim3A_385 : vector<16xf32>
    %add3A_401 = arith.addf %add3A_355, %select_n3A_400 : vector<16xf32>
    %dma_wait3A_402 = tpu.memref_slice %arg2[%mul3A_191, %mul3A_209] : memref<200x16384xf32, #tpu.memory_space<hbm>> -> memref<8x1024xf32, #tpu.memory_space<hbm>>
    %dma_wait3A_403 = tpu.memref_slice %arg2[%mul3A_191, %mul3A_209] : memref<200x16384xf32, #tpu.memory_space<hbm>> -> memref<8x1024xf32, #tpu.memory_space<hbm>>
    tpu.wait_dma2 semaphore(%arg19 : memref<!tpu.dma_semaphore, #tpu.memory_space<semaphore_mem>>) src(%dma_wait3A_403 : memref<8x1024xf32, #tpu.memory_space<hbm>>) dst(%arg9 : memref<8x1024xf32, #tpu.memory_space<vmem>>)
    %dma_wait3A_404 = tpu.memref_slice %arg3[%mul3A_191, %mul3A_209] : memref<200x16384xi32, #tpu.memory_space<hbm>> -> memref<8x1024xi32, #tpu.memory_space<hbm>>
    %dma_wait3A_405 = tpu.memref_slice %arg3[%mul3A_191, %mul3A_209] : memref<200x16384xi32, #tpu.memory_space<hbm>> -> memref<8x1024xi32, #tpu.memory_space<hbm>>
    tpu.wait_dma2 semaphore(%arg23 : memref<!tpu.dma_semaphore, #tpu.memory_space<semaphore_mem>>) src(%dma_wait3A_405 : memref<8x1024xi32, #tpu.memory_space<hbm>>) dst(%arg13 : memref<8x1024xi32, #tpu.memory_space<vmem>>)
    %add3A_406 = arith.constant 96 : i32
    %add3A_407 = arith.addi %add3A, %add3A_406 : i32
    %lt3A_408 = arith.constant 150 : i32
    %lt3A_409 = arith.cmpi slt, %add3A_407, %lt3A_408 : i32
    %broadcast_in_dim3A_410 = arith.constant 0.000000e+00 : f32
    %broadcast_in_dim3A_411 = vector.broadcast %broadcast_in_dim3A_410 : f32 to vector<16xf32>
    %broadcast_in_dim3A_412 = arith.constant 0.000000e+00 : f32
    %broadcast_in_dim3A_413 = vector.broadcast %broadcast_in_dim3A_412 : f32 to vector<16xf32>
    %broadcast_in_dim3A_414 = arith.constant 0.000000e+00 : f32
    %broadcast_in_dim3A_415 = vector.broadcast %broadcast_in_dim3A_414 : f32 to vector<16xf32>
    %broadcast_in_dim3A_416 = arith.constant 0.000000e+00 : f32
    %broadcast_in_dim3A_417 = vector.broadcast %broadcast_in_dim3A_416 : f32 to vector<16xf32>
    %broadcast_in_dim3A_418 = arith.constant 0.000000e+00 : f32
    %broadcast_in_dim3A_419 = vector.broadcast %broadcast_in_dim3A_418 : f32 to vector<16xf32>
    %broadcast_in_dim3A_420 = arith.constant 0.000000e+00 : f32
    %broadcast_in_dim3A_421 = vector.broadcast %broadcast_in_dim3A_420 : f32 to vector<16xf32>
    %broadcast_in_dim3A_422 = arith.constant 0.000000e+00 : f32
    %broadcast_in_dim3A_423 = vector.broadcast %broadcast_in_dim3A_422 : f32 to vector<16xf32>
    %broadcast_in_dim3A_424 = arith.constant 0.000000e+00 : f32
    %broadcast_in_dim3A_425 = vector.broadcast %broadcast_in_dim3A_424 : f32 to vector<16xf32>
    %parallel_loop3A_426 = arith.constant 0 : i32
    %parallel_loop3A_427 = arith.constant 64 : i32
    %parallel_loop3A_428 = arith.constant 1 : i32
    %parallel_loop3A_429:8 = scf.for %parallel_loop3A_504 = %parallel_loop3A_426 to %parallel_loop3A_427 step %parallel_loop3A_428 iter_args(%parallel_loop3A_505 = %broadcast_in_dim3A_411, %parallel_loop3A_506 = %broadcast_in_dim3A_413, %parallel_loop3A_507 = %broadcast_in_dim3A_415, %parallel_loop3A_508 = %broadcast_in_dim3A_417, %parallel_loop3A_509 = %broadcast_in_dim3A_419, %parallel_loop3A_510 = %broadcast_in_dim3A_421, %parallel_loop3A_511 = %broadcast_in_dim3A_423, %parallel_loop3A_512 = %broadcast_in_dim3A_425) -> (vector<16xf32>, vector<16xf32>, vector<16xf32>, vector<16xf32>, vector<16xf32>, vector<16xf32>, vector<16xf32>, vector<16xf32>)  : i32 {
      %parallel_loop3A_513 = arith.constant 16 : i32
      %parallel_loop3A_514 = arith.muli %parallel_loop3A_504, %parallel_loop3A_513 : i32
      %parallel_loop3A_515 = arith.constant 0 : i32
      %parallel_loop3A_516 = arith.index_cast %parallel_loop3A_515 : i32 to index
      %parallel_loop3A_517 = arith.index_cast %parallel_loop3A_514 : i32 to index
      %parallel_loop3A_518 = tpu.vector_load %arg13[%parallel_loop3A_516, %parallel_loop3A_517] {strides = array<i32>} : memref<8x1024xi32, #tpu.memory_space<vmem>>, vector<1x16xi32>,
      %parallel_loop3A_519 = vector.shape_cast %parallel_loop3A_518 : vector<1x16xi32> to vector<16xi32>
      %parallel_loop3A_520 = arith.constant 16 : i32
      %parallel_loop3A_521 = arith.muli %parallel_loop3A_504, %parallel_loop3A_520 : i32
      %parallel_loop3A_522 = arith.constant 0 : i32
      %parallel_loop3A_523 = arith.index_cast %parallel_loop3A_522 : i32 to index
      %parallel_loop3A_524 = arith.index_cast %parallel_loop3A_521 : i32 to index
      %parallel_loop3A_525 = tpu.vector_load %arg9[%parallel_loop3A_523, %parallel_loop3A_524] {strides = array<i32>} : memref<8x1024xf32, #tpu.memory_space<vmem>>, vector<1x16xf32>,
      %parallel_loop3A_526 = vector.shape_cast %parallel_loop3A_525 : vector<1x16xf32> to vector<16xf32>
      %parallel_loop3A_527 = arith.constant 0 : i32
      %parallel_loop3A_528 = vector.broadcast %parallel_loop3A_527 : i32 to vector<16xi32>
      %parallel_loop3A_529 = arith.cmpi slt, %parallel_loop3A_519, %parallel_loop3A_528 : vector<16xi32>
      %parallel_loop3A_530 = arith.constant 16 : i32
      %parallel_loop3A_531 = vector.broadcast %parallel_loop3A_530 : i32 to vector<16xi32>
      %parallel_loop3A_532 = arith.addi %parallel_loop3A_519, %parallel_loop3A_531 : vector<16xi32>
      %parallel_loop3A_533 = arith.select %parallel_loop3A_529, %parallel_loop3A_532, %parallel_loop3A_519 : vector<16xi1>, vector<16xi32>
      %parallel_loop3A_534 = vector.shape_cast %parallel_loop3A_533 : vector<16xi32> to vector<16x1xi32>
      %parallel_loop3A_535 = vector.shape_cast %parallel_loop3A_534 : vector<16x1xi32> to vector<16xi32>
      %parallel_loop3A_536 = tpu.dynamic_gather %get3A_2[%parallel_loop3A_535] in [0] : vector<16xf32>, vector<16xi32> -> vector<16xf32>
      %parallel_loop3A_537 = arith.sitofp %parallel_loop3A_519 : vector<16xi32> to vector<16xf32>
      %parallel_loop3A_538 = arith.subf %parallel_loop3A_526, %parallel_loop3A_537 : vector<16xf32>
      %parallel_loop3A_539 = arith.mulf %parallel_loop3A_536, %parallel_loop3A_538 : vector<16xf32>
      %parallel_loop3A_540 = arith.mulf %parallel_loop3A_539, %parallel_loop3A_538 : vector<16xf32>
      %parallel_loop3A_541 = arith.addf %parallel_loop3A_505, %parallel_loop3A_540 : vector<16xf32>
      %parallel_loop3A_542 = arith.constant 16 : i32
      %parallel_loop3A_543 = arith.muli %parallel_loop3A_504, %parallel_loop3A_542 : i32
      %parallel_loop3A_544 = arith.constant 1 : i32
      %parallel_loop3A_545 = arith.index_cast %parallel_loop3A_544 : i32 to index
      %parallel_loop3A_546 = arith.index_cast %parallel_loop3A_543 : i32 to index
      %parallel_loop3A_547 = tpu.vector_load %arg13[%parallel_loop3A_545, %parallel_loop3A_546] {strides = array<i32>} : memref<8x1024xi32, #tpu.memory_space<vmem>>, vector<1x16xi32>,
      %parallel_loop3A_548 = vector.shape_cast %parallel_loop3A_547 : vector<1x16xi32> to vector<16xi32>
      %parallel_loop3A_549 = arith.constant 16 : i32
      %parallel_loop3A_550 = arith.muli %parallel_loop3A_504, %parallel_loop3A_549 : i32
      %parallel_loop3A_551 = arith.constant 1 : i32
      %parallel_loop3A_552 = arith.index_cast %parallel_loop3A_551 : i32 to index
      %parallel_loop3A_553 = arith.index_cast %parallel_loop3A_550 : i32 to index
      %parallel_loop3A_554 = tpu.vector_load %arg9[%parallel_loop3A_552, %parallel_loop3A_553] {strides = array<i32>} : memref<8x1024xf32, #tpu.memory_space<vmem>>, vector<1x16xf32>,
      %parallel_loop3A_555 = vector.shape_cast %parallel_loop3A_554 : vector<1x16xf32> to vector<16xf32>
      %parallel_loop3A_556 = arith.constant 0 : i32
      %parallel_loop3A_557 = vector.broadcast %parallel_loop3A_556 : i32 to vector<16xi32>
      %parallel_loop3A_558 = arith.cmpi slt, %parallel_loop3A_548, %parallel_loop3A_557 : vector<16xi32>
      %parallel_loop3A_559 = arith.constant 16 : i32
      %parallel_loop3A_560 = vector.broadcast %parallel_loop3A_559 : i32 to vector<16xi32>
      %parallel_loop3A_561 = arith.addi %parallel_loop3A_548, %parallel_loop3A_560 : vector<16xi32>
      %parallel_loop3A_562 = arith.select %parallel_loop3A_558, %parallel_loop3A_561, %parallel_loop3A_548 : vector<16xi1>, vector<16xi32>
      %parallel_loop3A_563 = vector.shape_cast %parallel_loop3A_562 : vector<16xi32> to vector<16x1xi32>
      %parallel_loop3A_564 = vector.shape_cast %parallel_loop3A_563 : vector<16x1xi32> to vector<16xi32>
      %parallel_loop3A_565 = tpu.dynamic_gather %get3A_2[%parallel_loop3A_564] in [0] : vector<16xf32>, vector<16xi32> -> vector<16xf32>
      %parallel_loop3A_566 = arith.sitofp %parallel_loop3A_548 : vector<16xi32> to vector<16xf32>
      %parallel_loop3A_567 = arith.subf %parallel_loop3A_555, %parallel_loop3A_566 : vector<16xf32>
      %parallel_loop3A_568 = arith.mulf %parallel_loop3A_565, %parallel_loop3A_567 : vector<16xf32>
      %parallel_loop3A_569 = arith.mulf %parallel_loop3A_568, %parallel_loop3A_567 : vector<16xf32>
      %parallel_loop3A_570 = arith.addf %parallel_loop3A_506, %parallel_loop3A_569 : vector<16xf32>
      %parallel_loop3A_571 = arith.constant 16 : i32
      %parallel_loop3A_572 = arith.muli %parallel_loop3A_504, %parallel_loop3A_571 : i32
      %parallel_loop3A_573 = arith.constant 2 : i32
      %parallel_loop3A_574 = arith.index_cast %parallel_loop3A_573 : i32 to index
      %parallel_loop3A_575 = arith.index_cast %parallel_loop3A_572 : i32 to index
      %parallel_loop3A_576 = tpu.vector_load %arg13[%parallel_loop3A_574, %parallel_loop3A_575] {strides = array<i32>} : memref<8x1024xi32, #tpu.memory_space<vmem>>, vector<1x16xi32>,
      %parallel_loop3A_577 = vector.shape_cast %parallel_loop3A_576 : vector<1x16xi32> to vector<16xi32>
      %parallel_loop3A_578 = arith.constant 16 : i32
      %parallel_loop3A_579 = arith.muli %parallel_loop3A_504, %parallel_loop3A_578 : i32
      %parallel_loop3A_580 = arith.constant 2 : i32
      %parallel_loop3A_581 = arith.index_cast %parallel_loop3A_580 : i32 to index
      %parallel_loop3A_582 = arith.index_cast %parallel_loop3A_579 : i32 to index
      %parallel_loop3A_583 = tpu.vector_load %arg9[%parallel_loop3A_581, %parallel_loop3A_582] {strides = array<i32>} : memref<8x1024xf32, #tpu.memory_space<vmem>>, vector<1x16xf32>,
      %parallel_loop3A_584 = vector.shape_cast %parallel_loop3A_583 : vector<1x16xf32> to vector<16xf32>
      %parallel_loop3A_585 = arith.constant 0 : i32
      %parallel_loop3A_586 = vector.broadcast %parallel_loop3A_585 : i32 to vector<16xi32>
      %parallel_loop3A_587 = arith.cmpi slt, %parallel_loop3A_577, %parallel_loop3A_586 : vector<16xi32>
      %parallel_loop3A_588 = arith.constant 16 : i32
      %parallel_loop3A_589 = vector.broadcast %parallel_loop3A_588 : i32 to vector<16xi32>
      %parallel_loop3A_590 = arith.addi %parallel_loop3A_577, %parallel_loop3A_589 : vector<16xi32>
      %parallel_loop3A_591 = arith.select %parallel_loop3A_587, %parallel_loop3A_590, %parallel_loop3A_577 : vector<16xi1>, vector<16xi32>
      %parallel_loop3A_592 = vector.shape_cast %parallel_loop3A_591 : vector<16xi32> to vector<16x1xi32>
      %parallel_loop3A_593 = vector.shape_cast %parallel_loop3A_592 : vector<16x1xi32> to vector<16xi32>
      %parallel_loop3A_594 = tpu.dynamic_gather %get3A_2[%parallel_loop3A_593] in [0] : vector<16xf32>, vector<16xi32> -> vector<16xf32>
      %parallel_loop3A_595 = arith.sitofp %parallel_loop3A_577 : vector<16xi32> to vector<16xf32>
      %parallel_loop3A_596 = arith.subf %parallel_loop3A_584, %parallel_loop3A_595 : vector<16xf32>
      %parallel_loop3A_597 = arith.mulf %parallel_loop3A_594, %parallel_loop3A_596 : vector<16xf32>
      %parallel_loop3A_598 = arith.mulf %parallel_loop3A_597, %parallel_loop3A_596 : vector<16xf32>
      %parallel_loop3A_599 = arith.addf %parallel_loop3A_507, %parallel_loop3A_598 : vector<16xf32>
      %parallel_loop3A_600 = arith.constant 16 : i32
      %parallel_loop3A_601 = arith.muli %parallel_loop3A_504, %parallel_loop3A_600 : i32
      %parallel_loop3A_602 = arith.constant 3 : i32
      %parallel_loop3A_603 = arith.index_cast %parallel_loop3A_602 : i32 to index
      %parallel_loop3A_604 = arith.index_cast %parallel_loop3A_601 : i32 to index
      %parallel_loop3A_605 = tpu.vector_load %arg13[%parallel_loop3A_603, %parallel_loop3A_604] {strides = array<i32>} : memref<8x1024xi32, #tpu.memory_space<vmem>>, vector<1x16xi32>,
      %parallel_loop3A_606 = vector.shape_cast %parallel_loop3A_605 : vector<1x16xi32> to vector<16xi32>
      %parallel_loop3A_607 = arith.constant 16 : i32
      %parallel_loop3A_608 = arith.muli %parallel_loop3A_504, %parallel_loop3A_607 : i32
      %parallel_loop3A_609 = arith.constant 3 : i32
      %parallel_loop3A_610 = arith.index_cast %parallel_loop3A_609 : i32 to index
      %parallel_loop3A_611 = arith.index_cast %parallel_loop3A_608 : i32 to index
      %parallel_loop3A_612 = tpu.vector_load %arg9[%parallel_loop3A_610, %parallel_loop3A_611] {strides = array<i32>} : memref<8x1024xf32, #tpu.memory_space<vmem>>, vector<1x16xf32>,
      %parallel_loop3A_613 = vector.shape_cast %parallel_loop3A_612 : vector<1x16xf32> to vector<16xf32>
      %parallel_loop3A_614 = arith.constant 0 : i32
      %parallel_loop3A_615 = vector.broadcast %parallel_loop3A_614 : i32 to vector<16xi32>
      %parallel_loop3A_616 = arith.cmpi slt, %parallel_loop3A_606, %parallel_loop3A_615 : vector<16xi32>
      %parallel_loop3A_617 = arith.constant 16 : i32
      %parallel_loop3A_618 = vector.broadcast %parallel_loop3A_617 : i32 to vector<16xi32>
      %parallel_loop3A_619 = arith.addi %parallel_loop3A_606, %parallel_loop3A_618 : vector<16xi32>
      %parallel_loop3A_620 = arith.select %parallel_loop3A_616, %parallel_loop3A_619, %parallel_loop3A_606 : vector<16xi1>, vector<16xi32>
      %parallel_loop3A_621 = vector.shape_cast %parallel_loop3A_620 : vector<16xi32> to vector<16x1xi32>
      %parallel_loop3A_622 = vector.shape_cast %parallel_loop3A_621 : vector<16x1xi32> to vector<16xi32>
      %parallel_loop3A_623 = tpu.dynamic_gather %get3A_2[%parallel_loop3A_622] in [0] : vector<16xf32>, vector<16xi32> -> vector<16xf32>
      %parallel_loop3A_624 = arith.sitofp %parallel_loop3A_606 : vector<16xi32> to vector<16xf32>
      %parallel_loop3A_625 = arith.subf %parallel_loop3A_613, %parallel_loop3A_624 : vector<16xf32>
      %parallel_loop3A_626 = arith.mulf %parallel_loop3A_623, %parallel_loop3A_625 : vector<16xf32>
      %parallel_loop3A_627 = arith.mulf %parallel_loop3A_626, %parallel_loop3A_625 : vector<16xf32>
      %parallel_loop3A_628 = arith.addf %parallel_loop3A_508, %parallel_loop3A_627 : vector<16xf32>
      %parallel_loop3A_629 = arith.constant 16 : i32
      %parallel_loop3A_630 = arith.muli %parallel_loop3A_504, %parallel_loop3A_629 : i32
      %parallel_loop3A_631 = arith.constant 4 : i32
      %parallel_loop3A_632 = arith.index_cast %parallel_loop3A_631 : i32 to index
      %parallel_loop3A_633 = arith.index_cast %parallel_loop3A_630 : i32 to index
      %parallel_loop3A_634 = tpu.vector_load %arg13[%parallel_loop3A_632, %parallel_loop3A_633] {strides = array<i32>} : memref<8x1024xi32, #tpu.memory_space<vmem>>, vector<1x16xi32>,
      %parallel_loop3A_635 = vector.shape_cast %parallel_loop3A_634 : vector<1x16xi32> to vector<16xi32>
      %parallel_loop3A_636 = arith.constant 16 : i32
      %parallel_loop3A_637 = arith.muli %parallel_loop3A_504, %parallel_loop3A_636 : i32
      %parallel_loop3A_638 = arith.constant 4 : i32
      %parallel_loop3A_639 = arith.index_cast %parallel_loop3A_638 : i32 to index
      %parallel_loop3A_640 = arith.index_cast %parallel_loop3A_637 : i32 to index
      %parallel_loop3A_641 = tpu.vector_load %arg9[%parallel_loop3A_639, %parallel_loop3A_640] {strides = array<i32>} : memref<8x1024xf32, #tpu.memory_space<vmem>>, vector<1x16xf32>,
      %parallel_loop3A_642 = vector.shape_cast %parallel_loop3A_641 : vector<1x16xf32> to vector<16xf32>
      %parallel_loop3A_643 = arith.constant 0 : i32
      %parallel_loop3A_644 = vector.broadcast %parallel_loop3A_643 : i32 to vector<16xi32>
      %parallel_loop3A_645 = arith.cmpi slt, %parallel_loop3A_635, %parallel_loop3A_644 : vector<16xi32>
      %parallel_loop3A_646 = arith.constant 16 : i32
      %parallel_loop3A_647 = vector.broadcast %parallel_loop3A_646 : i32 to vector<16xi32>
      %parallel_loop3A_648 = arith.addi %parallel_loop3A_635, %parallel_loop3A_647 : vector<16xi32>
      %parallel_loop3A_649 = arith.select %parallel_loop3A_645, %parallel_loop3A_648, %parallel_loop3A_635 : vector<16xi1>, vector<16xi32>
      %parallel_loop3A_650 = vector.shape_cast %parallel_loop3A_649 : vector<16xi32> to vector<16x1xi32>
      %parallel_loop3A_651 = vector.shape_cast %parallel_loop3A_650 : vector<16x1xi32> to vector<16xi32>
      %parallel_loop3A_652 = tpu.dynamic_gather %get3A_2[%parallel_loop3A_651] in [0] : vector<16xf32>, vector<16xi32> -> vector<16xf32>
      %parallel_loop3A_653 = arith.sitofp %parallel_loop3A_635 : vector<16xi32> to vector<16xf32>
      %parallel_loop3A_654 = arith.subf %parallel_loop3A_642, %parallel_loop3A_653 : vector<16xf32>
      %parallel_loop3A_655 = arith.mulf %parallel_loop3A_652, %parallel_loop3A_654 : vector<16xf32>
      %parallel_loop3A_656 = arith.mulf %parallel_loop3A_655, %parallel_loop3A_654 : vector<16xf32>
      %parallel_loop3A_657 = arith.addf %parallel_loop3A_509, %parallel_loop3A_656 : vector<16xf32>
      %parallel_loop3A_658 = arith.constant 16 : i32
      %parallel_loop3A_659 = arith.muli %parallel_loop3A_504, %parallel_loop3A_658 : i32
      %parallel_loop3A_660 = arith.constant 5 : i32
      %parallel_loop3A_661 = arith.index_cast %parallel_loop3A_660 : i32 to index
      %parallel_loop3A_662 = arith.index_cast %parallel_loop3A_659 : i32 to index
      %parallel_loop3A_663 = tpu.vector_load %arg13[%parallel_loop3A_661, %parallel_loop3A_662] {strides = array<i32>} : memref<8x1024xi32, #tpu.memory_space<vmem>>, vector<1x16xi32>,
      %parallel_loop3A_664 = vector.shape_cast %parallel_loop3A_663 : vector<1x16xi32> to vector<16xi32>
      %parallel_loop3A_665 = arith.constant 16 : i32
      %parallel_loop3A_666 = arith.muli %parallel_loop3A_504, %parallel_loop3A_665 : i32
      %parallel_loop3A_667 = arith.constant 5 : i32
      %parallel_loop3A_668 = arith.index_cast %parallel_loop3A_667 : i32 to index
      %parallel_loop3A_669 = arith.index_cast %parallel_loop3A_666 : i32 to index
      %parallel_loop3A_670 = tpu.vector_load %arg9[%parallel_loop3A_668, %parallel_loop3A_669] {strides = array<i32>} : memref<8x1024xf32, #tpu.memory_space<vmem>>, vector<1x16xf32>,
      %parallel_loop3A_671 = vector.shape_cast %parallel_loop3A_670 : vector<1x16xf32> to vector<16xf32>
      %parallel_loop3A_672 = arith.constant 0 : i32
      %parallel_loop3A_673 = vector.broadcast %parallel_loop3A_672 : i32 to vector<16xi32>
      %parallel_loop3A_674 = arith.cmpi slt, %parallel_loop3A_664, %parallel_loop3A_673 : vector<16xi32>
      %parallel_loop3A_675 = arith.constant 16 : i32
      %parallel_loop3A_676 = vector.broadcast %parallel_loop3A_675 : i32 to vector<16xi32>
      %parallel_loop3A_677 = arith.addi %parallel_loop3A_664, %parallel_loop3A_676 : vector<16xi32>
      %parallel_loop3A_678 = arith.select %parallel_loop3A_674, %parallel_loop3A_677, %parallel_loop3A_664 : vector<16xi1>, vector<16xi32>
      %parallel_loop3A_679 = vector.shape_cast %parallel_loop3A_678 : vector<16xi32> to vector<16x1xi32>
      %parallel_loop3A_680 = vector.shape_cast %parallel_loop3A_679 : vector<16x1xi32> to vector<16xi32>
      %parallel_loop3A_681 = tpu.dynamic_gather %get3A_2[%parallel_loop3A_680] in [0] : vector<16xf32>, vector<16xi32> -> vector<16xf32>
      %parallel_loop3A_682 = arith.sitofp %parallel_loop3A_664 : vector<16xi32> to vector<16xf32>
      %parallel_loop3A_683 = arith.subf %parallel_loop3A_671, %parallel_loop3A_682 : vector<16xf32>
      %parallel_loop3A_684 = arith.mulf %parallel_loop3A_681, %parallel_loop3A_683 : vector<16xf32>
      %parallel_loop3A_685 = arith.mulf %parallel_loop3A_684, %parallel_loop3A_683 : vector<16xf32>
      %parallel_loop3A_686 = arith.addf %parallel_loop3A_510, %parallel_loop3A_685 : vector<16xf32>
      %parallel_loop3A_687 = arith.constant 16 : i32
      %parallel_loop3A_688 = arith.muli %parallel_loop3A_504, %parallel_loop3A_687 : i32
      %parallel_loop3A_689 = arith.constant 6 : i32
      %parallel_loop3A_690 = arith.index_cast %parallel_loop3A_689 : i32 to index
      %parallel_loop3A_691 = arith.index_cast %parallel_loop3A_688 : i32 to index
      %parallel_loop3A_692 = tpu.vector_load %arg13[%parallel_loop3A_690, %parallel_loop3A_691] {strides = array<i32>} : memref<8x1024xi32, #tpu.memory_space<vmem>>, vector<1x16xi32>,
      %parallel_loop3A_693 = vector.shape_cast %parallel_loop3A_692 : vector<1x16xi32> to vector<16xi32>
      %parallel_loop3A_694 = arith.constant 16 : i32
      %parallel_loop3A_695 = arith.muli %parallel_loop3A_504, %parallel_loop3A_694 : i32
      %parallel_loop3A_696 = arith.constant 6 : i32
      %parallel_loop3A_697 = arith.index_cast %parallel_loop3A_696 : i32 to index
      %parallel_loop3A_698 = arith.index_cast %parallel_loop3A_695 : i32 to index
      %parallel_loop3A_699 = tpu.vector_load %arg9[%parallel_loop3A_697, %parallel_loop3A_698] {strides = array<i32>} : memref<8x1024xf32, #tpu.memory_space<vmem>>, vector<1x16xf32>,
      %parallel_loop3A_700 = vector.shape_cast %parallel_loop3A_699 : vector<1x16xf32> to vector<16xf32>
      %parallel_loop3A_701 = arith.constant 0 : i32
      %parallel_loop3A_702 = vector.broadcast %parallel_loop3A_701 : i32 to vector<16xi32>
      %parallel_loop3A_703 = arith.cmpi slt, %parallel_loop3A_693, %parallel_loop3A_702 : vector<16xi32>
      %parallel_loop3A_704 = arith.constant 16 : i32
      %parallel_loop3A_705 = vector.broadcast %parallel_loop3A_704 : i32 to vector<16xi32>
      %parallel_loop3A_706 = arith.addi %parallel_loop3A_693, %parallel_loop3A_705 : vector<16xi32>
      %parallel_loop3A_707 = arith.select %parallel_loop3A_703, %parallel_loop3A_706, %parallel_loop3A_693 : vector<16xi1>, vector<16xi32>
      %parallel_loop3A_708 = vector.shape_cast %parallel_loop3A_707 : vector<16xi32> to vector<16x1xi32>
      %parallel_loop3A_709 = vector.shape_cast %parallel_loop3A_708 : vector<16x1xi32> to vector<16xi32>
      %parallel_loop3A_710 = tpu.dynamic_gather %get3A_2[%parallel_loop3A_709] in [0] : vector<16xf32>, vector<16xi32> -> vector<16xf32>
      %parallel_loop3A_711 = arith.sitofp %parallel_loop3A_693 : vector<16xi32> to vector<16xf32>
      %parallel_loop3A_712 = arith.subf %parallel_loop3A_700, %parallel_loop3A_711 : vector<16xf32>
      %parallel_loop3A_713 = arith.mulf %parallel_loop3A_710, %parallel_loop3A_712 : vector<16xf32>
      %parallel_loop3A_714 = arith.mulf %parallel_loop3A_713, %parallel_loop3A_712 : vector<16xf32>
      %parallel_loop3A_715 = arith.addf %parallel_loop3A_511, %parallel_loop3A_714 : vector<16xf32>
      %parallel_loop3A_716 = arith.constant 16 : i32
      %parallel_loop3A_717 = arith.muli %parallel_loop3A_504, %parallel_loop3A_716 : i32
      %parallel_loop3A_718 = arith.constant 7 : i32
      %parallel_loop3A_719 = arith.index_cast %parallel_loop3A_718 : i32 to index
      %parallel_loop3A_720 = arith.index_cast %parallel_loop3A_717 : i32 to index
      %parallel_loop3A_721 = tpu.vector_load %arg13[%parallel_loop3A_719, %parallel_loop3A_720] {strides = array<i32>} : memref<8x1024xi32, #tpu.memory_space<vmem>>, vector<1x16xi32>,
      %parallel_loop3A_722 = vector.shape_cast %parallel_loop3A_721 : vector<1x16xi32> to vector<16xi32>
      %parallel_loop3A_723 = arith.constant 16 : i32
      %parallel_loop3A_724 = arith.muli %parallel_loop3A_504, %parallel_loop3A_723 : i32
      %parallel_loop3A_725 = arith.constant 7 : i32
      %parallel_loop3A_726 = arith.index_cast %parallel_loop3A_725 : i32 to index
      %parallel_loop3A_727 = arith.index_cast %parallel_loop3A_724 : i32 to index
      %parallel_loop3A_728 = tpu.vector_load %arg9[%parallel_loop3A_726, %parallel_loop3A_727] {strides = array<i32>} : memref<8x1024xf32, #tpu.memory_space<vmem>>, vector<1x16xf32>,
      %parallel_loop3A_729 = vector.shape_cast %parallel_loop3A_728 : vector<1x16xf32> to vector<16xf32>
      %parallel_loop3A_730 = arith.constant 0 : i32
      %parallel_loop3A_731 = vector.broadcast %parallel_loop3A_730 : i32 to vector<16xi32>
      %parallel_loop3A_732 = arith.cmpi slt, %parallel_loop3A_722, %parallel_loop3A_731 : vector<16xi32>
      %parallel_loop3A_733 = arith.constant 16 : i32
      %parallel_loop3A_734 = vector.broadcast %parallel_loop3A_733 : i32 to vector<16xi32>
      %parallel_loop3A_735 = arith.addi %parallel_loop3A_722, %parallel_loop3A_734 : vector<16xi32>
      %parallel_loop3A_736 = arith.select %parallel_loop3A_732, %parallel_loop3A_735, %parallel_loop3A_722 : vector<16xi1>, vector<16xi32>
      %parallel_loop3A_737 = vector.shape_cast %parallel_loop3A_736 : vector<16xi32> to vector<16x1xi32>
      %parallel_loop3A_738 = vector.shape_cast %parallel_loop3A_737 : vector<16x1xi32> to vector<16xi32>
      %parallel_loop3A_739 = tpu.dynamic_gather %get3A_2[%parallel_loop3A_738] in [0] : vector<16xf32>, vector<16xi32> -> vector<16xf32>
      %parallel_loop3A_740 = arith.sitofp %parallel_loop3A_722 : vector<16xi32> to vector<16xf32>
      %parallel_loop3A_741 = arith.subf %parallel_loop3A_729, %parallel_loop3A_740 : vector<16xf32>
      %parallel_loop3A_742 = arith.mulf %parallel_loop3A_739, %parallel_loop3A_741 : vector<16xf32>
      %parallel_loop3A_743 = arith.mulf %parallel_loop3A_742, %parallel_loop3A_741 : vector<16xf32>
      %parallel_loop3A_744 = arith.addf %parallel_loop3A_512, %parallel_loop3A_743 : vector<16xf32>
      scf.yield %parallel_loop3A_541, %parallel_loop3A_570, %parallel_loop3A_599, %parallel_loop3A_628, %parallel_loop3A_657, %parallel_loop3A_686, %parallel_loop3A_715, %parallel_loop3A_744 : vector<16xf32>, vector<16xf32>, vector<16xf32>, vector<16xf32>, vector<16xf32>, vector<16xf32>, vector<16xf32>, vector<16xf32>
    } {sc.loop_unroll_factor = 2 : i64, sc.parallel_access}
    %broadcast_in_dim3A_430 = arith.constant 0.000000e+00 : f32
    %broadcast_in_dim3A_431 = vector.broadcast %broadcast_in_dim3A_430 : f32 to vector<16xf32>
    %select_n3A_432 = arith.select %lt3A_409, %parallel_loop3A_429#0, %broadcast_in_dim3A_431 : vector<16xf32>
    %add3A_433 = arith.addf %add3A_387, %select_n3A_432 : vector<16xf32>
    %select_n3A_434 = arith.select %lt3A_409, %parallel_loop3A_429#1, %broadcast_in_dim3A_431 : vector<16xf32>
    %add3A_435 = arith.addf %add3A_389, %select_n3A_434 : vector<16xf32>
    %select_n3A_436 = arith.select %lt3A_409, %parallel_loop3A_429#2, %broadcast_in_dim3A_431 : vector<16xf32>
    %add3A_437 = arith.addf %add3A_391, %select_n3A_436 : vector<16xf32>
    %select_n3A_438 = arith.select %lt3A_409, %parallel_loop3A_429#3, %broadcast_in_dim3A_431 : vector<16xf32>
    %add3A_439 = arith.addf %add3A_393, %select_n3A_438 : vector<16xf32>
    %select_n3A_440 = arith.select %lt3A_409, %parallel_loop3A_429#4, %broadcast_in_dim3A_431 : vector<16xf32>
    %add3A_441 = arith.addf %add3A_395, %select_n3A_440 : vector<16xf32>
    %select_n3A_442 = arith.select %lt3A_409, %parallel_loop3A_429#5, %broadcast_in_dim3A_431 : vector<16xf32>
    %add3A_443 = arith.addf %add3A_397, %select_n3A_442 : vector<16xf32>
    %select_n3A_444 = arith.select %lt3A_409, %parallel_loop3A_429#6, %broadcast_in_dim3A_431 : vector<16xf32>
    %add3A_445 = arith.addf %add3A_399, %select_n3A_444 : vector<16xf32>
    %select_n3A_446 = arith.select %lt3A_409, %parallel_loop3A_429#7, %broadcast_in_dim3A_431 : vector<16xf32>
    %add3A_447 = arith.addf %add3A_401, %select_n3A_446 : vector<16xf32>
    %dma_wait3A_448 = tpu.memref_slice %arg2[%mul3A_287, %mul3A_305] : memref<200x16384xf32, #tpu.memory_space<hbm>> -> memref<8x1024xf32, #tpu.memory_space<hbm>>
    %dma_wait3A_449 = tpu.memref_slice %arg2[%mul3A_287, %mul3A_305] : memref<200x16384xf32, #tpu.memory_space<hbm>> -> memref<8x1024xf32, #tpu.memory_space<hbm>>
    tpu.wait_dma2 semaphore(%arg16 : memref<!tpu.dma_semaphore, #tpu.memory_space<semaphore_mem>>) src(%dma_wait3A_449 : memref<8x1024xf32, #tpu.memory_space<hbm>>) dst(%arg6 : memref<8x1024xf32, #tpu.memory_space<vmem>>)
    %dma_wait3A_450 = tpu.memref_slice %arg3[%mul3A_287, %mul3A_305] : memref<200x16384xi32, #tpu.memory_space<hbm>> -> memref<8x1024xi32, #tpu.memory_space<hbm>>
    %dma_wait3A_451 = tpu.memref_slice %arg3[%mul3A_287, %mul3A_305] : memref<200x16384xi32, #tpu.memory_space<hbm>> -> memref<8x1024xi32, #tpu.memory_space<hbm>>
    tpu.wait_dma2 semaphore(%arg20 : memref<!tpu.dma_semaphore, #tpu.memory_space<semaphore_mem>>) src(%dma_wait3A_451 : memref<8x1024xi32, #tpu.memory_space<hbm>>) dst(%arg10 : memref<8x1024xi32, #tpu.memory_space<vmem>>)
    %add3A_452 = arith.constant 128 : i32
    %add3A_453 = arith.addi %add3A, %add3A_452 : i32
    %lt3A_454 = arith.constant 150 : i32
    %lt3A_455 = arith.cmpi slt, %add3A_453, %lt3A_454 : i32
    %broadcast_in_dim3A_456 = arith.constant 0.000000e+00 : f32
    %broadcast_in_dim3A_457 = vector.broadcast %broadcast_in_dim3A_456 : f32 to vector<16xf32>
    %broadcast_in_dim3A_458 = arith.constant 0.000000e+00 : f32
    %broadcast_in_dim3A_459 = vector.broadcast %broadcast_in_dim3A_458 : f32 to vector<16xf32>
    %broadcast_in_dim3A_460 = arith.constant 0.000000e+00 : f32
    %broadcast_in_dim3A_461 = vector.broadcast %broadcast_in_dim3A_460 : f32 to vector<16xf32>
    %broadcast_in_dim3A_462 = arith.constant 0.000000e+00 : f32
    %broadcast_in_dim3A_463 = vector.broadcast %broadcast_in_dim3A_462 : f32 to vector<16xf32>
    %broadcast_in_dim3A_464 = arith.constant 0.000000e+00 : f32
    %broadcast_in_dim3A_465 = vector.broadcast %broadcast_in_dim3A_464 : f32 to vector<16xf32>
    %broadcast_in_dim3A_466 = arith.constant 0.000000e+00 : f32
    %broadcast_in_dim3A_467 = vector.broadcast %broadcast_in_dim3A_466 : f32 to vector<16xf32>
    %broadcast_in_dim3A_468 = arith.constant 0.000000e+00 : f32
    %broadcast_in_dim3A_469 = vector.broadcast %broadcast_in_dim3A_468 : f32 to vector<16xf32>
    %broadcast_in_dim3A_470 = arith.constant 0.000000e+00 : f32
    %broadcast_in_dim3A_471 = vector.broadcast %broadcast_in_dim3A_470 : f32 to vector<16xf32>
    %parallel_loop3A_472 = arith.constant 0 : i32
    %parallel_loop3A_473 = arith.constant 64 : i32
    %parallel_loop3A_474 = arith.constant 1 : i32
    %parallel_loop3A_475:8 = scf.for %parallel_loop3A_504 = %parallel_loop3A_472 to %parallel_loop3A_473 step %parallel_loop3A_474 iter_args(%parallel_loop3A_505 = %broadcast_in_dim3A_457, %parallel_loop3A_506 = %broadcast_in_dim3A_459, %parallel_loop3A_507 = %broadcast_in_dim3A_461, %parallel_loop3A_508 = %broadcast_in_dim3A_463, %parallel_loop3A_509 = %broadcast_in_dim3A_465, %parallel_loop3A_510 = %broadcast_in_dim3A_467, %parallel_loop3A_511 = %broadcast_in_dim3A_469, %parallel_loop3A_512 = %broadcast_in_dim3A_471) -> (vector<16xf32>, vector<16xf32>, vector<16xf32>, vector<16xf32>, vector<16xf32>, vector<16xf32>, vector<16xf32>, vector<16xf32>)  : i32 {
      %parallel_loop3A_513 = arith.constant 16 : i32
      %parallel_loop3A_514 = arith.muli %parallel_loop3A_504, %parallel_loop3A_513 : i32
      %parallel_loop3A_515 = arith.constant 0 : i32
      %parallel_loop3A_516 = arith.index_cast %parallel_loop3A_515 : i32 to index
      %parallel_loop3A_517 = arith.index_cast %parallel_loop3A_514 : i32 to index
      %parallel_loop3A_518 = tpu.vector_load %arg10[%parallel_loop3A_516, %parallel_loop3A_517] {strides = array<i32>} : memref<8x1024xi32, #tpu.memory_space<vmem>>, vector<1x16xi32>,
      %parallel_loop3A_519 = vector.shape_cast %parallel_loop3A_518 : vector<1x16xi32> to vector<16xi32>
      %parallel_loop3A_520 = arith.constant 16 : i32
      %parallel_loop3A_521 = arith.muli %parallel_loop3A_504, %parallel_loop3A_520 : i32
      %parallel_loop3A_522 = arith.constant 0 : i32
      %parallel_loop3A_523 = arith.index_cast %parallel_loop3A_522 : i32 to index
      %parallel_loop3A_524 = arith.index_cast %parallel_loop3A_521 : i32 to index
      %parallel_loop3A_525 = tpu.vector_load %arg6[%parallel_loop3A_523, %parallel_loop3A_524] {strides = array<i32>} : memref<8x1024xf32, #tpu.memory_space<vmem>>, vector<1x16xf32>,
      %parallel_loop3A_526 = vector.shape_cast %parallel_loop3A_525 : vector<1x16xf32> to vector<16xf32>
      %parallel_loop3A_527 = arith.constant 0 : i32
      %parallel_loop3A_528 = vector.broadcast %parallel_loop3A_527 : i32 to vector<16xi32>
      %parallel_loop3A_529 = arith.cmpi slt, %parallel_loop3A_519, %parallel_loop3A_528 : vector<16xi32>
      %parallel_loop3A_530 = arith.constant 16 : i32
      %parallel_loop3A_531 = vector.broadcast %parallel_loop3A_530 : i32 to vector<16xi32>
      %parallel_loop3A_532 = arith.addi %parallel_loop3A_519, %parallel_loop3A_531 : vector<16xi32>
      %parallel_loop3A_533 = arith.select %parallel_loop3A_529, %parallel_loop3A_532, %parallel_loop3A_519 : vector<16xi1>, vector<16xi32>
      %parallel_loop3A_534 = vector.shape_cast %parallel_loop3A_533 : vector<16xi32> to vector<16x1xi32>
      %parallel_loop3A_535 = vector.shape_cast %parallel_loop3A_534 : vector<16x1xi32> to vector<16xi32>
      %parallel_loop3A_536 = tpu.dynamic_gather %get3A_2[%parallel_loop3A_535] in [0] : vector<16xf32>, vector<16xi32> -> vector<16xf32>
      %parallel_loop3A_537 = arith.sitofp %parallel_loop3A_519 : vector<16xi32> to vector<16xf32>
      %parallel_loop3A_538 = arith.subf %parallel_loop3A_526, %parallel_loop3A_537 : vector<16xf32>
      %parallel_loop3A_539 = arith.mulf %parallel_loop3A_536, %parallel_loop3A_538 : vector<16xf32>
      %parallel_loop3A_540 = arith.mulf %parallel_loop3A_539, %parallel_loop3A_538 : vector<16xf32>
      %parallel_loop3A_541 = arith.addf %parallel_loop3A_505, %parallel_loop3A_540 : vector<16xf32>
      %parallel_loop3A_542 = arith.constant 16 : i32
      %parallel_loop3A_543 = arith.muli %parallel_loop3A_504, %parallel_loop3A_542 : i32
      %parallel_loop3A_544 = arith.constant 1 : i32
      %parallel_loop3A_545 = arith.index_cast %parallel_loop3A_544 : i32 to index
      %parallel_loop3A_546 = arith.index_cast %parallel_loop3A_543 : i32 to index
      %parallel_loop3A_547 = tpu.vector_load %arg10[%parallel_loop3A_545, %parallel_loop3A_546] {strides = array<i32>} : memref<8x1024xi32, #tpu.memory_space<vmem>>, vector<1x16xi32>,
      %parallel_loop3A_548 = vector.shape_cast %parallel_loop3A_547 : vector<1x16xi32> to vector<16xi32>
      %parallel_loop3A_549 = arith.constant 16 : i32
      %parallel_loop3A_550 = arith.muli %parallel_loop3A_504, %parallel_loop3A_549 : i32
      %parallel_loop3A_551 = arith.constant 1 : i32
      %parallel_loop3A_552 = arith.index_cast %parallel_loop3A_551 : i32 to index
      %parallel_loop3A_553 = arith.index_cast %parallel_loop3A_550 : i32 to index
      %parallel_loop3A_554 = tpu.vector_load %arg6[%parallel_loop3A_552, %parallel_loop3A_553] {strides = array<i32>} : memref<8x1024xf32, #tpu.memory_space<vmem>>, vector<1x16xf32>,
      %parallel_loop3A_555 = vector.shape_cast %parallel_loop3A_554 : vector<1x16xf32> to vector<16xf32>
      %parallel_loop3A_556 = arith.constant 0 : i32
      %parallel_loop3A_557 = vector.broadcast %parallel_loop3A_556 : i32 to vector<16xi32>
      %parallel_loop3A_558 = arith.cmpi slt, %parallel_loop3A_548, %parallel_loop3A_557 : vector<16xi32>
      %parallel_loop3A_559 = arith.constant 16 : i32
      %parallel_loop3A_560 = vector.broadcast %parallel_loop3A_559 : i32 to vector<16xi32>
      %parallel_loop3A_561 = arith.addi %parallel_loop3A_548, %parallel_loop3A_560 : vector<16xi32>
      %parallel_loop3A_562 = arith.select %parallel_loop3A_558, %parallel_loop3A_561, %parallel_loop3A_548 : vector<16xi1>, vector<16xi32>
      %parallel_loop3A_563 = vector.shape_cast %parallel_loop3A_562 : vector<16xi32> to vector<16x1xi32>
      %parallel_loop3A_564 = vector.shape_cast %parallel_loop3A_563 : vector<16x1xi32> to vector<16xi32>
      %parallel_loop3A_565 = tpu.dynamic_gather %get3A_2[%parallel_loop3A_564] in [0] : vector<16xf32>, vector<16xi32> -> vector<16xf32>
      %parallel_loop3A_566 = arith.sitofp %parallel_loop3A_548 : vector<16xi32> to vector<16xf32>
      %parallel_loop3A_567 = arith.subf %parallel_loop3A_555, %parallel_loop3A_566 : vector<16xf32>
      %parallel_loop3A_568 = arith.mulf %parallel_loop3A_565, %parallel_loop3A_567 : vector<16xf32>
      %parallel_loop3A_569 = arith.mulf %parallel_loop3A_568, %parallel_loop3A_567 : vector<16xf32>
      %parallel_loop3A_570 = arith.addf %parallel_loop3A_506, %parallel_loop3A_569 : vector<16xf32>
      %parallel_loop3A_571 = arith.constant 16 : i32
      %parallel_loop3A_572 = arith.muli %parallel_loop3A_504, %parallel_loop3A_571 : i32
      %parallel_loop3A_573 = arith.constant 2 : i32
      %parallel_loop3A_574 = arith.index_cast %parallel_loop3A_573 : i32 to index
      %parallel_loop3A_575 = arith.index_cast %parallel_loop3A_572 : i32 to index
      %parallel_loop3A_576 = tpu.vector_load %arg10[%parallel_loop3A_574, %parallel_loop3A_575] {strides = array<i32>} : memref<8x1024xi32, #tpu.memory_space<vmem>>, vector<1x16xi32>,
      %parallel_loop3A_577 = vector.shape_cast %parallel_loop3A_576 : vector<1x16xi32> to vector<16xi32>
      %parallel_loop3A_578 = arith.constant 16 : i32
      %parallel_loop3A_579 = arith.muli %parallel_loop3A_504, %parallel_loop3A_578 : i32
      %parallel_loop3A_580 = arith.constant 2 : i32
      %parallel_loop3A_581 = arith.index_cast %parallel_loop3A_580 : i32 to index
      %parallel_loop3A_582 = arith.index_cast %parallel_loop3A_579 : i32 to index
      %parallel_loop3A_583 = tpu.vector_load %arg6[%parallel_loop3A_581, %parallel_loop3A_582] {strides = array<i32>} : memref<8x1024xf32, #tpu.memory_space<vmem>>, vector<1x16xf32>,
      %parallel_loop3A_584 = vector.shape_cast %parallel_loop3A_583 : vector<1x16xf32> to vector<16xf32>
      %parallel_loop3A_585 = arith.constant 0 : i32
      %parallel_loop3A_586 = vector.broadcast %parallel_loop3A_585 : i32 to vector<16xi32>
      %parallel_loop3A_587 = arith.cmpi slt, %parallel_loop3A_577, %parallel_loop3A_586 : vector<16xi32>
      %parallel_loop3A_588 = arith.constant 16 : i32
      %parallel_loop3A_589 = vector.broadcast %parallel_loop3A_588 : i32 to vector<16xi32>
      %parallel_loop3A_590 = arith.addi %parallel_loop3A_577, %parallel_loop3A_589 : vector<16xi32>
      %parallel_loop3A_591 = arith.select %parallel_loop3A_587, %parallel_loop3A_590, %parallel_loop3A_577 : vector<16xi1>, vector<16xi32>
      %parallel_loop3A_592 = vector.shape_cast %parallel_loop3A_591 : vector<16xi32> to vector<16x1xi32>
      %parallel_loop3A_593 = vector.shape_cast %parallel_loop3A_592 : vector<16x1xi32> to vector<16xi32>
      %parallel_loop3A_594 = tpu.dynamic_gather %get3A_2[%parallel_loop3A_593] in [0] : vector<16xf32>, vector<16xi32> -> vector<16xf32>
      %parallel_loop3A_595 = arith.sitofp %parallel_loop3A_577 : vector<16xi32> to vector<16xf32>
      %parallel_loop3A_596 = arith.subf %parallel_loop3A_584, %parallel_loop3A_595 : vector<16xf32>
      %parallel_loop3A_597 = arith.mulf %parallel_loop3A_594, %parallel_loop3A_596 : vector<16xf32>
      %parallel_loop3A_598 = arith.mulf %parallel_loop3A_597, %parallel_loop3A_596 : vector<16xf32>
      %parallel_loop3A_599 = arith.addf %parallel_loop3A_507, %parallel_loop3A_598 : vector<16xf32>
      %parallel_loop3A_600 = arith.constant 16 : i32
      %parallel_loop3A_601 = arith.muli %parallel_loop3A_504, %parallel_loop3A_600 : i32
      %parallel_loop3A_602 = arith.constant 3 : i32
      %parallel_loop3A_603 = arith.index_cast %parallel_loop3A_602 : i32 to index
      %parallel_loop3A_604 = arith.index_cast %parallel_loop3A_601 : i32 to index
      %parallel_loop3A_605 = tpu.vector_load %arg10[%parallel_loop3A_603, %parallel_loop3A_604] {strides = array<i32>} : memref<8x1024xi32, #tpu.memory_space<vmem>>, vector<1x16xi32>,
      %parallel_loop3A_606 = vector.shape_cast %parallel_loop3A_605 : vector<1x16xi32> to vector<16xi32>
      %parallel_loop3A_607 = arith.constant 16 : i32
      %parallel_loop3A_608 = arith.muli %parallel_loop3A_504, %parallel_loop3A_607 : i32
      %parallel_loop3A_609 = arith.constant 3 : i32
      %parallel_loop3A_610 = arith.index_cast %parallel_loop3A_609 : i32 to index
      %parallel_loop3A_611 = arith.index_cast %parallel_loop3A_608 : i32 to index
      %parallel_loop3A_612 = tpu.vector_load %arg6[%parallel_loop3A_610, %parallel_loop3A_611] {strides = array<i32>} : memref<8x1024xf32, #tpu.memory_space<vmem>>, vector<1x16xf32>,
      %parallel_loop3A_613 = vector.shape_cast %parallel_loop3A_612 : vector<1x16xf32> to vector<16xf32>
      %parallel_loop3A_614 = arith.constant 0 : i32
      %parallel_loop3A_615 = vector.broadcast %parallel_loop3A_614 : i32 to vector<16xi32>
      %parallel_loop3A_616 = arith.cmpi slt, %parallel_loop3A_606, %parallel_loop3A_615 : vector<16xi32>
      %parallel_loop3A_617 = arith.constant 16 : i32
      %parallel_loop3A_618 = vector.broadcast %parallel_loop3A_617 : i32 to vector<16xi32>
      %parallel_loop3A_619 = arith.addi %parallel_loop3A_606, %parallel_loop3A_618 : vector<16xi32>
      %parallel_loop3A_620 = arith.select %parallel_loop3A_616, %parallel_loop3A_619, %parallel_loop3A_606 : vector<16xi1>, vector<16xi32>
      %parallel_loop3A_621 = vector.shape_cast %parallel_loop3A_620 : vector<16xi32> to vector<16x1xi32>
      %parallel_loop3A_622 = vector.shape_cast %parallel_loop3A_621 : vector<16x1xi32> to vector<16xi32>
      %parallel_loop3A_623 = tpu.dynamic_gather %get3A_2[%parallel_loop3A_622] in [0] : vector<16xf32>, vector<16xi32> -> vector<16xf32>
      %parallel_loop3A_624 = arith.sitofp %parallel_loop3A_606 : vector<16xi32> to vector<16xf32>
      %parallel_loop3A_625 = arith.subf %parallel_loop3A_613, %parallel_loop3A_624 : vector<16xf32>
      %parallel_loop3A_626 = arith.mulf %parallel_loop3A_623, %parallel_loop3A_625 : vector<16xf32>
      %parallel_loop3A_627 = arith.mulf %parallel_loop3A_626, %parallel_loop3A_625 : vector<16xf32>
      %parallel_loop3A_628 = arith.addf %parallel_loop3A_508, %parallel_loop3A_627 : vector<16xf32>
      %parallel_loop3A_629 = arith.constant 16 : i32
      %parallel_loop3A_630 = arith.muli %parallel_loop3A_504, %parallel_loop3A_629 : i32
      %parallel_loop3A_631 = arith.constant 4 : i32
      %parallel_loop3A_632 = arith.index_cast %parallel_loop3A_631 : i32 to index
      %parallel_loop3A_633 = arith.index_cast %parallel_loop3A_630 : i32 to index
      %parallel_loop3A_634 = tpu.vector_load %arg10[%parallel_loop3A_632, %parallel_loop3A_633] {strides = array<i32>} : memref<8x1024xi32, #tpu.memory_space<vmem>>, vector<1x16xi32>,
      %parallel_loop3A_635 = vector.shape_cast %parallel_loop3A_634 : vector<1x16xi32> to vector<16xi32>
      %parallel_loop3A_636 = arith.constant 16 : i32
      %parallel_loop3A_637 = arith.muli %parallel_loop3A_504, %parallel_loop3A_636 : i32
      %parallel_loop3A_638 = arith.constant 4 : i32
      %parallel_loop3A_639 = arith.index_cast %parallel_loop3A_638 : i32 to index
      %parallel_loop3A_640 = arith.index_cast %parallel_loop3A_637 : i32 to index
      %parallel_loop3A_641 = tpu.vector_load %arg6[%parallel_loop3A_639, %parallel_loop3A_640] {strides = array<i32>} : memref<8x1024xf32, #tpu.memory_space<vmem>>, vector<1x16xf32>,
      %parallel_loop3A_642 = vector.shape_cast %parallel_loop3A_641 : vector<1x16xf32> to vector<16xf32>
      %parallel_loop3A_643 = arith.constant 0 : i32
      %parallel_loop3A_644 = vector.broadcast %parallel_loop3A_643 : i32 to vector<16xi32>
      %parallel_loop3A_645 = arith.cmpi slt, %parallel_loop3A_635, %parallel_loop3A_644 : vector<16xi32>
      %parallel_loop3A_646 = arith.constant 16 : i32
      %parallel_loop3A_647 = vector.broadcast %parallel_loop3A_646 : i32 to vector<16xi32>
      %parallel_loop3A_648 = arith.addi %parallel_loop3A_635, %parallel_loop3A_647 : vector<16xi32>
      %parallel_loop3A_649 = arith.select %parallel_loop3A_645, %parallel_loop3A_648, %parallel_loop3A_635 : vector<16xi1>, vector<16xi32>
      %parallel_loop3A_650 = vector.shape_cast %parallel_loop3A_649 : vector<16xi32> to vector<16x1xi32>
      %parallel_loop3A_651 = vector.shape_cast %parallel_loop3A_650 : vector<16x1xi32> to vector<16xi32>
      %parallel_loop3A_652 = tpu.dynamic_gather %get3A_2[%parallel_loop3A_651] in [0] : vector<16xf32>, vector<16xi32> -> vector<16xf32>
      %parallel_loop3A_653 = arith.sitofp %parallel_loop3A_635 : vector<16xi32> to vector<16xf32>
      %parallel_loop3A_654 = arith.subf %parallel_loop3A_642, %parallel_loop3A_653 : vector<16xf32>
      %parallel_loop3A_655 = arith.mulf %parallel_loop3A_652, %parallel_loop3A_654 : vector<16xf32>
      %parallel_loop3A_656 = arith.mulf %parallel_loop3A_655, %parallel_loop3A_654 : vector<16xf32>
      %parallel_loop3A_657 = arith.addf %parallel_loop3A_509, %parallel_loop3A_656 : vector<16xf32>
      %parallel_loop3A_658 = arith.constant 16 : i32
      %parallel_loop3A_659 = arith.muli %parallel_loop3A_504, %parallel_loop3A_658 : i32
      %parallel_loop3A_660 = arith.constant 5 : i32
      %parallel_loop3A_661 = arith.index_cast %parallel_loop3A_660 : i32 to index
      %parallel_loop3A_662 = arith.index_cast %parallel_loop3A_659 : i32 to index
      %parallel_loop3A_663 = tpu.vector_load %arg10[%parallel_loop3A_661, %parallel_loop3A_662] {strides = array<i32>} : memref<8x1024xi32, #tpu.memory_space<vmem>>, vector<1x16xi32>,
      %parallel_loop3A_664 = vector.shape_cast %parallel_loop3A_663 : vector<1x16xi32> to vector<16xi32>
      %parallel_loop3A_665 = arith.constant 16 : i32
      %parallel_loop3A_666 = arith.muli %parallel_loop3A_504, %parallel_loop3A_665 : i32
      %parallel_loop3A_667 = arith.constant 5 : i32
      %parallel_loop3A_668 = arith.index_cast %parallel_loop3A_667 : i32 to index
      %parallel_loop3A_669 = arith.index_cast %parallel_loop3A_666 : i32 to index
      %parallel_loop3A_670 = tpu.vector_load %arg6[%parallel_loop3A_668, %parallel_loop3A_669] {strides = array<i32>} : memref<8x1024xf32, #tpu.memory_space<vmem>>, vector<1x16xf32>,
      %parallel_loop3A_671 = vector.shape_cast %parallel_loop3A_670 : vector<1x16xf32> to vector<16xf32>
      %parallel_loop3A_672 = arith.constant 0 : i32
      %parallel_loop3A_673 = vector.broadcast %parallel_loop3A_672 : i32 to vector<16xi32>
      %parallel_loop3A_674 = arith.cmpi slt, %parallel_loop3A_664, %parallel_loop3A_673 : vector<16xi32>
      %parallel_loop3A_675 = arith.constant 16 : i32
      %parallel_loop3A_676 = vector.broadcast %parallel_loop3A_675 : i32 to vector<16xi32>
      %parallel_loop3A_677 = arith.addi %parallel_loop3A_664, %parallel_loop3A_676 : vector<16xi32>
      %parallel_loop3A_678 = arith.select %parallel_loop3A_674, %parallel_loop3A_677, %parallel_loop3A_664 : vector<16xi1>, vector<16xi32>
      %parallel_loop3A_679 = vector.shape_cast %parallel_loop3A_678 : vector<16xi32> to vector<16x1xi32>
      %parallel_loop3A_680 = vector.shape_cast %parallel_loop3A_679 : vector<16x1xi32> to vector<16xi32>
      %parallel_loop3A_681 = tpu.dynamic_gather %get3A_2[%parallel_loop3A_680] in [0] : vector<16xf32>, vector<16xi32> -> vector<16xf32>
      %parallel_loop3A_682 = arith.sitofp %parallel_loop3A_664 : vector<16xi32> to vector<16xf32>
      %parallel_loop3A_683 = arith.subf %parallel_loop3A_671, %parallel_loop3A_682 : vector<16xf32>
      %parallel_loop3A_684 = arith.mulf %parallel_loop3A_681, %parallel_loop3A_683 : vector<16xf32>
      %parallel_loop3A_685 = arith.mulf %parallel_loop3A_684, %parallel_loop3A_683 : vector<16xf32>
      %parallel_loop3A_686 = arith.addf %parallel_loop3A_510, %parallel_loop3A_685 : vector<16xf32>
      %parallel_loop3A_687 = arith.constant 16 : i32
      %parallel_loop3A_688 = arith.muli %parallel_loop3A_504, %parallel_loop3A_687 : i32
      %parallel_loop3A_689 = arith.constant 6 : i32
      %parallel_loop3A_690 = arith.index_cast %parallel_loop3A_689 : i32 to index
      %parallel_loop3A_691 = arith.index_cast %parallel_loop3A_688 : i32 to index
      %parallel_loop3A_692 = tpu.vector_load %arg10[%parallel_loop3A_690, %parallel_loop3A_691] {strides = array<i32>} : memref<8x1024xi32, #tpu.memory_space<vmem>>, vector<1x16xi32>,
      %parallel_loop3A_693 = vector.shape_cast %parallel_loop3A_692 : vector<1x16xi32> to vector<16xi32>
      %parallel_loop3A_694 = arith.constant 16 : i32
      %parallel_loop3A_695 = arith.muli %parallel_loop3A_504, %parallel_loop3A_694 : i32
      %parallel_loop3A_696 = arith.constant 6 : i32
      %parallel_loop3A_697 = arith.index_cast %parallel_loop3A_696 : i32 to index
      %parallel_loop3A_698 = arith.index_cast %parallel_loop3A_695 : i32 to index
      %parallel_loop3A_699 = tpu.vector_load %arg6[%parallel_loop3A_697, %parallel_loop3A_698] {strides = array<i32>} : memref<8x1024xf32, #tpu.memory_space<vmem>>, vector<1x16xf32>,
      %parallel_loop3A_700 = vector.shape_cast %parallel_loop3A_699 : vector<1x16xf32> to vector<16xf32>
      %parallel_loop3A_701 = arith.constant 0 : i32
      %parallel_loop3A_702 = vector.broadcast %parallel_loop3A_701 : i32 to vector<16xi32>
      %parallel_loop3A_703 = arith.cmpi slt, %parallel_loop3A_693, %parallel_loop3A_702 : vector<16xi32>
      %parallel_loop3A_704 = arith.constant 16 : i32
      %parallel_loop3A_705 = vector.broadcast %parallel_loop3A_704 : i32 to vector<16xi32>
      %parallel_loop3A_706 = arith.addi %parallel_loop3A_693, %parallel_loop3A_705 : vector<16xi32>
      %parallel_loop3A_707 = arith.select %parallel_loop3A_703, %parallel_loop3A_706, %parallel_loop3A_693 : vector<16xi1>, vector<16xi32>
      %parallel_loop3A_708 = vector.shape_cast %parallel_loop3A_707 : vector<16xi32> to vector<16x1xi32>
      %parallel_loop3A_709 = vector.shape_cast %parallel_loop3A_708 : vector<16x1xi32> to vector<16xi32>
      %parallel_loop3A_710 = tpu.dynamic_gather %get3A_2[%parallel_loop3A_709] in [0] : vector<16xf32>, vector<16xi32> -> vector<16xf32>
      %parallel_loop3A_711 = arith.sitofp %parallel_loop3A_693 : vector<16xi32> to vector<16xf32>
      %parallel_loop3A_712 = arith.subf %parallel_loop3A_700, %parallel_loop3A_711 : vector<16xf32>
      %parallel_loop3A_713 = arith.mulf %parallel_loop3A_710, %parallel_loop3A_712 : vector<16xf32>
      %parallel_loop3A_714 = arith.mulf %parallel_loop3A_713, %parallel_loop3A_712 : vector<16xf32>
      %parallel_loop3A_715 = arith.addf %parallel_loop3A_511, %parallel_loop3A_714 : vector<16xf32>
      %parallel_loop3A_716 = arith.constant 16 : i32
      %parallel_loop3A_717 = arith.muli %parallel_loop3A_504, %parallel_loop3A_716 : i32
      %parallel_loop3A_718 = arith.constant 7 : i32
      %parallel_loop3A_719 = arith.index_cast %parallel_loop3A_718 : i32 to index
      %parallel_loop3A_720 = arith.index_cast %parallel_loop3A_717 : i32 to index
      %parallel_loop3A_721 = tpu.vector_load %arg10[%parallel_loop3A_719, %parallel_loop3A_720] {strides = array<i32>} : memref<8x1024xi32, #tpu.memory_space<vmem>>, vector<1x16xi32>,
      %parallel_loop3A_722 = vector.shape_cast %parallel_loop3A_721 : vector<1x16xi32> to vector<16xi32>
      %parallel_loop3A_723 = arith.constant 16 : i32
      %parallel_loop3A_724 = arith.muli %parallel_loop3A_504, %parallel_loop3A_723 : i32
      %parallel_loop3A_725 = arith.constant 7 : i32
      %parallel_loop3A_726 = arith.index_cast %parallel_loop3A_725 : i32 to index
      %parallel_loop3A_727 = arith.index_cast %parallel_loop3A_724 : i32 to index
      %parallel_loop3A_728 = tpu.vector_load %arg6[%parallel_loop3A_726, %parallel_loop3A_727] {strides = array<i32>} : memref<8x1024xf32, #tpu.memory_space<vmem>>, vector<1x16xf32>,
      %parallel_loop3A_729 = vector.shape_cast %parallel_loop3A_728 : vector<1x16xf32> to vector<16xf32>
      %parallel_loop3A_730 = arith.constant 0 : i32
      %parallel_loop3A_731 = vector.broadcast %parallel_loop3A_730 : i32 to vector<16xi32>
      %parallel_loop3A_732 = arith.cmpi slt, %parallel_loop3A_722, %parallel_loop3A_731 : vector<16xi32>
      %parallel_loop3A_733 = arith.constant 16 : i32
      %parallel_loop3A_734 = vector.broadcast %parallel_loop3A_733 : i32 to vector<16xi32>
      %parallel_loop3A_735 = arith.addi %parallel_loop3A_722, %parallel_loop3A_734 : vector<16xi32>
      %parallel_loop3A_736 = arith.select %parallel_loop3A_732, %parallel_loop3A_735, %parallel_loop3A_722 : vector<16xi1>, vector<16xi32>
      %parallel_loop3A_737 = vector.shape_cast %parallel_loop3A_736 : vector<16xi32> to vector<16x1xi32>
      %parallel_loop3A_738 = vector.shape_cast %parallel_loop3A_737 : vector<16x1xi32> to vector<16xi32>
      %parallel_loop3A_739 = tpu.dynamic_gather %get3A_2[%parallel_loop3A_738] in [0] : vector<16xf32>, vector<16xi32> -> vector<16xf32>
      %parallel_loop3A_740 = arith.sitofp %parallel_loop3A_722 : vector<16xi32> to vector<16xf32>
      %parallel_loop3A_741 = arith.subf %parallel_loop3A_729, %parallel_loop3A_740 : vector<16xf32>
      %parallel_loop3A_742 = arith.mulf %parallel_loop3A_739, %parallel_loop3A_741 : vector<16xf32>
      %parallel_loop3A_743 = arith.mulf %parallel_loop3A_742, %parallel_loop3A_741 : vector<16xf32>
      %parallel_loop3A_744 = arith.addf %parallel_loop3A_512, %parallel_loop3A_743 : vector<16xf32>
      scf.yield %parallel_loop3A_541, %parallel_loop3A_570, %parallel_loop3A_599, %parallel_loop3A_628, %parallel_loop3A_657, %parallel_loop3A_686, %parallel_loop3A_715, %parallel_loop3A_744 : vector<16xf32>, vector<16xf32>, vector<16xf32>, vector<16xf32>, vector<16xf32>, vector<16xf32>, vector<16xf32>, vector<16xf32>
    } {sc.loop_unroll_factor = 2 : i64, sc.parallel_access}
    %broadcast_in_dim3A_476 = arith.constant 0.000000e+00 : f32
    %broadcast_in_dim3A_477 = vector.broadcast %broadcast_in_dim3A_476 : f32 to vector<16xf32>
    %select_n3A_478 = arith.select %lt3A_455, %parallel_loop3A_475#0, %broadcast_in_dim3A_477 : vector<16xf32>
    %add3A_479 = arith.addf %add3A_433, %select_n3A_478 : vector<16xf32>
    %select_n3A_480 = arith.select %lt3A_455, %parallel_loop3A_475#1, %broadcast_in_dim3A_477 : vector<16xf32>
    %add3A_481 = arith.addf %add3A_435, %select_n3A_480 : vector<16xf32>
    %select_n3A_482 = arith.select %lt3A_455, %parallel_loop3A_475#2, %broadcast_in_dim3A_477 : vector<16xf32>
    %add3A_483 = arith.addf %add3A_437, %select_n3A_482 : vector<16xf32>
    %select_n3A_484 = arith.select %lt3A_455, %parallel_loop3A_475#3, %broadcast_in_dim3A_477 : vector<16xf32>
    %add3A_485 = arith.addf %add3A_439, %select_n3A_484 : vector<16xf32>
    %select_n3A_486 = arith.select %lt3A_455, %parallel_loop3A_475#4, %broadcast_in_dim3A_477 : vector<16xf32>
    %add3A_487 = arith.addf %add3A_441, %select_n3A_486 : vector<16xf32>
    %select_n3A_488 = arith.select %lt3A_455, %parallel_loop3A_475#5, %broadcast_in_dim3A_477 : vector<16xf32>
    %add3A_489 = arith.addf %add3A_443, %select_n3A_488 : vector<16xf32>
    %select_n3A_490 = arith.select %lt3A_455, %parallel_loop3A_475#6, %broadcast_in_dim3A_477 : vector<16xf32>
    %add3A_491 = arith.addf %add3A_445, %select_n3A_490 : vector<16xf32>
    %select_n3A_492 = arith.select %lt3A_455, %parallel_loop3A_475#7, %broadcast_in_dim3A_477 : vector<16xf32>
    %add3A_493 = arith.addf %add3A_447, %select_n3A_492 : vector<16xf32>
    %add3A_494 = arith.addf %add3A_479, %add3A_481 : vector<16xf32>
    %add3A_495 = arith.addf %add3A_494, %add3A_483 : vector<16xf32>
    %add3A_496 = arith.addf %add3A_495, %add3A_485 : vector<16xf32>
    %add3A_497 = arith.addf %add3A_496, %add3A_487 : vector<16xf32>
    %add3A_498 = arith.addf %add3A_497, %add3A_489 : vector<16xf32>
    %add3A_499 = arith.addf %add3A_498, %add3A_491 : vector<16xf32>
    %add3A_500 = arith.addf %add3A_499, %add3A_493 : vector<16xf32>
    %swap3A = arith.constant 0 : index
    %swap3A_501 = tpu.vector_load %arg15[%swap3A] {strides = array<i32>} : memref<16xf32, #tpu.memory_space<vmem>>, vector<16xf32>,
    %swap3A_502 = vector.shape_cast %swap3A_501 : vector<16xf32> to vector<16xf32>
    %swap3A_503 = vector.shape_cast %add3A_500 : vector<16xf32> to vector<16xf32>
    tpu.vector_store %arg15[%swap3A], %swap3A_503 {strides = array<i32>} : memref<16xf32, #tpu.memory_space<vmem>>, vector<16xf32>,
    "tpu.region"() ({
      %run_scoped3A = tpu.sem_alloc : memref<!tpu.dma_semaphore, #tpu.memory_space<semaphore_mem>>
      %dma_start3A_504 = arith.constant 0 : i32
      %dma_start3A_505 = tpu.memref_slice %arg5[%add3A, %dma_start3A_504] : memref<32x16xf32, #tpu.memory_space<hbm>> -> memref<1x16xf32, #tpu.memory_space<hbm>>
      %dma_start3A_506 = tpu.memref_squeeze %dma_start3A_505 : memref<1x16xf32, #tpu.memory_space<hbm>> -> memref<16xf32, #tpu.memory_space<hbm>>
      %dma_start3A_507 = arith.constant 0 : i32
      %dma_start3A_508 = tpu.memref_slice %arg5[%add3A, %dma_start3A_507] : memref<32x16xf32, #tpu.memory_space<hbm>> -> memref<1x16xf32, #tpu.memory_space<hbm>>
      %dma_start3A_509 = tpu.memref_squeeze %dma_start3A_508 : memref<1x16xf32, #tpu.memory_space<hbm>> -> memref<16xf32, #tpu.memory_space<hbm>>
      tpu.enqueue_dma source(%arg15 : memref<16xf32, #tpu.memory_space<vmem>>) target(%dma_start3A_509 : memref<16xf32, #tpu.memory_space<hbm>>) target_semaphore(%run_scoped3A : memref<!tpu.dma_semaphore, #tpu.memory_space<semaphore_mem>>)
      %dma_wait3A_510 = arith.constant 0 : i32
      %dma_wait3A_511 = tpu.memref_slice %arg5[%add3A, %dma_wait3A_510] : memref<32x16xf32, #tpu.memory_space<hbm>> -> memref<1x16xf32, #tpu.memory_space<hbm>>
      %dma_wait3A_512 = tpu.memref_squeeze %dma_wait3A_511 : memref<1x16xf32, #tpu.memory_space<hbm>> -> memref<16xf32, #tpu.memory_space<hbm>>
      %dma_wait3A_513 = arith.constant 0 : i32
      %dma_wait3A_514 = tpu.memref_slice %arg5[%add3A, %dma_wait3A_513] : memref<32x16xf32, #tpu.memory_space<hbm>> -> memref<1x16xf32, #tpu.memory_space<hbm>>
      %dma_wait3A_515 = tpu.memref_squeeze %dma_wait3A_514 : memref<1x16xf32, #tpu.memory_space<hbm>> -> memref<16xf32, #tpu.memory_space<hbm>>
      tpu.wait_dma2 semaphore(%run_scoped3A : memref<!tpu.dma_semaphore, #tpu.memory_space<semaphore_mem>>) src(%arg15 : memref<16xf32, #tpu.memory_space<vmem>>) dst(%dma_wait3A_515 : memref<16xf32, #tpu.memory_space<hbm>>)
      tpu.yield
    }) : () -> ()
    return
  }
}

module attributes {stable_mosaic.version = 14 : i64} {
  func.func @_tc_body(%arg0: i32, %arg1: memref<1x16xf32, #tpu.memory_space<smem>>, %arg2: memref<200x2048xf32, #tpu.memory_space<vmem>>, %arg3: memref<200x2048xi32, #tpu.memory_space<vmem>>, %arg4: memref<1x1xf32, #tpu.memory_space<smem>>) attributes {dimension_semantics = [#tpu.dimension_semantics<arbitrary>], iteration_bounds = array<i64: 5>, scalar_prefetch = 0 : i64, scratch_operands = 0 : i64, tpu.core_type = #tpu.core_type<tc>, window_params = [{transform_indices = @transform_0, window_bounds = array<i64: 1, 16>}, {transform_indices = @transform_1, window_bounds = array<i64: 200, 2048>}, {transform_indices = @transform_2, window_bounds = array<i64: 200, 2048>}, {transform_indices = @transform_3, window_bounds = array<i64: 1, 1>}]} {
    %get3A = arith.constant 0 : index
    %get3A_0 = arith.constant 0 : index
    %get3A_1 = vector.load %arg3[%get3A, %get3A_0] : memref<200x2048xi32, #tpu.memory_space<vmem>>, vector<200x2048xi32>
    %get3A_2 = arith.constant 0 : index
    %get3A_3 = arith.constant 0 : index
    %get3A_4 = vector.load %arg2[%get3A_2, %get3A_3] : memref<200x2048xf32, #tpu.memory_space<vmem>>, vector<200x2048xf32>
    %broadcast_in_dim3A = arith.constant 0.000000e+00 : f32
    %broadcast_in_dim3A_5 = vector.broadcast %broadcast_in_dim3A : f32 to vector<200x2048xf32>
    %eq3A = arith.constant 0 : i32
    %eq3A_6 = vector.broadcast %eq3A : i32 to vector<200x2048xi32>
    %eq3A_7 = arith.cmpi eq, %get3A_1, %eq3A_6 : vector<200x2048xi32>
    %get3A_8 = arith.constant 0 : index
    %get3A_9 = arith.constant 0 : index
    %get3A_10 = memref.load %arg1[%get3A_8, %get3A_9] : memref<1x16xf32, #tpu.memory_space<smem>>
    %broadcast_in_dim3A_11 = vector.broadcast %get3A_10 : f32 to vector<200x2048xf32>
    %select_n3A = arith.select %eq3A_7, %broadcast_in_dim3A_11, %broadcast_in_dim3A_5 : vector<200x2048xi1>, vector<200x2048xf32>
    %eq3A_12 = arith.constant 1 : i32
    %eq3A_13 = vector.broadcast %eq3A_12 : i32 to vector<200x2048xi32>
    %eq3A_14 = arith.cmpi eq, %get3A_1, %eq3A_13 : vector<200x2048xi32>
    %get3A_15 = arith.constant 0 : index
    %get3A_16 = arith.constant 1 : index
    %get3A_17 = memref.load %arg1[%get3A_15, %get3A_16] : memref<1x16xf32, #tpu.memory_space<smem>>
    %broadcast_in_dim3A_18 = vector.broadcast %get3A_17 : f32 to vector<200x2048xf32>
    %select_n3A_19 = arith.select %eq3A_14, %broadcast_in_dim3A_18, %select_n3A : vector<200x2048xi1>, vector<200x2048xf32>
    %eq3A_20 = arith.constant 2 : i32
    %eq3A_21 = vector.broadcast %eq3A_20 : i32 to vector<200x2048xi32>
    %eq3A_22 = arith.cmpi eq, %get3A_1, %eq3A_21 : vector<200x2048xi32>
    %get3A_23 = arith.constant 0 : index
    %get3A_24 = arith.constant 2 : index
    %get3A_25 = memref.load %arg1[%get3A_23, %get3A_24] : memref<1x16xf32, #tpu.memory_space<smem>>
    %broadcast_in_dim3A_26 = vector.broadcast %get3A_25 : f32 to vector<200x2048xf32>
    %select_n3A_27 = arith.select %eq3A_22, %broadcast_in_dim3A_26, %select_n3A_19 : vector<200x2048xi1>, vector<200x2048xf32>
    %eq3A_28 = arith.constant 3 : i32
    %eq3A_29 = vector.broadcast %eq3A_28 : i32 to vector<200x2048xi32>
    %eq3A_30 = arith.cmpi eq, %get3A_1, %eq3A_29 : vector<200x2048xi32>
    %get3A_31 = arith.constant 0 : index
    %get3A_32 = arith.constant 3 : index
    %get3A_33 = memref.load %arg1[%get3A_31, %get3A_32] : memref<1x16xf32, #tpu.memory_space<smem>>
    %broadcast_in_dim3A_34 = vector.broadcast %get3A_33 : f32 to vector<200x2048xf32>
    %select_n3A_35 = arith.select %eq3A_30, %broadcast_in_dim3A_34, %select_n3A_27 : vector<200x2048xi1>, vector<200x2048xf32>
    %eq3A_36 = arith.constant 4 : i32
    %eq3A_37 = vector.broadcast %eq3A_36 : i32 to vector<200x2048xi32>
    %eq3A_38 = arith.cmpi eq, %get3A_1, %eq3A_37 : vector<200x2048xi32>
    %get3A_39 = arith.constant 0 : index
    %get3A_40 = arith.constant 4 : index
    %get3A_41 = memref.load %arg1[%get3A_39, %get3A_40] : memref<1x16xf32, #tpu.memory_space<smem>>
    %broadcast_in_dim3A_42 = vector.broadcast %get3A_41 : f32 to vector<200x2048xf32>
    %select_n3A_43 = arith.select %eq3A_38, %broadcast_in_dim3A_42, %select_n3A_35 : vector<200x2048xi1>, vector<200x2048xf32>
    %eq3A_44 = arith.constant 5 : i32
    %eq3A_45 = vector.broadcast %eq3A_44 : i32 to vector<200x2048xi32>
    %eq3A_46 = arith.cmpi eq, %get3A_1, %eq3A_45 : vector<200x2048xi32>
    %get3A_47 = arith.constant 0 : index
    %get3A_48 = arith.constant 5 : index
    %get3A_49 = memref.load %arg1[%get3A_47, %get3A_48] : memref<1x16xf32, #tpu.memory_space<smem>>
    %broadcast_in_dim3A_50 = vector.broadcast %get3A_49 : f32 to vector<200x2048xf32>
    %select_n3A_51 = arith.select %eq3A_46, %broadcast_in_dim3A_50, %select_n3A_43 : vector<200x2048xi1>, vector<200x2048xf32>
    %eq3A_52 = arith.constant 6 : i32
    %eq3A_53 = vector.broadcast %eq3A_52 : i32 to vector<200x2048xi32>
    %eq3A_54 = arith.cmpi eq, %get3A_1, %eq3A_53 : vector<200x2048xi32>
    %get3A_55 = arith.constant 0 : index
    %get3A_56 = arith.constant 6 : index
    %get3A_57 = memref.load %arg1[%get3A_55, %get3A_56] : memref<1x16xf32, #tpu.memory_space<smem>>
    %broadcast_in_dim3A_58 = vector.broadcast %get3A_57 : f32 to vector<200x2048xf32>
    %select_n3A_59 = arith.select %eq3A_54, %broadcast_in_dim3A_58, %select_n3A_51 : vector<200x2048xi1>, vector<200x2048xf32>
    %eq3A_60 = arith.constant 7 : i32
    %eq3A_61 = vector.broadcast %eq3A_60 : i32 to vector<200x2048xi32>
    %eq3A_62 = arith.cmpi eq, %get3A_1, %eq3A_61 : vector<200x2048xi32>
    %get3A_63 = arith.constant 0 : index
    %get3A_64 = arith.constant 7 : index
    %get3A_65 = memref.load %arg1[%get3A_63, %get3A_64] : memref<1x16xf32, #tpu.memory_space<smem>>
    %broadcast_in_dim3A_66 = vector.broadcast %get3A_65 : f32 to vector<200x2048xf32>
    %select_n3A_67 = arith.select %eq3A_62, %broadcast_in_dim3A_66, %select_n3A_59 : vector<200x2048xi1>, vector<200x2048xf32>
    %eq3A_68 = arith.constant 8 : i32
    %eq3A_69 = vector.broadcast %eq3A_68 : i32 to vector<200x2048xi32>
    %eq3A_70 = arith.cmpi eq, %get3A_1, %eq3A_69 : vector<200x2048xi32>
    %get3A_71 = arith.constant 0 : index
    %get3A_72 = arith.constant 8 : index
    %get3A_73 = memref.load %arg1[%get3A_71, %get3A_72] : memref<1x16xf32, #tpu.memory_space<smem>>
    %broadcast_in_dim3A_74 = vector.broadcast %get3A_73 : f32 to vector<200x2048xf32>
    %select_n3A_75 = arith.select %eq3A_70, %broadcast_in_dim3A_74, %select_n3A_67 : vector<200x2048xi1>, vector<200x2048xf32>
    %eq3A_76 = arith.constant 9 : i32
    %eq3A_77 = vector.broadcast %eq3A_76 : i32 to vector<200x2048xi32>
    %eq3A_78 = arith.cmpi eq, %get3A_1, %eq3A_77 : vector<200x2048xi32>
    %get3A_79 = arith.constant 0 : index
    %get3A_80 = arith.constant 9 : index
    %get3A_81 = memref.load %arg1[%get3A_79, %get3A_80] : memref<1x16xf32, #tpu.memory_space<smem>>
    %broadcast_in_dim3A_82 = vector.broadcast %get3A_81 : f32 to vector<200x2048xf32>
    %select_n3A_83 = arith.select %eq3A_78, %broadcast_in_dim3A_82, %select_n3A_75 : vector<200x2048xi1>, vector<200x2048xf32>
    %convert_element_type3A = arith.sitofp %get3A_1 : vector<200x2048xi32> to vector<200x2048xf32>
    %sub3A = arith.subf %get3A_4, %convert_element_type3A : vector<200x2048xf32>
    %mul3A = arith.mulf %select_n3A_83, %sub3A : vector<200x2048xf32>
    %mul3A_84 = arith.mulf %mul3A, %sub3A : vector<200x2048xf32>
    %reduce_sum3A = vector.shape_cast %mul3A_84 : vector<200x2048xf32> to vector<1x200x2048xf32>
    %reduce_sum3A_85 = arith.constant dense<0.000000e+00> : vector<1xf32>
    %reduce_sum3A_86 = vector.multi_reduction <add>, %reduce_sum3A, %reduce_sum3A_85 [1, 2] : vector<1x200x2048xf32> to vector<1xf32>
    %reduce_sum3A_87 = vector.shape_cast %reduce_sum3A_86 : vector<1xf32> to vector<1x1x1xf32>
    %reduce_sum3A_88 = vector.extract %reduce_sum3A_87[0, 0, 0] : f32 from vector<1x1x1xf32>
    %eq3A_89 = arith.constant 0 : i32
    %eq3A_90 = arith.cmpi eq, %arg0, %eq3A_89 : i32
    %convert_element_type3A_91 = arith.extui %eq3A_90 : i1 to i32
    %cond3A = arith.constant 0 : i32
    %cond3A_92 = arith.cmpi ne, %convert_element_type3A_91, %cond3A : i32
    scf.if %cond3A_92 {
      %swap3A_98 = arith.constant 0.000000e+00 : f32
      %swap3A_99 = arith.constant 0 : index
      %swap3A_100 = arith.constant 0 : index
      %swap3A_101 = memref.load %arg4[%swap3A_99, %swap3A_100] : memref<1x1xf32, #tpu.memory_space<smem>>
      memref.store %swap3A_98, %arg4[%swap3A_99, %swap3A_100] : memref<1x1xf32, #tpu.memory_space<smem>>
    } else {
    }
    %get3A_93 = arith.constant 0 : index
    %get3A_94 = arith.constant 0 : index
    %get3A_95 = memref.load %arg4[%get3A_93, %get3A_94] : memref<1x1xf32, #tpu.memory_space<smem>>
    %add3A = arith.addf %get3A_95, %reduce_sum3A_88 : f32
    %swap3A = arith.constant 0 : index
    %swap3A_96 = arith.constant 0 : index
    %swap3A_97 = memref.load %arg4[%swap3A, %swap3A_96] : memref<1x1xf32, #tpu.memory_space<smem>>
    memref.store %add3A, %arg4[%swap3A, %swap3A_96] : memref<1x1xf32, #tpu.memory_space<smem>>
    return
  }
  func.func @transform_0(%arg0: i32) -> (i32, i32) {
    %c0_i32 = arith.constant 0 : i32
    %c0_i32_0 = arith.constant 0 : i32
    %c0_i32_1 = arith.constant 0 : i32
    return %c0_i32, %c0_i32_0 : i32, i32
  }
  func.func @transform_1(%arg0: i32) -> (i32, i32) {
    %add3A = arith.constant 3 : i32
    %add3A_0 = arith.addi %arg0, %add3A : i32
    %c0_i32 = arith.constant 0 : i32
    %c0_i32_1 = arith.constant 0 : i32
    return %c0_i32, %add3A_0 : i32, i32
  }
  func.func @transform_2(%arg0: i32) -> (i32, i32) {
    %add3A = arith.constant 3 : i32
    %add3A_0 = arith.addi %arg0, %add3A : i32
    %c0_i32 = arith.constant 0 : i32
    %c0_i32_1 = arith.constant 0 : i32
    return %c0_i32, %add3A_0 : i32, i32
  }
  func.func @transform_3(%arg0: i32) -> (i32, i32) {
    %c0_i32 = arith.constant 0 : i32
    %c0_i32_0 = arith.constant 0 : i32
    %c0_i32_1 = arith.constant 0 : i32
    return %c0_i32, %c0_i32_0 : i32, i32
  }
}

</mosaic_0001>

<sc_bundles>
// kernel: kernel.4.cloned.1.call-start
scs
__scs_entry_jumppad:
0x0: {  	(pc) =	sbr.rel $0x88, $3  }
0x1: {  	(tag) =	ssettag $0x0;
	lr =	simm.s32 $0x1  }
0x2: {  	[smem:$0x3F9E] =	sst lr;
	_ =	strace $0xD0000000  }
0x3: {  	_ = 	snop  }
0x4: {  	_ = 	snop  }
0x5: {  	_ = 	snop  }
0x6: {  	_ = 	snop  }
0x7: {  	_ = 	snop  }
__scs_overlays_trampoline_lowered:
0x8: {  	[smem:$0x3FAD] =	sst s0  }
0x9: {  	[smem:$0x3FAE] =	sst s1  }
0xa: {  	[smem:$0x3FAF] =	sst s2  }
0xb: {  	[smem:$0x3FB0] =	sst s3  }
0xc: {  	[smem:$0x3FB1] =	sst s4  }
0xd: {  	[smem:$0x3FB2] =	sst s5  }
0xe: {  	[smem:$0x3FB3] =	sst s6  }
0xf: {  	[smem:$0x3FB4] =	sst s7  }
0x10: {  	[smem:$0x3FB5] =	sst s8  }
0x11: {  	[smem:$0x3FB6] =	sst s9;
	s0 =	simm.s32 @!p0 $0x0  }
0x12: {  	s1 =	sld [smem:$0x3F9C];
	s0 =	simm.s32 @p0 $0x1  }
0x13: {  	[smem:$0x3FB7] =	sst s0;
	s0 =	simm.s32 @!p1 $0x0  }
0x14: {  	s2 =	sld [smem:$0x3F9B];
	s0 =	simm.s32 @p1 $0x1  }
0x15: {  	[smem:$0x3FB8] =	sst s0;
	s0 =	simm.s32 @!p2 $0x0  }
0x16: {  	s3 =	sld [smem:$0x3FDB];
	s0 =	simm.s32 @p2 $0x1  }
0x17: {  	s4 =	simm.s32 $0x1BF5;
	[smem:$0x3FBA] =	sst s0  }
0x18: {  	s0 =	sld [smem:$0x3F9D];
	_ =	swait.ge [sflag:s4], $0x0  }
0x19: {  	s7 =	sld [smem:$0x3F9E]  }
0x1a: {  	s8 =	sadd.s32 $0xFFFFE003, lr  }
0x1b: {  	s9 =	sadd.s32 $0xFFFFFEF7, lr;
	s5 =	simm.s32 $0xFFFFFFFF;
	p2 =	slt.u32 s8, $0xFFFFF086  }
0x1c: {  	p1 =	slt.u32 s9, $0xF7A;
	s5 =	simm.s32 @!p2 $0x0  }
0x1d: {  	s5 =	simm.s32 @p1 $0x1;
	p0 =	seq.s32 s7, s2  }
0x1e: {  	s7 =	smul.u32 @!p0 $0xF7A, s2;
	p2 =	seq.s32 @!p0 s5, $0x0  }
0x1f: {  	s9 =	smul.u32 $0xF7A, s1;
	s8 =	simm.s32 @!p0 $0x1BF5;
	p2 =	por !p2, p0  }
0x20: {  	[sflag:s8] =	ssyncset.s32 @!p0 $0xFFFFF086;
	s6 =	sadd.s32 @!p0 s3, s7;
	s7 =	simm.s32 @!p0 $0x108  }
0x21: {  	s3 =	sadd.s32 s3, s9;
	s6 =	sadd.s32 @!p0 $0x88, s6;
	s7 =	simm.s32 @p2 $0x1082  }
0x22: {  	[simem:s7], [sflag:s8] =	dma.local @!p0 [hbm:s6], $0xF7A  }
0x23: {  	s9 =	sor.u32 $0xD0000000, s2;
	s6 =	simm.s32 $0x108;
	_ =	swait.ge @!p0 [sflag:s8], $0x0  }
0x24: {  	s3 =	sadd.s32 $0x88, s3;
	s6 =	simm.s32 @!p1 $0x1082;
	[sflag:s4] =	ssyncset.s32 $0xFFFFF086  }
0x25: {  	[simem:s6], [sflag:s4] =	dma.local [hbm:s3], $0xF7A  }
0x26: {  	[smem:$0x3F9E] =	sst s1;
	(tag) =	ssettag s2;
	_ =	strace s9  }
0x27: {  	s1 =	sld [smem:$0x3FAE]  }
0x28: {  	s2 =	sld [smem:$0x3FAF]  }
0x29: {  	s4 =	sld [smem:$0x3FB1]  }
0x2a: {  	p0 =	seq.s32 s5, $0x0;
	s5 =	sld [smem:$0x3FB2]  }
0x2b: {  	s6 =	sld [smem:$0x3FB3]  }
0x2c: {  	s7 =	sld [smem:$0x3FB4]  }
0x2d: {  	s3 =	simm.s32 $0x108;
	s8 =	sld [smem:$0x3FB5]  }
0x2e: {  	s3 =	simm.s32 @!p0 $0x1082;
	s9 =	sld [smem:$0x3FB6]  }
0x2f: {  	lr =	sadd.s32 s0, s3;
	s0 =	sld [smem:$0x3FAD]  }
0x30: {  	s3 =	sld [smem:$0x3FB0]  }
0x31: {  	[smem:$0x3FB9] =	sst s10  }
0x32: {  	s10 =	sld [smem:$0x3FB7];
	_ =	sdelay $0x3  }
0x33: {  	p0 =	seq.s32 s10, $0x1;
	s10 =	sld [smem:$0x3FB9];
	_ =	sdelay $0x3  }
0x34: {  	[smem:$0x3FB9] =	sst s10  }
0x35: {  	s10 =	sld [smem:$0x3FB8];
	_ =	sdelay $0x3  }
0x36: {  	p1 =	seq.s32 s10, $0x1;
	s10 =	sld [smem:$0x3FB9];
	_ =	sdelay $0x3  }
0x37: {  	[smem:$0x3FB9] =	sst s10  }
0x38: {  	s10 =	sld [smem:$0x3FBA]  }
0x39: {  	_ = 	snop;
	(pc) =	sbr.ind lr, $3  }
0x3a: {  	_ = 	snop  }
0x3b: {  	_ = 	snop  }
0x3c: {  	p2 =	seq.s32 s10, $0x1;
	s10 =	sld [smem:$0x3FB9]  }
0x3d: {  	_ =	shalt  }
0x3e: {  	_ =	shalt  }
0x3f: {  	_ =	shalt  }
0x40: {  	_ =	shalt  }
0x41: {  	_ =	shalt  }
0x42: {  	_ =	shalt  }
0x43: {  	_ =	shalt  }
0x44: {  	_ =	shalt  }
0x45: {  	_ =	shalt  }
0x46: {  	_ =	shalt  }
0x47: {  	_ =	shalt  }
0x48: {  	_ =	shalt  }
0x49: {  	_ =	shalt  }
0x4a: {  	_ =	shalt  }
0x4b: {  	_ =	shalt  }
0x4c: {  	_ =	shalt  }
0x4d: {  	_ =	shalt  }
0x4e: {  	_ =	shalt  }
0x4f: {  	_ =	shalt  }
0x50: {  	_ =	shalt  }
0x51: {  	_ =	shalt  }
0x52: {  	_ =	shalt  }
0x53: {  	_ =	shalt  }
0x54: {  	_ =	shalt  }
0x55: {  	_ =	shalt  }
0x56: {  	_ =	shalt  }
0x57: {  	_ =	shalt  }
0x58: {  	_ =	shalt  }
0x59: {  	_ =	shalt  }
0x5a: {  	_ =	shalt  }
0x5b: {  	_ =	shalt  }
0x5c: {  	_ =	shalt  }
0x5d: {  	_ =	shalt  }
0x5e: {  	_ =	shalt  }
0x5f: {  	_ =	shalt  }
0x60: {  	_ =	shalt  }
0x61: {  	_ =	shalt  }
0x62: {  	_ =	shalt  }
0x63: {  	_ =	shalt  }
0x64: {  	_ =	shalt  }
0x65: {  	_ =	shalt  }
0x66: {  	_ =	shalt  }
0x67: {  	_ =	shalt  }
0x68: {  	_ =	shalt  }
0x69: {  	_ =	shalt  }
0x6a: {  	_ =	shalt  }
0x6b: {  	_ =	shalt  }
0x6c: {  	_ =	shalt  }
0x6d: {  	_ =	shalt  }
0x6e: {  	_ =	shalt  }
0x6f: {  	_ =	shalt  }
0x70: {  	_ =	shalt  }
0x71: {  	_ =	shalt  }
0x72: {  	_ =	shalt  }
0x73: {  	_ =	shalt  }
0x74: {  	_ =	shalt  }
0x75: {  	_ =	shalt  }
0x76: {  	_ =	shalt  }
0x77: {  	_ =	shalt  }
0x78: {  	_ =	shalt  }
0x79: {  	_ =	shalt  }
0x7a: {  	_ =	shalt  }
0x7b: {  	_ =	shalt  }
0x7c: {  	_ =	shalt  }
0x7d: {  	_ =	shalt  }
0x7e: {  	_ =	shalt  }
0x7f: {  	_ =	shalt  }
0x80: {  	_ =	shalt  }
0x81: {  	_ =	shalt  }
0x82: {  	_ =	shalt  }
0x83: {  	_ =	shalt  }
0x84: {  	_ =	shalt  }
0x85: {  	_ =	shalt  }
0x86: {  	_ =	shalt  }
0x87: {  	_ =	shalt  }
.Lfunc_end0:
.L_simem_size_0:
called_computation_lowered:
.L_overlay_start_0:
0x88: {  	s2 =	sld [smem:$0x3FD9]  }
0x89: {  	s3 =	sld [smem:$0x3FFE];
	_ =	sdelay $0x1  }
0x8a: {  	s1 =	srdreg.scid  }
0x8b: {  	s0 =	sand.u32 $0x1, s1  }
0x8c: {  	s17 =	sshll.u32 s0, $0xA;
	s2 =	sadd.s32 s3, s2  }
0x8d: {  	s2 =	sadd.s32 s2, s17  }
0x8e: {  	[smem:$0x3FC5] =	sst s2  }
0x8f: {  	_ = 	snop  }
0x90: {  	s2 =	sld [smem:$0x3FC9]  }
0x91: {  	s18 =	sld [smem:$0x3FC8]  }
0x92: {  	s4 =	sld [smem:$0x3FD0];
	(tm) =	ssettm $0x1  }
0x93: {  	s5 =	sld [smem:$0x3FFB];
	_ =	sdelay $0x3  }
0x94: {  	_ =	strace s5  }
0x95: {  	s5 =	sld [smem:$0x3FFC];
	_ =	sdelay $0x3  }
0x96: {  	_ =	strace s5  }
0x97: {  	s5 =	sld [smem:$0x3FFD];
	_ =	sdelay $0x3  }
0x98: {  	_ =	strace s5  }
0x99: {  	_ =	strace $0x8FFFFFFF  }
0x9a: {  	s19 =	sld [smem:$0x3FDB];
	_ =	sdelay $0x1  }
0x9b: {  	s6 =	simm.s32 $_scs_section_size  }
0x9c: {  	s7 =	simm.s32 $_size__tile_overlayer_lowered;
	s8 =	simm.s32 $_tile_overlayer_lowered  }
0x9d: {  	s22 =	simm.s32 $0x1BFF;
	s21 =	sshll.u32 s8, $0x1;
	s5 =	sadd.s32 s6, s19  }
0x9e: {  	s9 =	simm.s32 $0x0;
	s20 =	sshll.u32 s7, $0x1;
	s7 =	sadd.s32 s21, s5  }
0x9f: {  	[timem:s9], [sflag:s22] =	dma.local [hbm:s7], s20  }
0xa0: {  	_ =	swait.ge [sflag:s22], s20  }
0xa1: {  	s6 =	ssub.s32 $0x0, s20;
	[sflag:s22] =	ssyncset.done $0x0  }
0xa2: {  	[sflag:s22] =	ssyncadd.s32 s6;
	_ =	sdelay $0x1  }
0xa3: {  	s23 =	simm.s32 $0x1B8B  }
0xa4: {  	_ =	swait.ge [sflag:s23], $0x1  }
0xa5: {  	[sflag:s23] =	ssyncset.done $0x0  }
0xa6: {  	s25 =	simm.s32 $0x1B8E;
	s24 =	sld [smem:$0x3FFE];
	[sflag:s23] =	ssyncadd.s32 $0xFFFFFFFF  }
0xa7: {  	s26 =	simm.s32 $execute0_lowered;
	[smem:$0x3FD2] =	sst s25  }
0xa8: {  	s7 =	sshll.u32 s26, $0x1;
	_ =	strace $0x80000046;
	[dreg:$0x1] =	wrdreg $0xFFFFFFFF  }
0xa9: {  	s28 =	simm.s32 $_size_execute0_lowered;
	s5 =	sadd.s32 s5, s7;
	[dreg:$0x0] =	wrdreg $0x0  }
0xaa: {  	s7 =	sshll.u32 s28, $0x1;
	[dreg:$0x2] =	wrdreg s5  }
0xab: {  	[dreg:$0x3] =	wrdreg s7  }
0xac: {  	[dreg:$0x4] =	wrdreg $0xC0  }
0xad: {  	_ =	task [dreg:s9], $0x5FFFF  }
0xae: {  	[dreg:$0x1] =	wrdreg $0xFFFFFFFF  }
0xaf: {  	[dreg:$0x0] =	wrdreg $0x60  }
0xb0: {  	[dreg:$0x2] =	wrdreg s2  }
0xb1: {  	[dreg:$0x3] =	wrdreg s18  }
0xb2: {  	[dreg:$0x4] =	wrdreg s4  }
0xb3: {  	[dreg:$0x5] =	wrdreg s24  }
0xb4: {  	[dreg:$0x6] =	wrdreg $0x9  }
0xb5: {  	_ =	task.clear_ibuf [dreg:s9], $0x7FFFF;
	_ =	strace $0x90000046  }
0xb6: {  	s29 =	simm.s32 $0x9;
	_ =	strace $0x80000048  }
0xb7: {  	_ =	swait.ge [sflag:s29], $0x1  }
0xb8: {  	[sflag:s29] =	ssyncadd.s32 $0xFFFFFFFF  }
0xb9: {  	_ =	strace $0x90000048  }
0xba: {  	_ =	sfence  }
0xbb: {  	s30 =	sld [smem:$0x0];
	_ =	sdelay $0x2  }
0xbc: {  	s31 =	sshll.u32 s1, $0xD;
	s1 =	sshrl.u32 s1, $0x2  }
0xbd: {  	s3 =	sand.u32 $0x4000, s31;
	s1 =	sadd.s32 s1, s30  }
0xbe: {  	s0 =	sor.u32 s3, s0;
	s1 =	sshll.u32 s1, $0x11  }
0xbf: {  	s0 =	sor.u32 s1, s0  }
0xc0: {  	s0 =	sadd.s32 $0x8F2B, s0  }
0xc1: {  	[sflag:s0] =	ssyncadd.remote.s32 $0x1  }
0xc2: {  	_ =	sfence.sel $0xFFFF  }
0xc3: {  	[dreg:$0x0] =	wrdreg $0xFFFFFFFF;
	(pc) =	sbr.abs _section_cstart, $3  }
0xc4: {  	[dreg:$0x1] =	wrdreg $0xFFFFFFFF  }
0xc5: {  	_ =	task.clear_ibuf [dreg:s9], $0x2FFFF;
	_ =	strace $0x9FFFFFFF  }
0xc6: {  	(tm) =	ssettm $0x7FFFFFFF  }
0xc7: {  	_ =	shalt  }
tec
execute0_lowered:
.L_overlay_start_1:
0x0: {  	(tag) =	ssettag $0x1  }
0x1: {  	s0 =	rddreg [dreg:$0x0];
	s2 =	srdreg.scid  }
0x2: {  	s19 =	stileid.u32;
	s1 =	rddreg [dreg:$0x1]  }
0x3: {  	s4 =	rddreg [dreg:$0x3];
	s28 =	simm.s32 $0x2;
	s29 =	simm.s32 $0x6  }
0x4: {  	s30 =	simm.s32 $0x3;
	s31 =	simm.s32 $0x7;
	s2 =	sand.u32 $0x1, s2  }
0x5: {  	s3 =	sshll.u32 s19, $0x1;
	s8 =	smul.u32 $0x1580, s19;
	p0 =	slt.u32 s19, $0xB  }
0x6: {  	s6 =	sor.u32 s2, s3;
	s3 =	simm.s32 $0x0;
	s2 =	ssub.s32 $0x2, s2  }
0x7: {  	s5 =	smul.u32 $0x2B, s6;
	[smem:$0x7FF] =	sst s3;
	s7 =	sshll.u32 s6, $0x4  }
0x8: {  	s9 =	sor.u32 $0x20, s6;
	s21 =	sshrl.u32 s2, $0x1;
	s22 =	sand.u32 $0x1C000, s8  }
0x9: {  	s25 =	sor.u32 $0x40, s6;
	s16 =	smin.u32 s6, $0x15;
	s10 =	smul.u32 $0x2B, s9  }
0xa: {  	s13 =	sor.u32 $0x60, s6;
	_ =	strace $0x80000047;
	s11 =	smul.u32 $0x2B, s25  }
0xb: {  	s14 =	sadd.s32 s7, s4;
	s18 =	smul.u32 $0x2B, s13;
	s5 =	sshrl.u32 s5, $0x8  }
0xc: {  	s2 =	ssub.s32 s2, s21;
	s5 =	smul.u32 $0x6, s5;
	s23 =	sshrl.u32 s10, $0x8  }
0xd: {  	s26 =	sshrl.u32 s11, $0x8;
	s11 =	sor.u32 $0xFFFFFF80, s16;
	s24 =	smul.u32 $0x6, s23  }
0xe: {  	s14 =	sadd.s32 $0x400, s14;
	s12 =	smul.u32 $0x6, s26;
	s15 =	sand.u32 $0x9F, s11  }
0xf: {  	s8 =	sshll.u32 s23, $0xE;
	s5 =	ssub.s32 s6, s5;
	s21 =	smul.u32 $0xAB, s15  }
0x10: {  	s15 =	smax.u32 s2, $0x1;
	s2 =	simm.s32 $0x10080;
	s5 =	sand.u32 $0xFF, s5  }
0x11: {  	s7 =	ssub.s32 s9, s24;
	s20 =	ssub.s32 s25, s12;
	s9 =	sshll.u32 s26, $0xE  }
0x12: {  	s5 =	sshll.u32 s5, $0xA;
	s7 =	sand.u32 $0xFF, s7;
	s6 =	sand.u32 $0xFF, s20  }
0x13: {  	s10 =	sshrl.u32 s21, $0xA;
	s5 =	sor.u32 s22, s5;
	s17 =	sshll.u32 s7, $0xA  }
0x14: {  	s22 =	sshrl.u32 s18, $0x8;
	s23 =	sshll.u32 s6, $0xA;
	s16 =	smul.u32 $0x6, s10  }
0x15: {  	s25 =	sshll.u32 s10, $0xE;
	s18 =	simm.s32 $0x8000;
	s4 =	sadd.s32 s0, s5  }
0x16: {  	s5 =	sadd.s32 s1, s5;
	s8 =	sor.u32 s17, s8;
	s24 =	smul.u32 $0x6, s22  }
0x17: {  	s9 =	sor.u32 s23, s9;
	s12 =	sshll.u32 s22, $0xE;
	s17 =	simm.s32 $0x9  }
0x18: {  	s6 =	sadd.s32 s0, s8;
	s7 =	sadd.s32 s1, s8;
	s13 =	ssub.s32 s13, s24  }
0x19: {  	s8 =	sadd.s32 s0, s9;
	s11 =	ssub.s32 s11, s16;
	s13 =	sand.u32 $0xFF, s13  }
0x1a: {  	s9 =	sadd.s32 s1, s9;
	s11 =	sand.u32 $0xFF, s11;
	s13 =	sshll.u32 s13, $0xA  }
0x1b: {  	s16 =	simm.s32 $0x0;
	s26 =	sshll.u32 s11, $0xA;
	s12 =	sor.u32 s13, s12  }
0x1c: {  	s13 =	sor.u32 s26, s25;
	s25 =	simm.s32 $0x1;
	s26 =	simm.s32 $0x5  }
0x1d: {  	s10 =	sadd.s32 s0, s12;
	s11 =	sadd.s32 s1, s12;
	s12 =	sadd.s32 s0, s13  }
0x1e: {  	s13 =	sadd.s32 s1, s13;
	s1 =	simm.s32 $0x4;
	s0 =	simm.s32 $0x8  }
.LBB2_1:
0x1f: {  	s19 =	rddreg [dreg:$0x2];
	s20 =	simm.s32 $0x10000  }
0x20: {  	[tilespmem:s20], [sflag:$0x9] =	stream.linear.gather [hbm4b:s19+s3], $0x80, $0x38;
	[tilespmem:$0x10100] =	vst v63  }
0x21: {  	_ =	swait.ge [sflag:s17], $0x80  }
0x22: {  	[sflag:s17] =	ssyncset.done $0x0  }
0x23: {  	[sflag:s17] =	ssyncadd.s32 $0xFFFFFF80  }
0x24: {  	v0 =	vld [tilespmem:$0x10000];
	[tilespmem:s3], [sflag:$0x1] =	stream.linear.gather [hbm4b:s4+s3], $0x2000, $0x38  }
0x25: {  	_ = 	snop  }
0x26: {  	[tilespmem:s18], [sflag:$0x5] =	stream.linear.gather [hbm4b:s5+s3], $0x2000, $0x38;
	[tilespmem:$0x10100] =	vst v63  }
0x27: {  	s22 =	simm.s32 $0x2000  }
0x28: {  	[tilespmem:s22], [sflag:$0x2] =	stream.linear.gather [hbm4b:s6+s3], $0x2000, $0x38;
	[tilespmem:$0x10100] =	vst v63  }
0x29: {  	s23 =	simm.s32 $0xA000  }
0x2a: {  	[tilespmem:s23], [sflag:$0x6] =	stream.linear.gather [hbm4b:s7+s3], $0x2000, $0x38;
	[tilespmem:$0x10100] =	vst v63  }
0x2b: {  	s24 =	simm.s32 $0x4000  }
0x2c: {  	[tilespmem:s24], [sflag:$0x3] =	stream.linear.gather [hbm4b:s8+s3], $0x2000, $0x38;
	[tilespmem:$0x10100] =	vst v63  }
0x2d: {  	s20 =	simm.s32 $0xC000  }
0x2e: {  	[tilespmem:s20], [sflag:$0x7] =	stream.linear.gather [hbm4b:s9+s3], $0x2000, $0x38;
	[tilespmem:$0x10100] =	vst v63  }
0x2f: {  	s21 =	simm.s32 $0x6000  }
0x30: {  	[tilespmem:s21], [sflag:$0x4] =	stream.linear.gather [hbm4b:s10+s3], $0x2000, $0x38;
	[tilespmem:$0x10100] =	vst v63  }
0x31: {  	s22 =	simm.s32 $0xE000  }
0x32: {  	[tilespmem:s22], [sflag:$0x8] =	stream.linear.gather [hbm4b:s11+s3], $0x2000, $0x38;
	[tilespmem:$0x10100] =	vst v63  }
0x33: {  	_ =	swait.ge [sflag:s25], $0x2000  }
0x34: {  	[sflag:s25] =	ssyncset.done $0x0  }
0x35: {  	[sflag:s25] =	ssyncadd.s32 $0xFFFFE000  }
0x36: {  	s23 =	sor.u32 s3, s3;
	_ =	swait.ge [sflag:s26], $0x2000  }
0x37: {  	s19 =	sor.u32 $0x380, s23;
	[sflag:s26] =	ssyncset.done $0x0  }
0x38: {  	s24 =	sand.u32 $0x70, s3;
	s21 =	sand.u32 $0x1C00, s3;
	[sflag:s26] =	ssyncadd.s32 $0xFFFFE000  }
0x39: {  	s20 =	sor.u32 s24, s21;
	v1 =	vld [tilespmem:s19+$0x8000]  }
0x3a: {  	v2 =	vld [tilespmem:s20+$0x8000]  }
0x3b: {  	v3 =	vld [tilespmem:s19+$0x0]  }
0x3c: {  	v4 =	vld [tilespmem:s20+$0x8080]  }
0x3d: {  	v5 =	vld [tilespmem:s20+$0x8100]  }
0x3e: {  	v6 =	vld [tilespmem:s20+$0x8180]  }
0x3f: {  	v7 =	vld [tilespmem:s20+$0x8200]  }
0x40: {  	v9 =	vld [tilespmem:s20+$0x8280]  }
0x41: {  	v13 =	vld [tilespmem:s20+$0x80]  }
0x42: {  	v11 =	vld [tilespmem:s20+$0x8300];
	v8 =	vcvt.s32.f32 v1;
	v10 =	vperm.xlane v0, v2  }
0x43: {  	v15 =	vld [tilespmem:s20+$0x100];
	v2 =	vcvt.s32.f32 v2;
	v1 =	vperm.xlane v0, v1  }
0x44: {  	s23 =	simm.s32 $0x80;
	s21 =	simm.s32 $0x10;
	v17 =	vld [tilespmem:s20+$0x180];
	v12 =	vperm.xlane v0, v4;
	v4 =	vcvt.s32.f32 v4  }
0x45: {  	s22 =	sor.u32 s23, s21;
	v20 =	vld [tilespmem:s20+$0x280];
	s19 =	sand.u32 $0x70, s21;
	s21 =	sand.u32 $0x1C00, s23;
	v14 =	vcvt.s32.f32 v5;
	v5 =	vperm.xlane v0, v5  }
0x46: {  	s19 =	sor.u32 s19, s21;
	v19 =	vcvt.s32.f32 v9;
	v3 =	vsub.f32 v3, v8;
	v8 =	vld [tilespmem:s20+$0x0];
	v4 =	vsub.f32 v13, v4  }
0x47: {  	v25 =	vld [tilespmem:s19+$0x8000];
	v21 =	vcvt.s32.f32 v11;
	v24 =	vperm.xlane v0, v11  }
0x48: {  	s22 =	sor.u32 $0x380, s22;
	v22 =	vld [tilespmem:s20+$0x300];
	v1 =	vmul.f32 v3, v1;
	v11 =	vmul.f32 v4, v12  }
0x49: {  	v23 =	vld [tilespmem:s22+$0x8000];
	v16 =	vcvt.s32.f32 v6;
	v9 =	vperm.xlane v0, v9  }
0x4a: {  	v1 =	vmul.f32 v1, v3;
	v3 =	vld [tilespmem:s20+$0x200];
	v4 =	vmul.f32 v11, v4;
	v11 =	vsub.f32 v20, v19  }
0x4b: {  	v29 =	vld [tilespmem:s19+$0x8280];
	v18 =	vcvt.s32.f32 v7;
	v14 =	vsub.f32 v15, v14;
	v2 =	vsub.f32 v8, v2  }
0x4c: {  	v35 =	vld [tilespmem:s19+$0x0];
	v8 =	vsub.f32 v17, v16;
	v16 =	vperm.xlane v0, v25;
	v15 =	vmul.f32 v11, v9  }
0x4d: {  	v9 =	vcvt.s32.f32 v25;
	v25 =	vld [tilespmem:s19+$0x8200];
	v10 =	vmul.f32 v2, v10  }
0x4e: {  	v34 =	vld [tilespmem:s19+$0x8300];
	v6 =	vperm.xlane v0, v6;
	v7 =	vperm.xlane v0, v7  }
0x4f: {  	v17 =	vld [tilespmem:s22+$0x0];
	v27 =	vmul.f32 v10, v2;
	v2 =	vmul.f32 v14, v5;
	v10 =	vsub.f32 v3, v18  }
0x50: {  	v13 =	vmul.f32 v8, v6;
	v6 =	vperm.xlane v0, v23;
	v3 =	vld [tilespmem:s19+$0x8080]  }
0x51: {  	v12 =	vsub.f32 v22, v21;
	v19 =	vmul.f32 v2, v14;
	v14 =	vmul.f32 v10, v7  }
0x52: {  	v35 =	vsub.f32 v35, v9;
	v5 =	vld [tilespmem:s19+$0x8100];
	v2 =	vcvt.s32.f32 v23;
	v21 =	vcvt.s32.f32 v25  }
0x53: {  	v9 =	vimm.f32 $0.0e+00;
	v7 =	vld [tilespmem:s19+$0x8180];
	v23 =	vcvt.s32.f32 v29;
	v29 =	vperm.xlane v0, v29  }
0x54: {  	v22 =	vsub.f32 v17, v2;
	v17 =	vmul.f32 v12, v24;
	v24 =	vperm.xlane v0, v25  }
0x55: {  	v2 =	vimm.f32 $0.0e+00;
	v25 =	vcvt.s32.f32 v34;
	v18 =	vperm.xlane v0, v3  }
0x56: {  	v33 =	vld [tilespmem:s19+$0x80];
	v28 =	vcvt.s32.f32 v3;
	v1 =	vadd.f32 v1, v2;
	v3 =	vmul.f32 v22, v6  }
0x57: {  	v32 =	vld [tilespmem:s19+$0x100];
	v26 =	vcvt.s32.f32 v5;
	v20 =	vperm.xlane v0, v5;
	v4 =	vadd.f32 v4, v2  }
0x58: {  	v30 =	vld [tilespmem:s19+$0x180];
	v6 =	vadd.f32 v27, v2;
	v27 =	vcvt.s32.f32 v7;
	v5 =	vmul.f32 v3, v22  }
0x59: {  	s24 =	simm.s32 $0x20;
	s21 =	simm.s32 $0x30;
	v31 =	vld [tilespmem:s19+$0x200];
	s20 =	simm.s32 $0x100;
	v3 =	vadd.f32 v19, v2;
	v22 =	vperm.xlane v0, v7;
	v19 =	vperm.xlane v0, v34  }
0x5a: {  	s22 =	sand.u32 $0x70, s24;
	s23 =	sand.u32 $0x1C00, s20;
	s24 =	sor.u32 s20, s24;
	v34 =	vld [tilespmem:s19+$0x280];
	v7 =	vimm.f32 $0.0e+00;
	v1 =	vadd.f32 v5, v1;
	v5 =	vimm.f32 $0.0e+00  }
.LBB2_2:
0x5b: {  	p1 =	sne.s32 s21, $0x3F0;
	s24 =	sor.u32 $0x380, s24;
	v28 =	vsub.f32 v33, v28;
	v33 =	vld [tilespmem:s19+$0x300];
	s19 =	sor.u32 s22, s23;
	v36 =	vmul.f32 v13, v8;
	v37 =	vmul.f32 v14, v10  }
0x5c: {  	v39 =	vmul.f32 v15, v11;
	v38 =	vld [tilespmem:s24+$0x8000];
	v10 =	vmul.f32 v35, v16;
	v14 =	vsub.f32 v32, v26  }
0x5d: {  	v40 =	vmul.f32 v17, v12;
	v26 =	vld [tilespmem:s19+$0x8000];
	v11 =	vmul.f32 v28, v18;
	v8 =	vsub.f32 v30, v27  }
0x5e: {  	v17 =	vld [tilespmem:s24+$0x0];
	v15 =	vmul.f32 v10, v35;
	v12 =	vmul.f32 v14, v20;
	v10 =	vsub.f32 v31, v21  }
0x5f: {  	v20 =	vld [tilespmem:s19+$0x8080];
	v18 =	vmul.f32 v11, v28;
	v13 =	vmul.f32 v8, v22;
	v11 =	vsub.f32 v34, v23  }
0x60: {  	v21 =	vld [tilespmem:s19+$0x8100];
	v22 =	vmul.f32 v12, v14;
	v14 =	vmul.f32 v10, v24;
	v12 =	vsub.f32 v33, v25  }
0x61: {  	v6 =	vadd.f32 v15, v6;
	v23 =	vld [tilespmem:s19+$0x8180];
	v24 =	vcvt.s32.f32 v38;
	v15 =	vmul.f32 v11, v29  }
0x62: {  	v4 =	vadd.f32 v18, v4;
	v16 =	vperm.xlane v0, v26;
	v29 =	vcvt.s32.f32 v26;
	v25 =	vld [tilespmem:s19+$0x8200]  }
0x63: {  	v27 =	vperm.xlane v0, v38;
	v41 =	vld [tilespmem:s19+$0x8280];
	v24 =	vsub.f32 v17, v24;
	v17 =	vmul.f32 v12, v19  }
0x64: {  	v3 =	vadd.f32 v22, v3;
	v18 =	vperm.xlane v0, v20;
	v28 =	vcvt.s32.f32 v20;
	v19 =	vld [tilespmem:s19+$0x8300]  }
0x65: {  	v2 =	vadd.f32 v36, v2;
	v34 =	vld [tilespmem:s19+$0x0];
	v26 =	vcvt.s32.f32 v21;
	v22 =	vmul.f32 v24, v27  }
.Ltmp0:
0x66: {  	v9 =	vadd.f32 v37, v9;
	v20 =	vperm.xlane v0, v21;
	v33 =	vld [tilespmem:s19+$0x80];
	v27 =	vcvt.s32.f32 v23;
	(pc) =	sbr.rel @p1 .LBB2_2-.Ltmp0, $4  }
0x67: {  	v7 =	vadd.f32 v39, v7;
	v32 =	vld [tilespmem:s19+$0x100];
	v21 =	vcvt.s32.f32 v25;
	v35 =	vmul.f32 v22, v24  }
0x68: {  	v5 =	vadd.f32 v40, v5;
	v22 =	vperm.xlane v0, v23;
	v30 =	vld [tilespmem:s19+$0x180];
	v23 =	vcvt.s32.f32 v41  }
0x69: {  	s22 =	sand.u32 $0x70, s21;
	s20 =	sadd.s32 $0x80, s20;
	v24 =	vperm.xlane v0, v25;
	v31 =	vld [tilespmem:s19+$0x200];
	v25 =	vcvt.s32.f32 v19;
	v1 =	vadd.f32 v35, v1  }
0x6a: {  	s23 =	sand.u32 $0x1C00, s20;
	s24 =	sor.u32 s20, s21;
	s21 =	sadd.s32 $0x10, s21;
	v19 =	vperm.xlane v0, v19;
	v35 =	vsub.f32 v34, v29;
	v34 =	vld [tilespmem:s19+$0x280];
	v29 =	vperm.xlane v0, v41  }
0x6b: {  	s20 =	sor.u32 $0x380, s24;
	v36 =	vld [tilespmem:s19+$0x300]  }
0x6c: {  	s22 =	sor.u32 s22, s23;
	v37 =	vld [tilespmem:s20+$0x8000]  }
0x6d: {  	v38 =	vld [tilespmem:s22+$0x8000]  }
0x6e: {  	v39 =	vld [tilespmem:s20+$0x0]  }
0x6f: {  	v40 =	vld [tilespmem:s22+$0x8080]  }
0x70: {  	v41 =	vld [tilespmem:s22+$0x8100]  }
0x71: {  	v42 =	vld [tilespmem:s22+$0x8180]  }
0x72: {  	v28 =	vsub.f32 v33, v28;
	v8 =	vmul.f32 v13, v8;
	v10 =	vmul.f32 v14, v10;
	v43 =	vld [tilespmem:s22+$0x8200]  }
0x73: {  	v11 =	vmul.f32 v15, v11;
	v44 =	vld [tilespmem:s22+$0x8280];
	v14 =	vmul.f32 v35, v16;
	v16 =	vsub.f32 v32, v26  }
0x74: {  	v12 =	vmul.f32 v17, v12;
	v13 =	vld [tilespmem:s22+$0x8300];
	v15 =	vmul.f32 v28, v18;
	v27 =	vsub.f32 v30, v27  }
0x75: {  	v26 =	vld [tilespmem:s22+$0x0];
	v17 =	vmul.f32 v16, v20;
	v14 =	vmul.f32 v14, v35;
	v21 =	vsub.f32 v31, v21  }
0x76: {  	v50 =	vld [tilespmem:s22+$0x300];
	v15 =	vmul.f32 v15, v28;
	v22 =	vmul.f32 v27, v22;
	v23 =	vsub.f32 v34, v23  }
0x77: {  	v18 =	vld [tilespmem:s22+$0x80];
	v2 =	vadd.f32 v8, v2;
	v16 =	vmul.f32 v17, v16;
	v24 =	vmul.f32 v21, v24  }
0x78: {  	v20 =	vld [tilespmem:s22+$0x100];
	v6 =	vadd.f32 v14, v6;
	v30 =	vcvt.s32.f32 v37;
	v14 =	vmul.f32 v23, v29  }
0x79: {  	v9 =	vadd.f32 v10, v9;
	v31 =	vld [tilespmem:s22+$0x280];
	v29 =	vperm.xlane v0, v38;
	v51 =	vcvt.s32.f32 v38  }
0x7a: {  	s23 =	simm.s32 $0x0;
	v28 =	vld [tilespmem:s22+$0x180];
	v4 =	vadd.f32 v15, v4;
	v15 =	vperm.xlane v0, v37;
	v52 =	vperm.xlane v0, v40  }
0x7b: {  	v7 =	vadd.f32 v11, v7;
	v17 =	vld [tilespmem:s22+$0x200];
	[tilespmem:s23], [sflag:$0x1] =	stream.linear.gather [hbm4b:s12+s23], $0x2000, $0x38;
	v53 =	vcvt.s32.f32 v40;
	v8 =	vperm.xlane v0, v41  }
0x7c: {  	v5 =	vadd.f32 v12, v5;
	v54 =	vcvt.s32.f32 v42;
	v10 =	vcvt.s32.f32 v43  }
0x7d: {  	v25 =	vsub.f32 v36, v25;
	v11 =	vperm.xlane v0, v42;
	v12 =	vperm.xlane v0, v43;
	[tilespmem:s18], [sflag:$0x5] =	stream.linear.gather [hbm4b:s13+s23], $0x2000, $0x38;
	[tilespmem:$0x10100] =	vst v63  }
0x7e: {  	v55 =	vcvt.s32.f32 v13;
	v56 =	vperm.xlane v0, v44;
	_ =	swait.ge [sflag:s28], $0x2000  }
0x7f: {  	v19 =	vmul.f32 v25, v19;
	v3 =	vadd.f32 v16, v3;
	v16 =	vcvt.s32.f32 v41;
	[sflag:s28] =	ssyncset.done $0x0  }
0x80: {  	v13 =	vperm.xlane v0, v13;
	v30 =	vsub.f32 v39, v30;
	v18 =	vsub.f32 v18, v53;
	[sflag:s28] =	ssyncadd.s32 $0xFFFFE000  }
0x81: {  	v16 =	vsub.f32 v20, v16;
	v19 =	vmul.f32 v19, v25;
	v25 =	vsub.f32 v50, v55;
	_ =	swait.ge [sflag:s29], $0x2000  }
0x82: {  	s24 =	sor.u32 s23, s23;
	s21 =	sand.u32 $0x70, s23;
	v15 =	vmul.f32 v30, v15;
	v20 =	vmul.f32 v18, v52;
	[sflag:s29] =	ssyncset.done $0x0  }
0x83: {  	s19 =	sand.u32 $0x1C00, s23;
	s20 =	sor.u32 $0x380, s24;
	v10 =	vsub.f32 v17, v10;
	v8 =	vmul.f32 v16, v8;
	v58 =	vmul.f32 v25, v13;
	[sflag:s29] =	ssyncadd.s32 $0xFFFFE000  }
0x84: {  	s19 =	sor.u32 s21, s19;
	v15 =	vmul.f32 v15, v30;
	v17 =	vmul.f32 v20, v18;
	v18 =	vld [tilespmem:s20+$0x2000]  }
0x85: {  	v26 =	vsub.f32 v26, v51;
	v12 =	vmul.f32 v10, v12;
	v8 =	vmul.f32 v8, v16;
	v13 =	vld [tilespmem:s19+$0xA180]  }
0x86: {  	v14 =	vmul.f32 v14, v23;
	v23 =	vsub.f32 v28, v54;
	v30 =	vcvt.s32.f32 v44;
	v16 =	vld [tilespmem:s19+$0xA300]  }
0x87: {  	v1 =	vadd.f32 v15, v1;
	v3 =	vadd.f32 v8, v3;
	v8 =	vmul.f32 v12, v10;
	v10 =	vld [tilespmem:s19+$0xA200]  }
0x88: {  	v22 =	vmul.f32 v22, v27;
	v15 =	vmul.f32 v26, v29;
	v20 =	vsub.f32 v31, v30;
	v12 =	vld [tilespmem:s19+$0xA280]  }
0x89: {  	v11 =	vmul.f32 v23, v11;
	[tilespmem:$0x1FF80] =	vst v1;
	v1 =	vmul.f32 v24, v21;
	v21 =	vld [tilespmem:s20+$0xA000]  }
0x8a: {  	v4 =	vadd.f32 v17, v4;
	v15 =	vmul.f32 v15, v26;
	v24 =	vld [tilespmem:s19+$0xA000];
	v57 =	vmul.f32 v20, v56  }
0x8b: {  	v2 =	vadd.f32 v22, v2;
	v26 =	vld [tilespmem:s19+$0xA080];
	[tilespmem:$0x1FFB0] =	vst v3;
	v3 =	vmul.f32 v11, v23  }
0x8c: {  	[tilespmem:$0x1FFA0] =	vst v4;
	v4 =	vmul.f32 v58, v25;
	v25 =	vld [tilespmem:s19+$0x2100];
	v6 =	vadd.f32 v15, v6;
	v11 =	vmul.f32 v57, v20  }
0x8d: {  	s21 =	simm.s32 $0x10;
	s22 =	simm.s32 $0x80;
	v15 =	vld [tilespmem:s19+$0xA100];
	v2 =	vadd.f32 v3, v2;
	v3 =	vcvt.s32.f32 v13;
	v13 =	vperm.xlane v0, v13  }
0x8e: {  	s23 =	sor.u32 s22, s21;
	v23 =	vld [tilespmem:s19+$0x2080];
	v1 =	vadd.f32 v1, v9;
	v28 =	vcvt.s32.f32 v16;
	v16 =	vperm.xlane v0, v16  }
0x8f: {  	v7 =	vadd.f32 v14, v7;
	s20 =	sand.u32 $0x70, s21;
	s21 =	sand.u32 $0x1C00, s22;
	s22 =	sor.u32 $0x380, s23;
	v59 =	vcvt.s32.f32 v21;
	v20 =	vperm.xlane v0, v21;
	v21 =	vld [tilespmem:s19+$0x2000]  }
0x90: {  	v29 =	vld [tilespmem:s22+$0xA000];
	v1 =	vadd.f32 v8, v1;
	v9 =	vperm.xlane v0, v24;
	v17 =	vcvt.s32.f32 v24  }
0x91: {  	v8 =	vld [tilespmem:s19+$0x2200];
	v14 =	vperm.xlane v0, v26;
	v22 =	vcvt.s32.f32 v26;
	v18 =	vsub.f32 v18, v59  }
0x92: {  	v24 =	vadd.f32 v19, v5;
	[tilespmem:$0x1FFC0] =	vst v2;
	v19 =	vcvt.s32.f32 v15;
	v2 =	vperm.xlane v0, v15;
	v15 =	vld [tilespmem:s19+$0x2180]  }
0x93: {  	v60 =	vadd.f32 v11, v7;
	v26 =	vld [tilespmem:s19+$0x2280];
	[tilespmem:$0x1FFD0] =	vst v1;
	v1 =	vcvt.s32.f32 v10;
	v20 =	vmul.f32 v18, v20  }
0x94: {  	v10 =	vperm.xlane v0, v10;
	v17 =	vsub.f32 v21, v17;
	v21 =	vsub.f32 v23, v22;
	v23 =	vld [tilespmem:s19+$0x2300];
	s19 =	sor.u32 s20, s21  }
0x95: {  	v22 =	vsub.f32 v25, v19;
	v27 =	vmul.f32 v20, v18;
	v20 =	vcvt.s32.f32 v12;
	v25 =	vld [tilespmem:s19+$0xA000]  }
0x96: {  	v18 =	vsub.f32 v8, v1;
	v1 =	vld [tilespmem:s19+$0xA080];
	v9 =	vmul.f32 v17, v9;
	v14 =	vmul.f32 v21, v14  }
0x97: {  	v12 =	vperm.xlane v0, v12;
	v11 =	vld [tilespmem:s19+$0xA100];
	v15 =	vsub.f32 v15, v3;
	v2 =	vmul.f32 v22, v2  }
0x98: {  	v62 =	vld [tilespmem:s19+$0xA200];
	v9 =	vmul.f32 v9, v17;
	v17 =	vmul.f32 v14, v21  }
0x99: {  	v3 =	vld [tilespmem:s22+$0x2000];
	v19 =	vsub.f32 v26, v20;
	v21 =	vmul.f32 v15, v13;
	v2 =	vmul.f32 v2, v22  }
0x9a: {  	v63 =	vld [tilespmem:s19+$0xA280];
	v22 =	vmul.f32 v18, v10;
	v10 =	vcvt.s32.f32 v29  }
0x9b: {  	v20 =	vsub.f32 v23, v28;
	v23 =	vmul.f32 v19, v12;
	v12 =	vperm.xlane v0, v29  }
0x9c: {  	v4 =	vadd.f32 v4, v24;
	v24 =	vperm.xlane v0, v25;
	v61 =	vcvt.s32.f32 v25  }
0x9d: {  	v13 =	vld [tilespmem:s19+$0xA180];
	v26 =	vperm.xlane v0, v1;
	v36 =	vcvt.s32.f32 v1  }
0x9e: {  	v34 =	vcvt.s32.f32 v11;
	v28 =	vperm.xlane v0, v11;
	v3 =	vsub.f32 v3, v10  }
0x9f: {  	v1 =	vld [tilespmem:s19+$0xA300];
	v29 =	vcvt.s32.f32 v62;
	v31 =	vcvt.s32.f32 v63;
	v10 =	vimm.f32 $0.0e+00  }
0xa0: {  	v25 =	vmul.f32 v20, v16;
	v16 =	vadd.f32 v27, v10;
	v27 =	vld [tilespmem:s19+$0x2000];
	v30 =	vmul.f32 v3, v12  }
0xa1: {  	v41 =	vld [tilespmem:s19+$0x2080];
	v32 =	vperm.xlane v0, v62;
	v37 =	vperm.xlane v0, v63;
	v14 =	vadd.f32 v9, v10  }
0xa2: {  	v40 =	vld [tilespmem:s19+$0x2100];
	v11 =	vadd.f32 v2, v10;
	v35 =	vcvt.s32.f32 v13;
	v3 =	vmul.f32 v30, v3  }
0xa3: {  	[tilespmem:$0x1FF90] =	vst v6;
	v38 =	vld [tilespmem:s19+$0x2180];
	v12 =	vadd.f32 v17, v10;
	v17 =	vimm.f32 $0.0e+00;
	v30 =	vperm.xlane v0, v13  }
0xa4: {  	s24 =	simm.s32 $0x20;
	[tilespmem:$0x1FFE0] =	vst v60;
	s20 =	simm.s32 $0x100;
	s21 =	simm.s32 $0x30;
	v39 =	vld [tilespmem:s19+$0x2200];
	v33 =	vcvt.s32.f32 v1;
	v13 =	vimm.f32 $0.0e+00;
	v9 =	vadd.f32 v3, v16  }
0xa5: {  	[tilespmem:$0x1FFF0] =	vst v4;
	s23 =	sand.u32 $0x1C00, s20;
	s22 =	sand.u32 $0x70, s24;
	s24 =	sor.u32 s20, s24;
	v2 =	vsub.f32 v27, v61;
	v27 =	vperm.xlane v0, v1;
	v1 =	vld [tilespmem:s19+$0x2280];
	v16 =	vimm.f32 $0.0e+00  }
.LBB2_4:
0xa6: {  	p1 =	sne.s32 s21, $0x3F0;
	s24 =	sor.u32 $0x380, s24;
	v3 =	vsub.f32 v41, v36;
	v4 =	vld [tilespmem:s19+$0x2300];
	s19 =	sor.u32 s22, s23;
	v41 =	vmul.f32 v21, v15;
	v42 =	vmul.f32 v22, v18  }
0xa7: {  	v43 =	vmul.f32 v23, v19;
	v36 =	vld [tilespmem:s24+$0xA000];
	v18 =	vmul.f32 v2, v24;
	v22 =	vsub.f32 v40, v34  }
0xa8: {  	v44 =	vmul.f32 v25, v20;
	v34 =	vld [tilespmem:s19+$0xA000];
	v19 =	vmul.f32 v3, v26;
	v15 =	vsub.f32 v38, v35  }
0xa9: {  	v25 =	vld [tilespmem:s24+$0x2000];
	v2 =	vmul.f32 v18, v2;
	v20 =	vmul.f32 v22, v28;
	v18 =	vsub.f32 v39, v29  }
0xaa: {  	v28 =	vld [tilespmem:s19+$0xA080];
	v3 =	vmul.f32 v19, v3;
	v21 =	vmul.f32 v15, v30;
	v19 =	vsub.f32 v1, v31  }
0xab: {  	v1 =	vld [tilespmem:s19+$0xA100];
	v29 =	vmul.f32 v20, v22;
	v22 =	vmul.f32 v18, v32;
	v20 =	vsub.f32 v4, v33  }
0xac: {  	v14 =	vadd.f32 v2, v14;
	v4 =	vld [tilespmem:s19+$0xA180];
	v26 =	vcvt.s32.f32 v36;
	v23 =	vmul.f32 v19, v37  }
0xad: {  	v12 =	vadd.f32 v3, v12;
	v24 =	vperm.xlane v0, v34;
	v2 =	vcvt.s32.f32 v34;
	v32 =	vld [tilespmem:s19+$0xA200]  }
0xae: {  	v30 =	vperm.xlane v0, v36;
	v3 =	vld [tilespmem:s19+$0xA280];
	v31 =	vsub.f32 v25, v26;
	v25 =	vmul.f32 v20, v27  }
0xaf: {  	v11 =	vadd.f32 v29, v11;
	v26 =	vperm.xlane v0, v28;
	v36 =	vcvt.s32.f32 v28;
	v27 =	vld [tilespmem:s19+$0xA300]  }
0xb0: {  	v10 =	vadd.f32 v41, v10;
	v37 =	vld [tilespmem:s19+$0x2000];
	v34 =	vcvt.s32.f32 v1;
	v30 =	vmul.f32 v31, v30  }
.Ltmp1:
0xb1: {  	v17 =	vadd.f32 v42, v17;
	v28 =	vperm.xlane v0, v1;
	v41 =	vld [tilespmem:s19+$0x2080];
	v35 =	vcvt.s32.f32 v4;
	(pc) =	sbr.rel @p1 .LBB2_4-.Ltmp1, $4  }
0xb2: {  	v16 =	vadd.f32 v43, v16;
	v40 =	vld [tilespmem:s19+$0x2100];
	v29 =	vcvt.s32.f32 v32;
	v1 =	vmul.f32 v30, v31  }
0xb3: {  	v13 =	vadd.f32 v44, v13;
	v30 =	vperm.xlane v0, v4;
	v38 =	vld [tilespmem:s19+$0x2180];
	v31 =	vcvt.s32.f32 v3  }
0xb4: {  	s22 =	sand.u32 $0x70, s21;
	s20 =	sadd.s32 $0x80, s20;
	v32 =	vperm.xlane v0, v32;
	v39 =	vld [tilespmem:s19+$0x2200];
	v33 =	vcvt.s32.f32 v27;
	v9 =	vadd.f32 v1, v9  }
0xb5: {  	s23 =	sand.u32 $0x1C00, s20;
	s24 =	sor.u32 s20, s21;
	s21 =	sadd.s32 $0x10, s21;
	v27 =	vperm.xlane v0, v27;
	v2 =	vsub.f32 v37, v2;
	v1 =	vld [tilespmem:s19+$0x2280];
	v37 =	vperm.xlane v0, v3  }
0xb6: {  	s20 =	sor.u32 $0x380, s24;
	v3 =	vld [tilespmem:s19+$0x2300]  }
0xb7: {  	s22 =	sor.u32 s22, s23;
	v4 =	vld [tilespmem:s20+$0xA000]  }
0xb8: {  	v42 =	vld [tilespmem:s22+$0xA000]  }
0xb9: {  	v36 =	vsub.f32 v41, v36;
	v15 =	vmul.f32 v21, v15;
	v43 =	vld [tilespmem:s20+$0x2000]  }
0xba: {  	v18 =	vmul.f32 v22, v18;
	v44 =	vld [tilespmem:s22+$0xA080];
	v22 =	vmul.f32 v2, v24;
	v24 =	vsub.f32 v40, v34  }
0xbb: {  	v19 =	vmul.f32 v23, v19;
	v45 =	vld [tilespmem:s22+$0xA100];
	v23 =	vmul.f32 v36, v26  }
0xbc: {  	v20 =	vmul.f32 v25, v20;
	v21 =	vld [tilespmem:s22+$0xA180];
	v35 =	vsub.f32 v38, v35;
	v25 =	vmul.f32 v24, v28  }
0xbd: {  	v53 =	vld [tilespmem:s22+$0xA200];
	v2 =	vmul.f32 v22, v2;
	v22 =	vsub.f32 v39, v29;
	v23 =	vmul.f32 v23, v36  }
0xbe: {  	v55 =	vld [tilespmem:s22+$0x2100];
	v30 =	vmul.f32 v35, v30;
	v1 =	vsub.f32 v1, v31;
	v24 =	vmul.f32 v25, v24  }
0xbf: {  	v57 =	vld [tilespmem:s22+$0x2180];
	v15 =	vadd.f32 v15, v10;
	v31 =	vmul.f32 v22, v32;
	v54 =	vcvt.s32.f32 v4  }
0xc0: {  	v60 =	vld [tilespmem:s22+$0x2280];
	v2 =	vadd.f32 v2, v14;
	v14 =	vmul.f32 v1, v37;
	v56 =	vperm.xlane v0, v42  }
0xc1: {  	v62 =	vld [tilespmem:s22+$0x2300];
	v17 =	vadd.f32 v18, v17;
	v58 =	vcvt.s32.f32 v42;
	v4 =	vperm.xlane v0, v4  }
0xc2: {  	v26 =	vld [tilespmem:s22+$0xA280];
	v16 =	vadd.f32 v19, v16;
	v59 =	vperm.xlane v0, v44;
	v61 =	vcvt.s32.f32 v44  }
0xc3: {  	v13 =	vadd.f32 v20, v13;
	v28 =	vld [tilespmem:s22+$0xA300];
	v10 =	vperm.xlane v0, v45;
	v63 =	vcvt.s32.f32 v21  }
0xc4: {  	v29 =	vld [tilespmem:s22+$0x2000];
	v3 =	vsub.f32 v3, v33;
	v18 =	vcvt.s32.f32 v53;
	v19 =	vperm.xlane v0, v21  }
0xc5: {  	v25 =	vld [tilespmem:s22+$0x2080];
	v12 =	vadd.f32 v23, v12;
	v20 =	vperm.xlane v0, v53;
	v30 =	vmul.f32 v30, v35  }
0xc6: {  	v23 =	vld [tilespmem:s22+$0x2200];
	_ =	swait.ge [sflag:s30], $0x2000;
	v27 =	vmul.f32 v3, v27;
	v24 =	vadd.f32 v24, v11;
	v11 =	vcvt.s32.f32 v45  }
0xc7: {  	[sflag:s30] =	ssyncset.done $0x0;
	v21 =	vcvt.s32.f32 v26;
	v26 =	vperm.xlane v0, v26  }
0xc8: {  	v45 =	vmul.f32 v31, v22;
	v32 =	vsub.f32 v43, v54;
	[sflag:s30] =	ssyncadd.s32 $0xFFFFE000;
	v44 =	vcvt.s32.f32 v28  }
0xc9: {  	s23 =	simm.s32 $0x0;
	v29 =	vsub.f32 v29, v58;
	v28 =	vperm.xlane v0, v28;
	v1 =	vmul.f32 v14, v1;
	_ =	swait.ge [sflag:s31], $0x2000  }
0xca: {  	s24 =	sor.u32 s23, s23;
	s21 =	sand.u32 $0x70, s23;
	v46 =	vsub.f32 v57, v63;
	v11 =	vsub.f32 v55, v11;
	v3 =	vmul.f32 v27, v3;
	[sflag:s31] =	ssyncset.done $0x0  }
0xcb: {  	s19 =	sand.u32 $0x1C00, s23;
	s20 =	sor.u32 $0x380, s24;
	v4 =	vmul.f32 v32, v4;
	v25 =	vsub.f32 v25, v61;
	v22 =	vmul.f32 v29, v56;
	[sflag:s31] =	ssyncadd.s32 $0xFFFFE000  }
0xcc: {  	s19 =	sor.u32 s21, s19;
	v15 =	vadd.f32 v30, v15;
	v19 =	vmul.f32 v46, v19;
	v10 =	vmul.f32 v11, v10;
	v31 =	vld [tilespmem:s20+$0xC000]  }
0xcd: {  	v18 =	vsub.f32 v23, v18;
	v4 =	vmul.f32 v4, v32;
	v14 =	vmul.f32 v25, v59;
	v27 =	vld [tilespmem:s19+$0xC000]  }
0xce: {  	v21 =	vsub.f32 v60, v21;
	v22 =	vmul.f32 v22, v29;
	v29 =	vld [tilespmem:s19+$0xC080];
	v19 =	vmul.f32 v19, v46  }
0xcf: {  	v1 =	vadd.f32 v1, v16;
	v23 =	vld [tilespmem:s20+$0x4000];
	v20 =	vmul.f32 v18, v20;
	v14 =	vmul.f32 v14, v25  }
0xd0: {  	v30 =	vld [tilespmem:s19+$0x4080];
	v25 =	vsub.f32 v62, v44;
	v2 =	vadd.f32 v22, v2;
	v22 =	vmul.f32 v21, v26  }
0xd1: {  	v47 =	vmul.f32 v10, v11;
	v4 =	vadd.f32 v4, v9;
	v26 =	vld [tilespmem:s19+$0xC180];
	v18 =	vmul.f32 v20, v18  }
0xd2: {  	v20 =	vld [tilespmem:s19+$0xC200];
	v11 =	vadd.f32 v14, v12;
	v14 =	vmul.f32 v25, v28;
	v21 =	vmul.f32 v22, v21  }
0xd3: {  	[tilespmem:$0x1FF70] =	vst v2;
	v2 =	vld [tilespmem:s19+$0xC100];
	v12 =	vadd.f32 v47, v24;
	v22 =	vcvt.s32.f32 v31;
	v16 =	vperm.xlane v0, v29  }
0xd4: {  	[tilespmem:$0x1FF60] =	vst v4;
	v24 =	vld [tilespmem:s19+$0xC280];
	v4 =	vadd.f32 v45, v17;
	v29 =	vcvt.s32.f32 v29;
	v17 =	vmul.f32 v14, v25  }
0xd5: {  	v28 =	vld [tilespmem:s19+$0xC300];
	v25 =	vperm.xlane v0, v27;
	v27 =	vcvt.s32.f32 v27  }
0xd6: {  	s21 =	simm.s32 $0x10;
	s22 =	simm.s32 $0x80;
	v49 =	vld [tilespmem:s19+$0x4100];
	v14 =	vperm.xlane v0, v31;
	v22 =	vsub.f32 v23, v22;
	v51 =	vperm.xlane v0, v26  }
0xd7: {  	s23 =	sor.u32 s22, s21;
	v23 =	vld [tilespmem:s19+$0x4000];
	v50 =	vcvt.s32.f32 v20;
	v20 =	vperm.xlane v0, v20  }
0xd8: {  	s20 =	sand.u32 $0x70, s21;
	s21 =	sand.u32 $0x1C00, s22;
	s22 =	sor.u32 $0x380, s23;
	v54 =	vld [tilespmem:s19+$0x4300];
	v29 =	vsub.f32 v30, v29;
	v31 =	vcvt.s32.f32 v2;
	v48 =	vmul.f32 v22, v14  }
0xd9: {  	v55 =	vld [tilespmem:s22+$0xC000];
	v14 =	vadd.f32 v19, v15;
	v2 =	vperm.xlane v0, v2;
	v15 =	vcvt.s32.f32 v26  }
0xda: {  	v3 =	vadd.f32 v3, v13;
	v19 =	vld [tilespmem:s19+$0x4180];
	v52 =	vcvt.s32.f32 v24;
	v53 =	vcvt.s32.f32 v28  }
0xdb: {  	v13 =	vadd.f32 v18, v4;
	v18 =	vld [tilespmem:s19+$0x4200];
	v24 =	vperm.xlane v0, v24;
	v16 =	vmul.f32 v29, v16  }
0xdc: {  	v56 =	vperm.xlane v0, v28;
	v30 =	vsub.f32 v49, v31;
	v26 =	vsub.f32 v23, v27;
	v27 =	vld [tilespmem:s19+$0x4280];
	s19 =	sor.u32 s20, s21  }
0xdd: {  	v22 =	vmul.f32 v48, v22;
	v59 =	vmul.f32 v16, v29;
	v28 =	vsub.f32 v54, v53;
	v57 =	vld [tilespmem:s19+$0xC000]  }
0xde: {  	v2 =	vmul.f32 v30, v2;
	v58 =	vld [tilespmem:s19+$0xC080];
	v25 =	vmul.f32 v26, v25  }
0xdf: {  	v16 =	vadd.f32 v17, v3;
	v17 =	vld [tilespmem:s19+$0xC200];
	v33 =	vmul.f32 v28, v56;
	v23 =	vsub.f32 v19, v15  }
0xe0: {  	v60 =	vld [tilespmem:s19+$0xC300];
	v2 =	vmul.f32 v2, v30;
	v25 =	vmul.f32 v25, v26;
	v26 =	vsub.f32 v18, v50  }
0xe1: {  	v19 =	vld [tilespmem:s22+$0x4000];
	v29 =	vmul.f32 v23, v51;
	v18 =	vcvt.s32.f32 v55  }
0xe2: {  	v15 =	vadd.f32 v21, v1;
	v1 =	vld [tilespmem:s19+$0xC100];
	v30 =	vmul.f32 v26, v20;
	v32 =	vperm.xlane v0, v57  }
0xe3: {  	v21 =	vld [tilespmem:s19+$0xC180];
	v3 =	vcvt.s32.f32 v57;
	v20 =	vperm.xlane v0, v55  }
0xe4: {  	v34 =	vperm.xlane v0, v58;
	v44 =	vcvt.s32.f32 v58  }
0xe5: {  	v27 =	vsub.f32 v27, v52;
	v37 =	vcvt.s32.f32 v17;
	v40 =	vperm.xlane v0, v17  }
0xe6: {  	v62 =	vld [tilespmem:s19+$0x4000];
	v41 =	vcvt.s32.f32 v60;
	v35 =	vperm.xlane v0, v60  }
0xe7: {  	v31 =	vmul.f32 v27, v24;
	v24 =	vld [tilespmem:s19+$0xC280];
	v19 =	vsub.f32 v19, v18;
	v42 =	vcvt.s32.f32 v1  }
0xe8: {  	v36 =	vperm.xlane v0, v1;
	v43 =	vcvt.s32.f32 v21  }
0xe9: {  	v49 =	vld [tilespmem:s19+$0x4080];
	v18 =	vimm.f32 $0.0e+00;
	v38 =	vperm.xlane v0, v21;
	v63 =	vmul.f32 v19, v20  }
0xea: {  	v48 =	vld [tilespmem:s19+$0x4100];
	v21 =	vimm.f32 $0.0e+00;
	v61 =	vadd.f32 v22, v18;
	v22 =	vadd.f32 v25, v18  }
0xeb: {  	v46 =	vld [tilespmem:s19+$0x4180];
	v25 =	vimm.f32 $0.0e+00;
	v20 =	vadd.f32 v59, v18;
	v1 =	vmul.f32 v63, v19  }
0xec: {  	s24 =	simm.s32 $0x20;
	s20 =	simm.s32 $0x100;
	s21 =	simm.s32 $0x30;
	v47 =	vld [tilespmem:s19+$0x4200];
	v19 =	vadd.f32 v2, v18;
	v2 =	vsub.f32 v62, v3;
	v39 =	vcvt.s32.f32 v24  }
0xed: {  	s23 =	sand.u32 $0x1C00, s20;
	s22 =	sand.u32 $0x70, s24;
	s24 =	sor.u32 s20, s24;
	v45 =	vperm.xlane v0, v24;
	v24 =	vimm.f32 $0.0e+00;
	v17 =	vadd.f32 v1, v61;
	v1 =	vld [tilespmem:s19+$0x4280]  }
.LBB2_6:
0xee: {  	p1 =	sne.s32 s21, $0x3F0;
	s24 =	sor.u32 $0x380, s24;
	v3 =	vsub.f32 v49, v44;
	v4 =	vld [tilespmem:s19+$0x4300];
	s19 =	sor.u32 s22, s23;
	v49 =	vmul.f32 v29, v23;
	v50 =	vmul.f32 v30, v26  }
0xef: {  	v51 =	vmul.f32 v31, v27;
	v44 =	vld [tilespmem:s24+$0xC000];
	v26 =	vmul.f32 v2, v32;
	v30 =	vsub.f32 v48, v42  }
0xf0: {  	v52 =	vmul.f32 v33, v28;
	v42 =	vld [tilespmem:s19+$0xC000];
	v27 =	vmul.f32 v3, v34;
	v23 =	vsub.f32 v46, v43  }
0xf1: {  	v33 =	vld [tilespmem:s24+$0x4000];
	v2 =	vmul.f32 v26, v2;
	v28 =	vmul.f32 v30, v36;
	v26 =	vsub.f32 v47, v37  }
0xf2: {  	v36 =	vld [tilespmem:s19+$0xC080];
	v3 =	vmul.f32 v27, v3;
	v29 =	vmul.f32 v23, v38;
	v27 =	vsub.f32 v1, v39  }
0xf3: {  	v1 =	vld [tilespmem:s19+$0xC100];
	v37 =	vmul.f32 v28, v30;
	v30 =	vmul.f32 v26, v40;
	v28 =	vsub.f32 v4, v41  }
0xf4: {  	v22 =	vadd.f32 v2, v22;
	v4 =	vld [tilespmem:s19+$0xC180];
	v34 =	vcvt.s32.f32 v44;
	v31 =	vmul.f32 v27, v45  }
0xf5: {  	v20 =	vadd.f32 v3, v20;
	v32 =	vperm.xlane v0, v42;
	v2 =	vcvt.s32.f32 v42;
	v40 =	vld [tilespmem:s19+$0xC200]  }
0xf6: {  	v38 =	vperm.xlane v0, v44;
	v3 =	vld [tilespmem:s19+$0xC280];
	v39 =	vsub.f32 v33, v34;
	v33 =	vmul.f32 v28, v35  }
0xf7: {  	v19 =	vadd.f32 v37, v19;
	v34 =	vperm.xlane v0, v36;
	v44 =	vcvt.s32.f32 v36;
	v35 =	vld [tilespmem:s19+$0xC300]  }
0xf8: {  	v18 =	vadd.f32 v49, v18;
	v45 =	vld [tilespmem:s19+$0x4000];
	v42 =	vcvt.s32.f32 v1;
	v38 =	vmul.f32 v39, v38  }
.Ltmp2:
0xf9: {  	v25 =	vadd.f32 v50, v25;
	v36 =	vperm.xlane v0, v1;
	v49 =	vld [tilespmem:s19+$0x4080];
	v43 =	vcvt.s32.f32 v4;
	(pc) =	sbr.rel @p1 .LBB2_6-.Ltmp2, $4  }
0xfa: {  	v24 =	vadd.f32 v51, v24;
	v48 =	vld [tilespmem:s19+$0x4100];
	v37 =	vcvt.s32.f32 v40;
	v1 =	vmul.f32 v38, v39  }
0xfb: {  	v21 =	vadd.f32 v52, v21;
	v38 =	vperm.xlane v0, v4;
	v46 =	vld [tilespmem:s19+$0x4180];
	v39 =	vcvt.s32.f32 v3  }
0xfc: {  	s22 =	sand.u32 $0x70, s21;
	s20 =	sadd.s32 $0x80, s20;
	v40 =	vperm.xlane v0, v40;
	v47 =	vld [tilespmem:s19+$0x4200];
	v41 =	vcvt.s32.f32 v35;
	v17 =	vadd.f32 v1, v17  }
0xfd: {  	s23 =	sand.u32 $0x1C00, s20;
	s24 =	sor.u32 s20, s21;
	s21 =	sadd.s32 $0x10, s21;
	v35 =	vperm.xlane v0, v35;
	v2 =	vsub.f32 v45, v2;
	v1 =	vld [tilespmem:s19+$0x4280];
	v45 =	vperm.xlane v0, v3  }
0xfe: {  	s20 =	sor.u32 $0x380, s24;
	v3 =	vld [tilespmem:s19+$0x4300]  }
0xff: {  	s22 =	sor.u32 s22, s23;
	v4 =	vld [tilespmem:s20+$0xC000]  }
0x100: {  	v50 =	vld [tilespmem:s22+$0xC000]  }
0x101: {  	v51 =	vld [tilespmem:s20+$0x4000]  }
0x102: {  	v52 =	vld [tilespmem:s22+$0xC080]  }
0x103: {  	v44 =	vsub.f32 v49, v44;
	v23 =	vmul.f32 v29, v23;
	v53 =	vld [tilespmem:s22+$0xC100]  }
0x104: {  	v26 =	vmul.f32 v30, v26;
	v27 =	vmul.f32 v31, v27;
	v29 =	vld [tilespmem:s22+$0xC180];
	v62 =	vsub.f32 v48, v42  }
0x105: {  	v30 =	vmul.f32 v2, v32;
	v63 =	vld [tilespmem:s22+$0xC200];
	v31 =	vmul.f32 v44, v34  }
0x106: {  	v28 =	vmul.f32 v33, v28;
	v33 =	vld [tilespmem:s22+$0x4080];
	v43 =	vsub.f32 v46, v43;
	v48 =	vmul.f32 v62, v36  }
0x107: {  	v54 =	vld [tilespmem:s22+$0x4100];
	v2 =	vmul.f32 v30, v2;
	v30 =	vsub.f32 v47, v37;
	v31 =	vmul.f32 v31, v44  }
0x108: {  	v56 =	vld [tilespmem:s22+$0x4180];
	v38 =	vmul.f32 v43, v38;
	v1 =	vsub.f32 v1, v39;
	v32 =	vmul.f32 v48, v62  }
0x109: {  	v59 =	vld [tilespmem:s22+$0x4280];
	v23 =	vadd.f32 v23, v18;
	v39 =	vmul.f32 v30, v40;
	v49 =	vcvt.s32.f32 v4  }
0x10a: {  	v61 =	vld [tilespmem:s22+$0x4300];
	v2 =	vadd.f32 v2, v22;
	v22 =	vmul.f32 v1, v45;
	v55 =	vperm.xlane v0, v50  }
0x10b: {  	v34 =	vld [tilespmem:s22+$0xC280];
	v25 =	vadd.f32 v26, v25;
	v57 =	vcvt.s32.f32 v50;
	v4 =	vperm.xlane v0, v4  }
0x10c: {  	v24 =	vadd.f32 v27, v24;
	v36 =	vld [tilespmem:s22+$0xC300];
	v58 =	vperm.xlane v0, v52;
	v60 =	vcvt.s32.f32 v52  }
0x10d: {  	v37 =	vld [tilespmem:s22+$0x4000];
	v3 =	vsub.f32 v3, v41;
	v18 =	vperm.xlane v0, v53;
	v62 =	vcvt.s32.f32 v29  }
0x10e: {  	v20 =	vadd.f32 v31, v20;
	v31 =	vld [tilespmem:s22+$0x4200];
	_ =	swait.ge [sflag:s1], $0x2000;
	v26 =	vcvt.s32.f32 v63;
	v27 =	vperm.xlane v0, v29  }
0x10f: {  	v21 =	vadd.f32 v28, v21;
	v28 =	vperm.xlane v0, v63;
	v38 =	vmul.f32 v38, v43;
	[sflag:s1] =	ssyncset.done $0x0  }
0x110: {  	v35 =	vmul.f32 v3, v35;
	v32 =	vadd.f32 v32, v19;
	v19 =	vcvt.s32.f32 v53;
	[sflag:s1] =	ssyncadd.s32 $0xFFFFE000  }
0x111: {  	s23 =	simm.s32 $0x0;
	v29 =	vcvt.s32.f32 v34;
	v34 =	vperm.xlane v0, v34;
	_ =	swait.ge [sflag:s0], $0x2000  }
0x112: {  	s24 =	sor.u32 s23, s23;
	s21 =	sand.u32 $0x70, s23;
	v46 =	vmul.f32 v39, v30;
	v40 =	vsub.f32 v51, v49;
	v63 =	vcvt.s32.f32 v36;
	[sflag:s0] =	ssyncset.done $0x0  }
0x113: {  	s19 =	sand.u32 $0x1C00, s23;
	s20 =	sor.u32 $0x380, s24;
	v37 =	vsub.f32 v37, v57;
	v36 =	vperm.xlane v0, v36;
	v33 =	vsub.f32 v33, v60;
	[sflag:s0] =	ssyncadd.s32 $0xFFFFE000  }
0x114: {  	s19 =	sor.u32 s21, s19;
	v1 =	vmul.f32 v22, v1;
	v49 =	vsub.f32 v56, v62;
	v3 =	vmul.f32 v35, v3;
	v47 =	vld [tilespmem:s20+$0xE000]  }
0x115: {  	v19 =	vsub.f32 v54, v19;
	v4 =	vmul.f32 v40, v4;
	v30 =	vmul.f32 v37, v55;
	v51 =	vld [tilespmem:s19+$0xE000]  }
0x116: {  	v22 =	vmul.f32 v33, v58;
	v27 =	vmul.f32 v49, v27;
	v26 =	vsub.f32 v31, v26;
	v31 =	vld [tilespmem:s20+$0x6000]  }
0x117: {  	v29 =	vsub.f32 v59, v29;
	v18 =	vmul.f32 v19, v18;
	v30 =	vmul.f32 v30, v37;
	v53 =	vld [tilespmem:s19+$0xE080]  }
0x118: {  	v52 =	vsub.f32 v61, v63;
	v4 =	vmul.f32 v4, v40;
	v22 =	vmul.f32 v22, v33;
	v55 =	vld [tilespmem:s19+$0xE180]  }
0x119: {  	v56 =	vld [tilespmem:s19+$0xE280];
	v54 =	vmul.f32 v18, v19;
	v28 =	vmul.f32 v26, v28;
	v18 =	vadd.f32 v30, v2  }
0x11a: {  	v58 =	vld [tilespmem:s19+$0xE300];
	v30 =	vmul.f32 v29, v34;
	v19 =	vadd.f32 v22, v20;
	v22 =	vmul.f32 v52, v36  }
0x11b: {  	v27 =	vmul.f32 v27, v49;
	v59 =	vld [tilespmem:s19+$0x6080];
	v17 =	vadd.f32 v4, v17;
	v26 =	vmul.f32 v28, v26  }
0x11c: {  	s21 =	simm.s32 $0x10;
	s22 =	simm.s32 $0x80;
	v62 =	vld [tilespmem:s19+$0x6100];
	v4 =	vadd.f32 v46, v25;
	v29 =	vmul.f32 v30, v29;
	v25 =	vmul.f32 v22, v52  }
0x11d: {  	s23 =	sor.u32 s22, s21;
	v1 =	vadd.f32 v1, v24;
	v2 =	vld [tilespmem:s19+$0xE100];
	v30 =	vcvt.s32.f32 v47;
	v57 =	vperm.xlane v0, v51  }
0x11e: {  	v3 =	vadd.f32 v3, v21;
	s20 =	sand.u32 $0x70, s21;
	s21 =	sand.u32 $0x1C00, s22;
	s22 =	sor.u32 $0x380, s23;
	v28 =	vld [tilespmem:s19+$0xE200];
	v35 =	vcvt.s32.f32 v51;
	v22 =	vperm.xlane v0, v47  }
0x11f: {  	v20 =	vadd.f32 v54, v32;
	v54 =	vld [tilespmem:s22+$0xE000];
	v24 =	vperm.xlane v0, v53;
	v37 =	vcvt.s32.f32 v53  }
0x120: {  	v21 =	vadd.f32 v26, v4;
	v26 =	vld [tilespmem:s19+$0x6200];
	v48 =	vperm.xlane v0, v55;
	v49 =	vcvt.s32.f32 v56  }
0x121: {  	v23 =	vadd.f32 v38, v23;
	v52 =	vcvt.s32.f32 v58;
	v53 =	vld [tilespmem:s19+$0x6300];
	v32 =	vperm.xlane v0, v56  }
0x122: {  	v56 =	vperm.xlane v0, v58;
	v30 =	vsub.f32 v31, v30;
	v31 =	vld [tilespmem:s19+$0x6000];
	v60 =	vcvt.s32.f32 v2  }
0x123: {  	v2 =	vperm.xlane v0, v2;
	v37 =	vsub.f32 v59, v37;
	v63 =	vcvt.s32.f32 v28  }
0x124: {  	v51 =	vld [tilespmem:s19+$0x6280];
	v28 =	vperm.xlane v0, v28;
	v61 =	vmul.f32 v30, v22;
	v22 =	vadd.f32 v27, v23  }
0x125: {  	v23 =	vcvt.s32.f32 v55;
	v27 =	vld [tilespmem:s19+$0x6180];
	s19 =	sor.u32 s20, s21;
	v55 =	vsub.f32 v62, v60;
	v24 =	vmul.f32 v37, v24  }
0x126: {  	v34 =	vsub.f32 v26, v63;
	v58 =	vld [tilespmem:s19+$0xE080];
	v36 =	vsub.f32 v53, v52;
	v26 =	vcvt.s32.f32 v54  }
0x127: {  	v60 =	vld [tilespmem:s19+$0xE300];
	v30 =	vmul.f32 v61, v30;
	v2 =	vmul.f32 v55, v2;
	v50 =	vsub.f32 v31, v35  }
0x128: {  	v59 =	vmul.f32 v24, v37;
	v24 =	vadd.f32 v25, v3;
	v25 =	vld [tilespmem:s19+$0xE200];
	v38 =	vmul.f32 v34, v28  }
0x129: {  	v35 =	vsub.f32 v51, v49;
	v28 =	vperm.xlane v0, v54;
	v33 =	vmul.f32 v50, v57;
	v57 =	vld [tilespmem:s19+$0xE000]  }
0x12a: {  	v41 =	vmul.f32 v36, v56;
	v2 =	vmul.f32 v2, v55;
	v31 =	vsub.f32 v27, v23;
	v27 =	vld [tilespmem:s22+$0x6000]  }
0x12b: {  	v23 =	vadd.f32 v29, v1;
	v1 =	vld [tilespmem:s19+$0xE100];
	v39 =	vmul.f32 v35, v32;
	v42 =	vperm.xlane v0, v58  }
0x12c: {  	v29 =	vld [tilespmem:s19+$0xE180];
	v52 =	vcvt.s32.f32 v58;
	v49 =	vcvt.s32.f32 v60  }
0x12d: {  	v43 =	vperm.xlane v0, v60;
	v33 =	vmul.f32 v33, v50  }
0x12e: {  	v32 =	vld [tilespmem:s19+$0xE280];
	v37 =	vmul.f32 v31, v48;
	v45 =	vcvt.s32.f32 v25  }
0x12f: {  	v48 =	vperm.xlane v0, v25;
	v40 =	vperm.xlane v0, v57  }
0x130: {  	v3 =	vcvt.s32.f32 v57;
	v27 =	vsub.f32 v27, v26;
	v50 =	vcvt.s32.f32 v1  }
0x131: {  	v62 =	vld [tilespmem:s19+$0x6000];
	v44 =	vperm.xlane v0, v1;
	v51 =	vcvt.s32.f32 v29  }
0x132: {  	v26 =	vimm.f32 $0.0e+00;
	v57 =	vld [tilespmem:s19+$0x6080];
	v46 =	vperm.xlane v0, v29;
	v63 =	vmul.f32 v27, v28  }
0x133: {  	v56 =	vld [tilespmem:s19+$0x6100];
	v47 =	vcvt.s32.f32 v32;
	v53 =	vperm.xlane v0, v32;
	v32 =	vimm.f32 $0.0e+00  }
0x134: {  	v54 =	vld [tilespmem:s19+$0x6180];
	v61 =	vadd.f32 v30, v26;
	v30 =	vadd.f32 v33, v26;
	v1 =	vmul.f32 v63, v27  }
0x135: {  	s24 =	simm.s32 $0x20;
	s20 =	simm.s32 $0x100;
	s21 =	simm.s32 $0x30;
	v55 =	vld [tilespmem:s19+$0x6200];
	v29 =	vimm.f32 $0.0e+00;
	v28 =	vadd.f32 v59, v26;
	v27 =	vadd.f32 v2, v26  }
0x136: {  	s23 =	sand.u32 $0x1C00, s20;
	s22 =	sand.u32 $0x70, s24;
	s24 =	sor.u32 s20, s24;
	v33 =	vimm.f32 $0.0e+00;
	v2 =	vsub.f32 v62, v3;
	v25 =	vadd.f32 v1, v61;
	v1 =	vld [tilespmem:s19+$0x6280]  }
.LBB2_8:
0x137: {  	p1 =	sne.s32 s21, $0x3F0;
	s24 =	sor.u32 $0x380, s24;
	v3 =	vsub.f32 v57, v52;
	v4 =	vld [tilespmem:s19+$0x6300];
	s19 =	sor.u32 s22, s23;
	v57 =	vmul.f32 v37, v31;
	v58 =	vmul.f32 v38, v34  }
0x138: {  	v59 =	vmul.f32 v39, v35;
	v52 =	vld [tilespmem:s24+$0xE000];
	v34 =	vmul.f32 v2, v40;
	v38 =	vsub.f32 v56, v50  }
0x139: {  	v60 =	vmul.f32 v41, v36;
	v50 =	vld [tilespmem:s19+$0xE000];
	v35 =	vmul.f32 v3, v42;
	v31 =	vsub.f32 v54, v51  }
0x13a: {  	v41 =	vld [tilespmem:s24+$0x6000];
	v2 =	vmul.f32 v34, v2;
	v36 =	vmul.f32 v38, v44;
	v34 =	vsub.f32 v55, v45  }
0x13b: {  	v44 =	vld [tilespmem:s19+$0xE080];
	v3 =	vmul.f32 v35, v3;
	v37 =	vmul.f32 v31, v46;
	v35 =	vsub.f32 v1, v47  }
0x13c: {  	v1 =	vld [tilespmem:s19+$0xE100];
	v45 =	vmul.f32 v36, v38;
	v38 =	vmul.f32 v34, v48;
	v36 =	vsub.f32 v4, v49  }
0x13d: {  	v30 =	vadd.f32 v2, v30;
	v4 =	vld [tilespmem:s19+$0xE180];
	v42 =	vcvt.s32.f32 v52;
	v39 =	vmul.f32 v35, v53  }
0x13e: {  	v28 =	vadd.f32 v3, v28;
	v40 =	vperm.xlane v0, v50;
	v2 =	vcvt.s32.f32 v50;
	v48 =	vld [tilespmem:s19+$0xE200]  }
0x13f: {  	v46 =	vperm.xlane v0, v52;
	v3 =	vld [tilespmem:s19+$0xE280];
	v47 =	vsub.f32 v41, v42;
	v41 =	vmul.f32 v36, v43  }
0x140: {  	v27 =	vadd.f32 v45, v27;
	v42 =	vperm.xlane v0, v44;
	v52 =	vcvt.s32.f32 v44;
	v43 =	vld [tilespmem:s19+$0xE300]  }
0x141: {  	v26 =	vadd.f32 v57, v26;
	v53 =	vld [tilespmem:s19+$0x6000];
	v50 =	vcvt.s32.f32 v1;
	v46 =	vmul.f32 v47, v46  }
.Ltmp3:
0x142: {  	v33 =	vadd.f32 v58, v33;
	v44 =	vperm.xlane v0, v1;
	v57 =	vld [tilespmem:s19+$0x6080];
	v51 =	vcvt.s32.f32 v4;
	(pc) =	sbr.rel @p1 .LBB2_8-.Ltmp3, $4  }
0x143: {  	v32 =	vadd.f32 v59, v32;
	v56 =	vld [tilespmem:s19+$0x6100];
	v45 =	vcvt.s32.f32 v48;
	v1 =	vmul.f32 v46, v47  }
0x144: {  	v29 =	vadd.f32 v60, v29;
	v46 =	vperm.xlane v0, v4;
	v54 =	vld [tilespmem:s19+$0x6180];
	v47 =	vcvt.s32.f32 v3  }
0x145: {  	s22 =	sand.u32 $0x70, s21;
	s20 =	sadd.s32 $0x80, s20;
	v48 =	vperm.xlane v0, v48;
	v55 =	vld [tilespmem:s19+$0x6200];
	v49 =	vcvt.s32.f32 v43;
	v25 =	vadd.f32 v1, v25  }
0x146: {  	s23 =	sand.u32 $0x1C00, s20;
	s24 =	sor.u32 s20, s21;
	s21 =	sadd.s32 $0x10, s21;
	v43 =	vperm.xlane v0, v43;
	v2 =	vsub.f32 v53, v2;
	v1 =	vld [tilespmem:s19+$0x6280];
	v53 =	vperm.xlane v0, v3  }
0x147: {  	s20 =	sor.u32 $0x380, s24;
	v3 =	vld [tilespmem:s19+$0x6300]  }
0x148: {  	s22 =	sor.u32 s22, s23;
	v4 =	vld [tilespmem:s20+$0xE000]  }
0x149: {  	v58 =	vld [tilespmem:s22+$0xE000]  }
0x14a: {  	v59 =	vld [tilespmem:s20+$0x6000]  }
0x14b: {  	v60 =	vld [tilespmem:s22+$0xE080]  }
0x14c: {  	v52 =	vsub.f32 v57, v52;
	v31 =	vmul.f32 v37, v31;
	v34 =	vmul.f32 v38, v34;
	v61 =	vld [tilespmem:s22+$0xE100]  }
0x14d: {  	v35 =	vmul.f32 v39, v35;
	v37 =	vld [tilespmem:s22+$0xE180];
	v57 =	vmul.f32 v2, v40;
	v62 =	vsub.f32 v56, v50  }
0x14e: {  	v36 =	vmul.f32 v41, v36;
	v50 =	vld [tilespmem:s22+$0xE200];
	v63 =	vmul.f32 v52, v42;
	v51 =	vsub.f32 v54, v51  }
0x14f: {  	v41 =	vld [tilespmem:s22+$0x6080];
	v56 =	vmul.f32 v62, v44;
	v2 =	vmul.f32 v57, v2;
	v38 =	vsub.f32 v55, v45  }
0x150: {  	v42 =	vld [tilespmem:s22+$0xE280];
	v39 =	vmul.f32 v63, v52;
	v46 =	vmul.f32 v51, v46;
	v1 =	vsub.f32 v1, v47  }
0x151: {  	v31 =	vadd.f32 v31, v26;
	v44 =	vld [tilespmem:s22+$0xE300];
	v40 =	vmul.f32 v56, v62;
	v47 =	vmul.f32 v38, v48  }
0x152: {  	v45 =	vld [tilespmem:s22+$0x6000];
	v2 =	vadd.f32 v2, v30;
	v57 =	vcvt.s32.f32 v4;
	v30 =	vmul.f32 v1, v53  }
0x153: {  	v3 =	vsub.f32 v3, v49;
	v49 =	vld [tilespmem:s22+$0x6100];
	v52 =	vperm.xlane v0, v58;
	v54 =	vcvt.s32.f32 v58  }
0x154: {  	v33 =	vadd.f32 v34, v33;
	v56 =	vld [tilespmem:s22+$0x6280];
	v4 =	vperm.xlane v0, v4;
	v55 =	vperm.xlane v0, v60  }
0x155: {  	v32 =	vadd.f32 v35, v32;
	v53 =	vld [tilespmem:s22+$0x6180];
	v62 =	vcvt.s32.f32 v60;
	v26 =	vperm.xlane v0, v61  }
0x156: {  	v28 =	vadd.f32 v39, v28;
	v39 =	vld [tilespmem:s22+$0x6200];
	v63 =	vcvt.s32.f32 v37;
	v34 =	vcvt.s32.f32 v50  }
0x157: {  	v29 =	vadd.f32 v36, v29;
	v58 =	vld [tilespmem:s22+$0x6300];
	_ =	swait.ge [sflag:s25], $0x2000;
	v35 =	vperm.xlane v0, v37;
	v36 =	vperm.xlane v0, v50  }
0x158: {  	v46 =	vmul.f32 v46, v51;
	v43 =	vmul.f32 v3, v43;
	[sflag:s25] =	ssyncset.done $0x0  }
0x159: {  	v40 =	vadd.f32 v40, v27;
	v27 =	vcvt.s32.f32 v61;
	v37 =	vcvt.s32.f32 v42;
	[sflag:s25] =	ssyncadd.s32 $0xFFFFE000  }
0x15a: {  	s23 =	simm.s32 $0x0;
	v42 =	vperm.xlane v0, v42;
	v48 =	vsub.f32 v59, v57;
	v60 =	vcvt.s32.f32 v44;
	_ =	swait.ge [sflag:s26], $0x2000  }
0x15b: {  	s24 =	sor.u32 s23, s23;
	s21 =	sand.u32 $0x70, s23;
	v45 =	vsub.f32 v45, v54;
	v44 =	vperm.xlane v0, v44;
	v41 =	vsub.f32 v41, v62;
	[sflag:s26] =	ssyncset.done $0x0  }
0x15c: {  	s19 =	sand.u32 $0x1C00, s23;
	s20 =	sor.u32 $0x380, s24;
	v1 =	vmul.f32 v30, v1;
	v4 =	vmul.f32 v48, v4;
	[sflag:s26] =	ssyncadd.s32 $0xFFFFE000  }
0x15d: {  	s19 =	sor.u32 s21, s19;
	v61 =	vmul.f32 v45, v52;
	v27 =	vsub.f32 v49, v27;
	v30 =	vmul.f32 v41, v55;
	v62 =	vld [tilespmem:s20+$0x8000]  }
0x15e: {  	v63 =	vsub.f32 v53, v63;
	v34 =	vsub.f32 v39, v34;
	v4 =	vmul.f32 v4, v48;
	v52 =	vld [tilespmem:s19+$0x8000]  }
0x15f: {  	v37 =	vsub.f32 v56, v37;
	v26 =	vmul.f32 v27, v26;
	v30 =	vmul.f32 v30, v41;
	v53 =	vld [tilespmem:s20+$0x0]  }
0x160: {  	v55 =	vsub.f32 v58, v60;
	v56 =	vld [tilespmem:s19+$0x8080];
	v35 =	vmul.f32 v63, v35;
	v36 =	vmul.f32 v34, v36  }
0x161: {  	v59 =	vld [tilespmem:s19+$0x8180];
	v25 =	vadd.f32 v4, v25;
	v4 =	vmul.f32 v47, v38;
	v38 =	vmul.f32 v61, v45  }
0x162: {  	v57 =	vmul.f32 v26, v27;
	v27 =	vadd.f32 v30, v28;
	v30 =	vmul.f32 v55, v44;
	v44 =	vld [tilespmem:s19+$0x8300]  }
0x163: {  	v31 =	vadd.f32 v46, v31;
	v58 =	vmul.f32 v37, v42;
	v34 =	vmul.f32 v36, v34;
	v36 =	vld [tilespmem:s19+$0x8200]  }
0x164: {  	v3 =	vmul.f32 v43, v3;
	v35 =	vmul.f32 v35, v63;
	v63 =	vld [tilespmem:s19+$0x180];
	v26 =	vadd.f32 v38, v2  }
0x165: {  	v2 =	vld [tilespmem:s19+$0x8100];
	v38 =	vmul.f32 v58, v37;
	v4 =	vadd.f32 v4, v33;
	v33 =	vmul.f32 v30, v55  }
0x166: {  	v28 =	vadd.f32 v57, v40;
	v40 =	vld [tilespmem:s19+$0x8280];
	v54 =	vcvt.s32.f32 v62;
	v41 =	vperm.xlane v0, v52  }
0x167: {  	v1 =	vadd.f32 v1, v32;
	v55 =	vld [tilespmem:s19+$0x0];
	v43 =	vcvt.s32.f32 v52;
	v30 =	vperm.xlane v0, v62  }
0x168: {  	s21 =	simm.s32 $0x10;
	s22 =	simm.s32 $0x80;
	v3 =	vadd.f32 v3, v29;
	v32 =	vperm.xlane v0, v56;
	v45 =	vcvt.s32.f32 v56;
	v56 =	vld [tilespmem:s19+$0x80]  }
0x169: {  	s23 =	sor.u32 s22, s21;
	v57 =	vld [tilespmem:s19+$0x200];
	v42 =	vperm.xlane v0, v59;
	v37 =	vsub.f32 v53, v54;
	v52 =	vcvt.s32.f32 v44  }
0x16a: {  	s20 =	sand.u32 $0x70, s21;
	s21 =	sand.u32 $0x1C00, s22;
	s22 =	sor.u32 $0x380, s23;
	v62 =	vld [tilespmem:s19+$0x100];
	v29 =	vadd.f32 v34, v4;
	v4 =	vcvt.s32.f32 v36;
	v36 =	vperm.xlane v0, v36  }
0x16b: {  	v54 =	vld [tilespmem:s22+$0x8000];
	v60 =	vcvt.s32.f32 v2;
	v61 =	vmul.f32 v37, v30;
	v30 =	vadd.f32 v35, v31  }
0x16c: {  	v53 =	vld [tilespmem:s19+$0x300];
	v2 =	vperm.xlane v0, v2;
	v31 =	vcvt.s32.f32 v59;
	v39 =	vsub.f32 v55, v43  }
0x16d: {  	v58 =	vcvt.s32.f32 v40;
	v59 =	vld [tilespmem:s19+$0x280];
	v40 =	vperm.xlane v0, v40;
	s19 =	sor.u32 s20, s21;
	v45 =	vsub.f32 v56, v45  }
0x16e: {  	v43 =	vsub.f32 v57, v4;
	v4 =	vld [tilespmem:s19+$0x8080];
	v51 =	vmul.f32 v61, v37;
	v41 =	vmul.f32 v39, v41  }
0x16f: {  	v5 =	vld [tilespmem:s19+$0x8300];
	v60 =	vsub.f32 v62, v60;
	v61 =	vperm.xlane v0, v44;
	v32 =	vmul.f32 v45, v32  }
0x170: {  	v62 =	vld [tilespmem:s19+$0x8000];
	v37 =	vsub.f32 v63, v31;
	v46 =	vmul.f32 v43, v36;
	v55 =	vperm.xlane v0, v54  }
0x171: {  	v63 =	vld [tilespmem:s22+$0x0];
	v31 =	vadd.f32 v38, v1;
	v39 =	vmul.f32 v41, v39;
	v2 =	vmul.f32 v60, v2  }
0x172: {  	v1 =	vld [tilespmem:s19+$0x8100];
	v41 =	vmul.f32 v32, v45;
	v45 =	vmul.f32 v37, v42;
	v44 =	vsub.f32 v59, v58  }
0x173: {  	v42 =	vsub.f32 v53, v52;
	v52 =	vld [tilespmem:s19+$0x8180];
	v56 =	vmul.f32 v2, v60;
	v2 =	vcvt.s32.f32 v54  }
0x174: {  	v32 =	vadd.f32 v33, v3;
	v33 =	vld [tilespmem:s19+$0x8200];
	v50 =	vperm.xlane v0, v4;
	v59 =	vcvt.s32.f32 v5  }
0x175: {  	v34 =	vimm.f32 $0.0e+00;
	v47 =	vmul.f32 v44, v40;
	v48 =	vperm.xlane v0, v62  }
0x176: {  	v3 =	vcvt.s32.f32 v62;
	v40 =	vld [tilespmem:s19+$0x8280];
	v49 =	vmul.f32 v42, v61;
	v35 =	vsub.f32 v63, v2  }
0x177: {  	v39 =	vadd.f32 v39, v34;
	v61 =	vcvt.s32.f32 v4;
	v57 =	vcvt.s32.f32 v1  }
0x178: {  	v4 =	vadd.f32 v51, v34;
	v51 =	vld [tilespmem:s19+$0x0];
	v53 =	vperm.xlane v0, v1;
	v36 =	vmul.f32 v35, v55  }
0x179: {  	v38 =	vadd.f32 v41, v34;
	v2 =	vld [tilespmem:s19+$0x80];
	v58 =	vcvt.s32.f32 v52;
	v55 =	vcvt.s32.f32 v33  }
0x17a: {  	v1 =	vld [tilespmem:s19+$0x100];
	v41 =	vimm.f32 $0.0e+00;
	v52 =	vperm.xlane v0, v52;
	v35 =	vmul.f32 v36, v35  }
0x17b: {  	v63 =	vld [tilespmem:s19+$0x180];
	v54 =	vperm.xlane v0, v33;
	v36 =	vadd.f32 v56, v34;
	v56 =	vcvt.s32.f32 v40  }
0x17c: {  	s24 =	simm.s32 $0x20;
	s20 =	simm.s32 $0x100;
	s21 =	simm.s32 $0x30;
	v62 =	vld [tilespmem:s19+$0x200];
	v60 =	vperm.xlane v0, v40;
	v40 =	vimm.f32 $0.0e+00;
	v33 =	vadd.f32 v35, v4  }
0x17d: {  	s23 =	sand.u32 $0x1C00, s20;
	s22 =	sand.u32 $0x70, s24;
	s24 =	sor.u32 s20, s24;
	v4 =	vsub.f32 v51, v3;
	v51 =	vperm.xlane v0, v5;
	v3 =	vld [tilespmem:s19+$0x280];
	v35 =	vimm.f32 $0.0e+00  }
.LBB2_10:
0x17e: {  	p1 =	sne.s32 s21, $0x3F0;
	s24 =	sor.u32 $0x380, s24;
	v2 =	vsub.f32 v2, v61;
	v5 =	vld [tilespmem:s19+$0x300];
	s19 =	sor.u32 s22, s23;
	v6 =	vmul.f32 v45, v37;
	v7 =	vmul.f32 v46, v43  }
0x17f: {  	v8 =	vmul.f32 v47, v44;
	v61 =	vld [tilespmem:s24+$0x8000];
	v43 =	vmul.f32 v4, v48;
	v1 =	vsub.f32 v1, v57  }
0x180: {  	v9 =	vmul.f32 v49, v42;
	v57 =	vld [tilespmem:s19+$0x8000];
	v44 =	vmul.f32 v2, v50;
	v37 =	vsub.f32 v63, v58  }
0x181: {  	v49 =	vld [tilespmem:s24+$0x0];
	v4 =	vmul.f32 v43, v4;
	v42 =	vmul.f32 v1, v53;
	v43 =	vsub.f32 v62, v55  }
0x182: {  	v53 =	vld [tilespmem:s19+$0x8080];
	v2 =	vmul.f32 v44, v2;
	v45 =	vmul.f32 v37, v52;
	v44 =	vsub.f32 v3, v56  }
0x183: {  	v3 =	vld [tilespmem:s19+$0x8100];
	v1 =	vmul.f32 v42, v1;
	v46 =	vmul.f32 v43, v54;
	v42 =	vsub.f32 v5, v59  }
0x184: {  	v39 =	vadd.f32 v4, v39;
	v5 =	vld [tilespmem:s19+$0x8180];
	v50 =	vcvt.s32.f32 v61;
	v47 =	vmul.f32 v44, v60  }
0x185: {  	v38 =	vadd.f32 v2, v38;
	v48 =	vperm.xlane v0, v57;
	v4 =	vcvt.s32.f32 v57;
	v54 =	vld [tilespmem:s19+$0x8200]  }
0x186: {  	v2 =	vperm.xlane v0, v61;
	v60 =	vld [tilespmem:s19+$0x8280];
	v52 =	vsub.f32 v49, v50;
	v49 =	vmul.f32 v42, v51  }
0x187: {  	v36 =	vadd.f32 v1, v36;
	v50 =	vperm.xlane v0, v53;
	v61 =	vcvt.s32.f32 v53;
	v51 =	vld [tilespmem:s19+$0x8300]  }
0x188: {  	v34 =	vadd.f32 v6, v34;
	v10 =	vld [tilespmem:s19+$0x0];
	v57 =	vcvt.s32.f32 v3;
	v56 =	vmul.f32 v52, v2  }
.Ltmp4:
0x189: {  	v41 =	vadd.f32 v7, v41;
	v53 =	vperm.xlane v0, v3;
	v2 =	vld [tilespmem:s19+$0x80];
	v58 =	vcvt.s32.f32 v5;
	(pc) =	sbr.rel @p1 .LBB2_10-.Ltmp4, $4  }
0x18a: {  	v40 =	vadd.f32 v8, v40;
	v1 =	vld [tilespmem:s19+$0x100];
	v55 =	vcvt.s32.f32 v54;
	v3 =	vmul.f32 v56, v52  }
0x18b: {  	v35 =	vadd.f32 v9, v35;
	v52 =	vperm.xlane v0, v5;
	v63 =	vld [tilespmem:s19+$0x180];
	v56 =	vcvt.s32.f32 v60  }
0x18c: {  	s22 =	sand.u32 $0x70, s21;
	s20 =	sadd.s32 $0x80, s20;
	v54 =	vperm.xlane v0, v54;
	v62 =	vld [tilespmem:s19+$0x200];
	v59 =	vcvt.s32.f32 v51;
	v33 =	vadd.f32 v3, v33  }
0x18d: {  	s23 =	sand.u32 $0x1C00, s20;
	s24 =	sor.u32 s20, s21;
	s21 =	sadd.s32 $0x10, s21;
	v60 =	vperm.xlane v0, v60;
	v51 =	vperm.xlane v0, v51;
	v4 =	vsub.f32 v10, v4;
	v3 =	vld [tilespmem:s19+$0x280]  }
0x18e: {  	s20 =	sor.u32 $0x380, s24;
	v5 =	vld [tilespmem:s19+$0x300]  }
0x18f: {  	s24 =	sor.u32 s22, s23;
	v6 =	vld [tilespmem:s20+$0x8000]  }
0x190: {  	v2 =	vsub.f32 v2, v61;
	v8 =	vmul.f32 v45, v37;
	v9 =	vmul.f32 v46, v43;
	v7 =	vld [tilespmem:s24+$0x8000]  }
0x191: {  	v37 =	vmul.f32 v47, v44;
	v1 =	vsub.f32 v1, v57;
	v10 =	vld [tilespmem:s20+$0x0];
	v61 =	vmul.f32 v4, v48  }
0x192: {  	v42 =	vmul.f32 v49, v42;
	v44 =	vld [tilespmem:s24+$0x8080];
	v45 =	vsub.f32 v63, v58;
	v57 =	vmul.f32 v2, v50  }
0x193: {  	v48 =	vld [tilespmem:s24+$0x8100];
	v58 =	vmul.f32 v1, v53;
	v4 =	vmul.f32 v61, v4;
	v43 =	vsub.f32 v62, v55  }
0x194: {  	v49 =	vld [tilespmem:s24+$0x8180];
	v2 =	vmul.f32 v57, v2;
	v3 =	vsub.f32 v3, v56;
	v62 =	vmul.f32 v45, v52  }
0x195: {  	v46 =	vld [tilespmem:s24+$0x8200];
	v8 =	vadd.f32 v8, v34;
	v1 =	vmul.f32 v58, v1;
	v63 =	vmul.f32 v43, v54  }
0x196: {  	v61 =	vld [tilespmem:s24+$0x0];
	v5 =	vsub.f32 v5, v59;
	v59 =	vcvt.s32.f32 v6;
	v53 =	vmul.f32 v3, v60  }
0x197: {  	v9 =	vadd.f32 v9, v41;
	v54 =	vld [tilespmem:s24+$0x8300];
	v47 =	vperm.xlane v0, v7;
	v7 =	vcvt.s32.f32 v7  }
0x198: {  	v37 =	vadd.f32 v37, v40;
	v58 =	vld [tilespmem:s24+$0x80];
	v34 =	vmul.f32 v62, v45;
	v45 =	vperm.xlane v0, v44  }
0x199: {  	v2 =	vadd.f32 v2, v38;
	v38 =	vld [tilespmem:s24+$0x8280];
	v60 =	vcvt.s32.f32 v44;
	v62 =	vcvt.s32.f32 v48  }
0x19a: {  	v35 =	vadd.f32 v42, v35;
	v48 =	vperm.xlane v0, v48;
	v43 =	vmul.f32 v63, v43;
	v63 =	vld [tilespmem:s24+$0x200]  }
0x19b: {  	v57 =	vmul.f32 v5, v51;
	v10 =	vsub.f32 v10, v59;
	v59 =	vld [tilespmem:s24+$0x100];
	v7 =	vsub.f32 v61, v7  }
0x19c: {  	v4 =	vadd.f32 v4, v39;
	v56 =	vcvt.s32.f32 v49;
	v61 =	vld [tilespmem:s24+$0x180];
	v3 =	vmul.f32 v53, v3  }
0x19d: {  	v5 =	vmul.f32 v57, v5;
	v47 =	vmul.f32 v7, v47;
	v39 =	vsub.f32 v58, v60  }
0x19e: {  	v1 =	vadd.f32 v1, v36;
	v57 =	vld [tilespmem:s24+$0x300];
	v58 =	vcvt.s32.f32 v46;
	v60 =	vcvt.s32.f32 v54  }
0x19f: {  	v55 =	vld [tilespmem:s24+$0x280];
	v8 =	vadd.f32 v34, v8;
	v7 =	vmul.f32 v47, v7;
	v45 =	vmul.f32 v39, v45  }
0x1a0: {  	v47 =	vsub.f32 v63, v58;
	v63 =	vperm.xlane v0, v54;
	v41 =	vsub.f32 v59, v62  }
0x1a1: {  	v59 =	vcvt.s32.f32 v38;
	v44 =	vsub.f32 v61, v56;
	v61 =	vperm.xlane v0, v49  }
0x1a2: {  	v9 =	vadd.f32 v43, v9;
	v62 =	vperm.xlane v0, v46;
	v38 =	vperm.xlane v0, v38  }
0x1a3: {  	v54 =	vld [tilespmem:$0x1FF80];
	v39 =	vmul.f32 v45, v39;
	v36 =	vsub.f32 v57, v60;
	v4 =	vadd.f32 v7, v4  }
0x1a4: {  	v50 =	vld [tilespmem:$0x1FF70];
	v48 =	vmul.f32 v41, v48;
	v40 =	vsub.f32 v55, v59;
	v7 =	vmul.f32 v44, v61  }
0x1a5: {  	v3 =	vadd.f32 v3, v37;
	v46 =	vld [tilespmem:$0x1FF90];
	v42 =	vmul.f32 v47, v62;
	v43 =	vmul.f32 v36, v63  }
0x1a6: {  	v5 =	vadd.f32 v5, v35;
	v49 =	vld [tilespmem:$0x1FFC0];
	v41 =	vmul.f32 v48, v41;
	v38 =	vmul.f32 v40, v38  }
0x1a7: {  	v2 =	vadd.f32 v39, v2;
	v7 =	vmul.f32 v7, v44;
	v34 =	vmul.f32 v42, v47;
	v47 =	vld [tilespmem:$0x1FFA0]  }
0x1a8: {  	v48 =	vld [tilespmem:$0x1FFB0];
	v37 =	vadd.f32 $0.0e+00, v54;
	v36 =	vmul.f32 v43, v36;
	v1 =	vadd.f32 v41, v1  }
0x1a9: {  	v53 =	vld [tilespmem:$0x1FFF0];
	v44 =	vmul.f32 v38, v40;
	v7 =	vadd.f32 v7, v8;
	v45 =	vadd.f32 v34, v9  }
0x1aa: {  	v52 =	vld [tilespmem:$0x1FFE0];
	v9 =	vadd.f32 $0.0e+00, v46;
	v5 =	vadd.f32 v36, v5  }
0x1ab: {  	v51 =	vld [tilespmem:$0x1FFD0];
	v36 =	vadd.f32 $0.0e+00, v49;
	v3 =	vadd.f32 v44, v3  }
0x1ac: {  	v9 =	vadd.f32 v50, v9;
	v34 =	vadd.f32 $0.0e+00, v47  }
0x1ad: {  	v35 =	vadd.f32 $0.0e+00, v48;
	v14 =	vadd.f32 v14, v36  }
0x1ae: {  	v36 =	vadd.f32 $0.0e+00, v53;
	v9 =	vadd.f32 v18, v9  }
0x1af: {  	v11 =	vadd.f32 v11, v34;
	v12 =	vadd.f32 v12, v35  }
0x1b0: {  	v55 =	vld [tilespmem:$0x1FF60];
	v34 =	vadd.f32 $0.0e+00, v51;
	v35 =	vadd.f32 $0.0e+00, v52  }
0x1b1: {  	v16 =	vadd.f32 v16, v36;
	v14 =	vadd.f32 v22, v14  }
0x1b2: {  	v9 =	vadd.f32 v26, v9;
	v11 =	vadd.f32 v19, v11  }
0x1b3: {  	v13 =	vadd.f32 v13, v34;
	v15 =	vadd.f32 v15, v35  }
0x1b4: {  	v4 =	vpsel !p0, $0x0, v4;
	v12 =	vadd.f32 v20, v12;
	v11 =	vadd.f32 v27, v11  }
0x1b5: {  	v2 =	vpsel !p0, $0x0, v2;
	v34 =	vadd.f32 v55, v37;
	v4 =	vadd.f32 v4, v9  }
0x1b6: {  	v58 =	vperm.xlane v0, v6;
	v12 =	vadd.f32 v28, v12;
	v2 =	vadd.f32 v2, v11  }
0x1b7: {  	v1 =	vpsel !p0, $0x0, v1;
	v57 =	vadd.f32 v30, v14;
	v56 =	vadd.f32 v21, v13  }
0x1b8: {  	v7 =	vpsel !p0, $0x0, v7;
	v1 =	vadd.f32 v1, v12;
	v2 =	vadd.f32 v2, v4  }
0x1b9: {  	v59 =	vadd.f32 v23, v15;
	v7 =	vadd.f32 v7, v57  }
0x1ba: {  	v0 =	vmul.f32 v10, v58;
	v60 =	vadd.f32 v29, v56;
	v1 =	vadd.f32 v1, v2  }
0x1bb: {  	v8 =	vpsel !p0, $0x0, v45;
	v61 =	vadd.f32 v24, v16;
	v4 =	vadd.f32 v31, v59  }
0x1bc: {  	v0 =	vmul.f32 v0, v10;
	v6 =	vadd.f32 v8, v60;
	v1 =	vadd.f32 v7, v1  }
0x1bd: {  	v3 =	vpsel !p0, $0x0, v3;
	v62 =	vadd.f32 v17, v34;
	v2 =	vadd.f32 v32, v61  }
0x1be: {  	v3 =	vadd.f32 v3, v4;
	v1 =	vadd.f32 v6, v1  }
0x1bf: {  	v0 =	vadd.f32 v0, v33;
	v5 =	vpsel !p0, $0x0, v5;
	v63 =	vadd.f32 v25, v62  }
0x1c0: {  	v2 =	vadd.f32 v5, v2;
	v1 =	vadd.f32 v3, v1  }
0x1c1: {  	v0 =	vpsel !p0, $0x0, v0  }
0x1c2: {  	v0 =	vadd.f32 v0, v63;
	v1 =	vadd.f32 v2, v1;
	_ =	sdelay $0x1  }
0x1c3: {  	s16 =	sadd.s32 $0x1, s16;
	v0 =	vadd.f32 v0, v1  }
0x1c4: {  	p1 =	sne.s32 s16, s15  }
.Ltmp5:
0x1c5: {  	[tilespmem:$0x10080] =	vst v0;
	(pc) =	sbr.rel @p1 .LBB2_1-.Ltmp5, $4  }
0x1c6: {  	[hbm4b:s14+s3] =	stream.linear.scatter [tilespmem:s2], [sflag:$0x9], $0x80, $0x38;
	[tilespmem:$0x10100] =	vst v63  }
0x1c7: {  	_ =	swait.ge [sflag:s17], $0x80  }
0x1c8: {  	[sflag:s17] =	ssyncset.done $0x0  }
0x1c9: {  	[sflag:s17] =	ssyncadd.s32 $0xFFFFFF80  }
0x1ca: {  	_ =	sfence.sel $0x180000  }
0x1cb: {  	[bflag:$0x0] =	sbarrier.arrive $0xFFFF  }
0x1cc: {  	_ =	strace $0x90000047  }
0x1cd: {  	s0 =	stileid.u32;
	[bflag:$0x2] =	sbarrier.arrive $0xFFFF  }
0x1ce: {  	p0 =	sne.s32 s0, $0x0;
	s0 =	rddreg [dreg:$0x4]  }
0x1cf: {  	s0 =	sadd.s32 @!p0 $0x100000, s0  }
0x1d0: {  	[sflag:s0] =	ssyncadd.tile.s32 @!p0 $0x1;
	_ =	shalt  }
.Lfunc_end2:
_tile_overlayer_lowered:
.L_overlay_start_2:
0x1d1: {  	(tag) =	ssettag $0x2  }
0x1d2: {  	s0 =	rddreg [dreg:$0x0];
	s2 =	stileid.u32  }
0x1d3: {  	s1 =	rddreg [dreg:$0x1];
	p0 =	sne.s32 s2, $0x0  }
0x1d4: {  	s3 =	rddreg [dreg:$0x2];
	[bflag:$0x3] =	sbarrier.arrive $0xFFFF;
	s2 =	simm.s32 @!p0 $0x1C09  }
0x1d5: {  	[timem:s3], [sflag:s2] =	dma.local @!p0 [hbm:s0], s1  }
0x1d6: {  	s0 =	simm.s32 @!p0 $0x9  }
0x1d7: {  	_ =	swait.ge @!p0 [sflag:s0], s1  }
0x1d8: {  	s1 =	ssub.s32 @!p0 $0x0, s1;
	[sflag:s0] =	ssyncset.done @!p0 $0x0  }
0x1d9: {  	[sflag:s0] =	ssyncadd.s32 @!p0 s1  }
0x1da: {  	[bflag:$0x3] =	sbarrier.arrive $0xFFFF  }
0x1db: {  	_ =	shalt  }

</sc_bundles>
